<compile_context>
chip_gen: v7x
topology: tpu7x:2x2x1
jax: 0.10.2.dev20260603
libtpu: 0.0.44.dev20260713+nightly
codegen_flags: <defaults>
</compile_context>

<pallas_src>
import functools

import jax
import jax.numpy as jnp
from jax import lax
from jax.experimental import pallas as pl
from jax.experimental.pallas import tpu as pltpu
from jax.experimental.pallas import tpu_sc as plsc

N = 10000
E = 320000
D_IN = 128
D_HID = 16
D_OUT = 7

NC = 2
NS = 16
NW = NC * NS

NP = 10240
NPT = NP // NS
CH = 128
ROWS = E // CH
RPT = ROWS // NW
REM = ROWS - NW * RPT
NBUF = 6
ZR = 128


def _make_spmm(D):
    mesh = plsc.VectorSubcoreMesh(core_axis_name="c", subcore_axis_name="s")

    @functools.partial(
        pl.kernel,
        out_type=jax.ShapeDtypeStruct((NC, NP, D), jnp.float32),
        mesh=mesh,
        compiler_params=pltpu.CompilerParams(use_tc_tiling_on_sc=False),
        scratch_types=[
            pltpu.VMEM((RPT + 1, CH), jnp.int32),
            pltpu.VMEM((RPT + 1, CH), jnp.int32),
            [pltpu.VMEM((CH, D), jnp.float32) for _ in range(NBUF)],
            pltpu.VMEM((ZR, D), jnp.float32),
            pltpu.VMEM_SHARED((NP, D), jnp.float32),
            [pltpu.SemaphoreType.DMA for _ in range(NBUF)],
            [pltpu.SemaphoreType.DMA for _ in range(NBUF)],
            [pltpu.SemaphoreType.DMA for _ in range(3)],
        ],
    )
    def spmm(src_hbm, dst_hbm, x_hbm, out_hbm,
             src_v, dst_v, bufs, zbuf, acc, gsems, ssems, stage_sems):
        c = lax.axis_index("c")
        s = lax.axis_index("s")
        wid = s * NC + c
        extra = wid < REM

        base = wid * RPT + jnp.minimum(wid, REM)
        ds_ = pltpu.async_copy(src_hbm.at[pl.ds(base, RPT)],
                               src_v.at[pl.ds(0, RPT)], stage_sems[1])
        dd = pltpu.async_copy(dst_hbm.at[pl.ds(base, RPT)],
                              dst_v.at[pl.ds(0, RPT)], stage_sems[2])

        @pl.when(extra)
        def _():
            pltpu.sync_copy(src_hbm.at[pl.ds(base + RPT, 1)],
                            src_v.at[pl.ds(RPT, 1)])
            pltpu.sync_copy(dst_hbm.at[pl.ds(base + RPT, 1)],
                            dst_v.at[pl.ds(RPT, 1)])

        def zfill(i, carry):
            zbuf[i, :] = jnp.zeros((D,), jnp.float32)
            return carry

        lax.fori_loop(0, ZR, zfill, 0)
        for k in range(NPT // ZR):
            pltpu.async_copy(zbuf, acc.at[pl.ds(s * NPT + k * ZR, ZR)],
                             stage_sems[0])

        def gath(j, b):
            return pltpu.async_copy(x_hbm.at[src_v.at[j]], bufs[b], gsems[b])

        def gwait(j, b):
            pltpu.make_async_copy(x_hbm.at[src_v.at[j]], bufs[b],
                                  gsems[b]).wait()

        def scat(j, b):
            return pltpu.async_copy(bufs[b], acc.at[dst_v.at[j]], ssems[b],
                                    add=True)

        def swait(j, b):
            pltpu.make_async_copy(bufs[b], acc.at[dst_v.at[j]],
                                  ssems[b]).wait()

        ds_.wait()
        for b in range(NBUF):
            gath(b, b)
        dd.wait()
        for k in range(NPT // ZR):
            pltpu.make_async_copy(
                zbuf, acc.at[pl.ds(s * NPT + k * ZR, ZR)],
                stage_sems[0]).wait()
        plsc.subcore_barrier()

        niter = RPT // NBUF - 1

        def body(i, carry):
            j0 = NBUF * i
            for b in range(NBUF):
                gwait(j0 + b, b)
                scat(j0 + b, b)
            for b in range(NBUF):
                swait(j0 + b, b)
                gath(j0 + b + NBUF, b)
            return carry

        lax.fori_loop(0, niter, body, 0)

        j0 = NBUF * niter
        for b in range(NBUF):
            gwait(j0 + b, b)
            scat(j0 + b, b)
        for b in range(NBUF):
            swait(j0 + b, b)

        @pl.when(extra)
        def _():
            gath(RPT, 0)
            gwait(RPT, 0)
            scat(RPT, 0)
            swait(RPT, 0)

        plsc.subcore_barrier()
        pltpu.sync_copy(acc.at[pl.ds(s * NPT, NPT)],
                        out_hbm.at[c, pl.ds(s * NPT, NPT)])

    return spmm


_spmm16 = _make_spmm(D_HID)


def _mm1_body(x_ref, w_ref, o_ref):
    o_ref[...] = jnp.dot(x_ref[...], w_ref[...],
                         preferred_element_type=jnp.float32)


_mm1 = pl.pallas_call(
    _mm1_body,
    out_shape=jax.ShapeDtypeStruct((N, D_HID), jnp.float32),
)


def _mid_body(p_ref, b1_ref, w2_ref, o_ref):
    h = jnp.maximum(p_ref[0] + p_ref[1] + b1_ref[...], 0.0)
    o_ref[:, :D_OUT] = jnp.dot(h, w2_ref[...],
                               preferred_element_type=jnp.float32)
    o_ref[:, D_OUT:] = jnp.zeros((NP, D_HID - D_OUT), jnp.float32)


_mid = pl.pallas_call(
    _mid_body,
    out_shape=jax.ShapeDtypeStruct((NP, D_HID), jnp.float32),
)


def _fin_body(p_ref, b2_ref, o_ref):
    o_ref[...] = (p_ref[0, :N, :D_OUT] + p_ref[1, :N, :D_OUT]
                  + b2_ref[...])


_fin = pl.pallas_call(
    _fin_body,
    out_shape=jax.ShapeDtypeStruct((N, D_OUT), jnp.float32),
)


def kernel(adjacency, feature, W1, b1, W2, b2):
    src2 = adjacency[0].astype(jnp.int32).reshape(ROWS, CH)
    dst2 = adjacency[1].astype(jnp.int32).reshape(ROWS, CH)

    support1 = _mm1(feature, W1)
    part1 = _spmm16(src2, dst2, support1)
    support2 = _mid(part1, b1.reshape(1, D_HID), W2)
    part2 = _spmm16(src2, dst2, support2)
    logits = _fin(part2, b2.reshape(1, D_OUT))
    return logits

# --- scband reference (transcript-rebuilt; emitter-appended) ---
"""Pipeline reference for scband-gcnnet-8108898254916 (READ-ONLY COPY).

The authoritative reference and input builder live on the scoring server;
editing this copy changes nothing except your own understanding.
"""

import jax, jax.numpy as jnp
import numpy as np

N = 10000
E = 320000
D_IN = 128
D_HID = 16
D_OUT = 7


def setup_inputs(seed: int = 0) -> dict:
    key = jax.random.key(seed)
    k1, k2, k3, k4, k5 = jax.random.split(key, 5)
    adjacency = jax.random.randint(k1, (2, E), 0, N)
    feature = jax.random.normal(k2, (N, D_IN), dtype=jnp.float32)
    W1 = jax.random.normal(k3, (D_IN, D_HID), dtype=jnp.float32) * (1.0 / np.sqrt(D_IN))
    b1 = jnp.zeros((D_HID,), dtype=jnp.float32)
    W2 = jax.random.normal(k4, (D_HID, D_OUT), dtype=jnp.float32) * (1.0 / np.sqrt(D_HID))
    b2 = jnp.zeros((D_OUT,), dtype=jnp.float32)
    return {"adjacency": adjacency, "feature": feature, "W1": W1, "b1": b1, "W2": W2, "b2": b2}


def _spmm(adjacency, x, n_nodes):
    # adjacency @ x where adjacency is given as an edge list [2, E] (src, dst).
    src = adjacency[0]
    dst = adjacency[1]
    gathered = jnp.take(x, src, axis=0)
    return jax.ops.segment_sum(gathered, dst, num_segments=n_nodes)


def reference(adjacency, feature, W1, b1, W2, b2):
    # Layer 1: GraphConvolution -> support = X @ W1; out = A @ support + b1; ReLU
    support1 = feature @ W1
    h = jax.nn.relu(_spmm(adjacency, support1, feature.shape[0]) + b1)
    # Layer 2: GraphConvolution -> logits = A @ (h @ W2) + b2
    support2 = h @ W2
    logits = _spmm(adjacency, support2, feature.shape[0]) + b2
    return logits

if __name__ == "__main__":
    import jax
    _d = setup_inputs()
    print(jax.jit(kernel)(*tuple(_d.values())))

</pallas_src>

<mosaic_0001>
#map = affine_map<(d0, d1) -> (0, 0)>
#map1 = affine_map<(d0, d1) -> (0, 0, 0)>
module attributes {stable_mosaic.version = 14 : i64} {
  func.func @spmm(%arg0: i32, %arg1: i32, %arg2: memref<2500x128xi32, #tpu.memory_space<hbm>>, %arg3: memref<2500x128xi32, #tpu.memory_space<hbm>>, %arg4: memref<10000x16xf32, #tpu.memory_space<hbm>>, %arg5: memref<2x10240x16xf32, #tpu.memory_space<hbm>>, %arg6: memref<79x128xi32, #tpu.memory_space<vmem>>, %arg7: memref<79x128xi32, #tpu.memory_space<vmem>>, %arg8: memref<128x16xf32, #tpu.memory_space<vmem>>, %arg9: memref<128x16xf32, #tpu.memory_space<vmem>>, %arg10: memref<128x16xf32, #tpu.memory_space<vmem>>, %arg11: memref<128x16xf32, #tpu.memory_space<vmem>>, %arg12: memref<128x16xf32, #tpu.memory_space<vmem>>, %arg13: memref<128x16xf32, #tpu.memory_space<vmem>>, %arg14: memref<128x16xf32, #tpu.memory_space<vmem>>, %arg15: memref<10240x16xf32, #tpu.memory_space<vmem_shared>>, %arg16: memref<!tpu.dma_semaphore, #tpu.memory_space<semaphore_mem>>, %arg17: memref<!tpu.dma_semaphore, #tpu.memory_space<semaphore_mem>>, %arg18: memref<!tpu.dma_semaphore, #tpu.memory_space<semaphore_mem>>, %arg19: memref<!tpu.dma_semaphore, #tpu.memory_space<semaphore_mem>>, %arg20: memref<!tpu.dma_semaphore, #tpu.memory_space<semaphore_mem>>, %arg21: memref<!tpu.dma_semaphore, #tpu.memory_space<semaphore_mem>>, %arg22: memref<!tpu.dma_semaphore, #tpu.memory_space<semaphore_mem>>, %arg23: memref<!tpu.dma_semaphore, #tpu.memory_space<semaphore_mem>>, %arg24: memref<!tpu.dma_semaphore, #tpu.memory_space<semaphore_mem>>, %arg25: memref<!tpu.dma_semaphore, #tpu.memory_space<semaphore_mem>>, %arg26: memref<!tpu.dma_semaphore, #tpu.memory_space<semaphore_mem>>, %arg27: memref<!tpu.dma_semaphore, #tpu.memory_space<semaphore_mem>>, %arg28: memref<!tpu.dma_semaphore, #tpu.memory_space<semaphore_mem>>, %arg29: memref<!tpu.dma_semaphore, #tpu.memory_space<semaphore_mem>>, %arg30: memref<!tpu.dma_semaphore, #tpu.memory_space<semaphore_mem>>) attributes {dimension_semantics = [#tpu.dimension_semantics<core_parallel>, #tpu.dimension_semantics<subcore_parallel>], iteration_bounds = array<i64: 2, 16>, scalar_prefetch = 0 : i64, scratch_operands = 25 : i64, tpu.core_type = #tpu.core_type<sc_vector_subcore>, window_params = [{transform_indices = #map}, {transform_indices = #map}, {transform_indices = #map}, {transform_indices = #map1}]} {
    %mul3A = arith.constant 2 : i32
    %mul3A_0 = arith.muli %arg1, %mul3A : i32
    %add3A = arith.addi %mul3A_0, %arg0 : i32
    %lt3A = arith.constant 4 : i32
    %lt3A_1 = arith.cmpi slt, %add3A, %lt3A : i32
    %mul3A_2 = arith.constant 78 : i32
    %mul3A_3 = arith.muli %add3A, %mul3A_2 : i32
    %min3A = arith.constant 4 : i32
    %min3A_4 = arith.minsi %add3A, %min3A : i32
    %add3A_5 = arith.addi %mul3A_3, %min3A_4 : i32
    %dma_start3A = arith.constant 0 : i32
    %dma_start3A_6 = arith.constant 0 : i32
    %dma_start3A_7 = tpu.memref_slice %arg6[%dma_start3A, %dma_start3A_6] : memref<79x128xi32, #tpu.memory_space<vmem>> -> memref<78x128xi32, #tpu.memory_space<vmem>>
    %dma_start3A_8 = arith.constant 0 : i32
    %dma_start3A_9 = tpu.memref_slice %arg2[%add3A_5, %dma_start3A_8] : memref<2500x128xi32, #tpu.memory_space<hbm>> -> memref<78x128xi32, #tpu.memory_space<hbm>>
    %dma_start3A_10 = arith.constant 0 : i32
    %dma_start3A_11 = arith.constant 0 : i32
    %dma_start3A_12 = tpu.memref_slice %arg6[%dma_start3A_10, %dma_start3A_11] : memref<79x128xi32, #tpu.memory_space<vmem>> -> memref<78x128xi32, #tpu.memory_space<vmem>>
    %dma_start3A_13 = arith.constant 0 : i32
    %dma_start3A_14 = tpu.memref_slice %arg2[%add3A_5, %dma_start3A_13] : memref<2500x128xi32, #tpu.memory_space<hbm>> -> memref<78x128xi32, #tpu.memory_space<hbm>>
    tpu.enqueue_dma source(%dma_start3A_14 : memref<78x128xi32, #tpu.memory_space<hbm>>) target(%dma_start3A_12 : memref<78x128xi32, #tpu.memory_space<vmem>>) target_semaphore(%arg29 : memref<!tpu.dma_semaphore, #tpu.memory_space<semaphore_mem>>)
    %dma_start3A_15 = arith.constant 0 : i32
    %dma_start3A_16 = arith.constant 0 : i32
    %dma_start3A_17 = tpu.memref_slice %arg7[%dma_start3A_15, %dma_start3A_16] : memref<79x128xi32, #tpu.memory_space<vmem>> -> memref<78x128xi32, #tpu.memory_space<vmem>>
    %dma_start3A_18 = arith.constant 0 : i32
    %dma_start3A_19 = tpu.memref_slice %arg3[%add3A_5, %dma_start3A_18] : memref<2500x128xi32, #tpu.memory_space<hbm>> -> memref<78x128xi32, #tpu.memory_space<hbm>>
    %dma_start3A_20 = arith.constant 0 : i32
    %dma_start3A_21 = arith.constant 0 : i32
    %dma_start3A_22 = tpu.memref_slice %arg7[%dma_start3A_20, %dma_start3A_21] : memref<79x128xi32, #tpu.memory_space<vmem>> -> memref<78x128xi32, #tpu.memory_space<vmem>>
    %dma_start3A_23 = arith.constant 0 : i32
    %dma_start3A_24 = tpu.memref_slice %arg3[%add3A_5, %dma_start3A_23] : memref<2500x128xi32, #tpu.memory_space<hbm>> -> memref<78x128xi32, #tpu.memory_space<hbm>>
    tpu.enqueue_dma source(%dma_start3A_24 : memref<78x128xi32, #tpu.memory_space<hbm>>) target(%dma_start3A_22 : memref<78x128xi32, #tpu.memory_space<vmem>>) target_semaphore(%arg30 : memref<!tpu.dma_semaphore, #tpu.memory_space<semaphore_mem>>)
    %convert_element_type3A = arith.extui %lt3A_1 : i1 to i32
    %cond3A = arith.constant 0 : i32
    %cond3A_25 = arith.cmpi ne, %convert_element_type3A, %cond3A : i32
    scf.if %cond3A_25 {
      %add3A_312 = arith.constant 78 : i32
      %add3A_313 = arith.addi %add3A_5, %add3A_312 : i32
      "tpu.region"() ({
        %run_scoped3A = tpu.sem_alloc : memref<!tpu.dma_semaphore, #tpu.memory_space<semaphore_mem>>
        %dma_start3A_316 = arith.constant 78 : i32
        %dma_start3A_317 = arith.constant 0 : i32
        %dma_start3A_318 = tpu.memref_slice %arg6[%dma_start3A_316, %dma_start3A_317] : memref<79x128xi32, #tpu.memory_space<vmem>> -> memref<1x128xi32, #tpu.memory_space<vmem>>
        %dma_start3A_319 = arith.constant 0 : i32
        %dma_start3A_320 = tpu.memref_slice %arg2[%add3A_313, %dma_start3A_319] : memref<2500x128xi32, #tpu.memory_space<hbm>> -> memref<1x128xi32, #tpu.memory_space<hbm>>
        %dma_start3A_321 = arith.constant 78 : i32
        %dma_start3A_322 = arith.constant 0 : i32
        %dma_start3A_323 = tpu.memref_slice %arg6[%dma_start3A_321, %dma_start3A_322] : memref<79x128xi32, #tpu.memory_space<vmem>> -> memref<1x128xi32, #tpu.memory_space<vmem>>
        %dma_start3A_324 = arith.constant 0 : i32
        %dma_start3A_325 = tpu.memref_slice %arg2[%add3A_313, %dma_start3A_324] : memref<2500x128xi32, #tpu.memory_space<hbm>> -> memref<1x128xi32, #tpu.memory_space<hbm>>
        tpu.enqueue_dma source(%dma_start3A_325 : memref<1x128xi32, #tpu.memory_space<hbm>>) target(%dma_start3A_323 : memref<1x128xi32, #tpu.memory_space<vmem>>) target_semaphore(%run_scoped3A : memref<!tpu.dma_semaphore, #tpu.memory_space<semaphore_mem>>)
        %dma_wait3A_326 = arith.constant 78 : i32
        %dma_wait3A_327 = arith.constant 0 : i32
        %dma_wait3A_328 = tpu.memref_slice %arg6[%dma_wait3A_326, %dma_wait3A_327] : memref<79x128xi32, #tpu.memory_space<vmem>> -> memref<1x128xi32, #tpu.memory_space<vmem>>
        %dma_wait3A_329 = arith.constant 0 : i32
        %dma_wait3A_330 = tpu.memref_slice %arg2[%add3A_313, %dma_wait3A_329] : memref<2500x128xi32, #tpu.memory_space<hbm>> -> memref<1x128xi32, #tpu.memory_space<hbm>>
        %dma_wait3A_331 = arith.constant 78 : i32
        %dma_wait3A_332 = arith.constant 0 : i32
        %dma_wait3A_333 = tpu.memref_slice %arg6[%dma_wait3A_331, %dma_wait3A_332] : memref<79x128xi32, #tpu.memory_space<vmem>> -> memref<1x128xi32, #tpu.memory_space<vmem>>
        %dma_wait3A_334 = arith.constant 0 : i32
        %dma_wait3A_335 = tpu.memref_slice %arg2[%add3A_313, %dma_wait3A_334] : memref<2500x128xi32, #tpu.memory_space<hbm>> -> memref<1x128xi32, #tpu.memory_space<hbm>>
        tpu.wait_dma2 semaphore(%run_scoped3A : memref<!tpu.dma_semaphore, #tpu.memory_space<semaphore_mem>>) src(%dma_wait3A_335 : memref<1x128xi32, #tpu.memory_space<hbm>>) dst(%dma_wait3A_333 : memref<1x128xi32, #tpu.memory_space<vmem>>)
        tpu.yield
      }) : () -> ()
      %add3A_314 = arith.constant 78 : i32
      %add3A_315 = arith.addi %add3A_5, %add3A_314 : i32
      "tpu.region"() ({
        %run_scoped3A = tpu.sem_alloc : memref<!tpu.dma_semaphore, #tpu.memory_space<semaphore_mem>>
        %dma_start3A_316 = arith.constant 78 : i32
        %dma_start3A_317 = arith.constant 0 : i32
        %dma_start3A_318 = tpu.memref_slice %arg7[%dma_start3A_316, %dma_start3A_317] : memref<79x128xi32, #tpu.memory_space<vmem>> -> memref<1x128xi32, #tpu.memory_space<vmem>>
        %dma_start3A_319 = arith.constant 0 : i32
        %dma_start3A_320 = tpu.memref_slice %arg3[%add3A_315, %dma_start3A_319] : memref<2500x128xi32, #tpu.memory_space<hbm>> -> memref<1x128xi32, #tpu.memory_space<hbm>>
        %dma_start3A_321 = arith.constant 78 : i32
        %dma_start3A_322 = arith.constant 0 : i32
        %dma_start3A_323 = tpu.memref_slice %arg7[%dma_start3A_321, %dma_start3A_322] : memref<79x128xi32, #tpu.memory_space<vmem>> -> memref<1x128xi32, #tpu.memory_space<vmem>>
        %dma_start3A_324 = arith.constant 0 : i32
        %dma_start3A_325 = tpu.memref_slice %arg3[%add3A_315, %dma_start3A_324] : memref<2500x128xi32, #tpu.memory_space<hbm>> -> memref<1x128xi32, #tpu.memory_space<hbm>>
        tpu.enqueue_dma source(%dma_start3A_325 : memref<1x128xi32, #tpu.memory_space<hbm>>) target(%dma_start3A_323 : memref<1x128xi32, #tpu.memory_space<vmem>>) target_semaphore(%run_scoped3A : memref<!tpu.dma_semaphore, #tpu.memory_space<semaphore_mem>>)
        %dma_wait3A_326 = arith.constant 78 : i32
        %dma_wait3A_327 = arith.constant 0 : i32
        %dma_wait3A_328 = tpu.memref_slice %arg7[%dma_wait3A_326, %dma_wait3A_327] : memref<79x128xi32, #tpu.memory_space<vmem>> -> memref<1x128xi32, #tpu.memory_space<vmem>>
        %dma_wait3A_329 = arith.constant 0 : i32
        %dma_wait3A_330 = tpu.memref_slice %arg3[%add3A_315, %dma_wait3A_329] : memref<2500x128xi32, #tpu.memory_space<hbm>> -> memref<1x128xi32, #tpu.memory_space<hbm>>
        %dma_wait3A_331 = arith.constant 78 : i32
        %dma_wait3A_332 = arith.constant 0 : i32
        %dma_wait3A_333 = tpu.memref_slice %arg7[%dma_wait3A_331, %dma_wait3A_332] : memref<79x128xi32, #tpu.memory_space<vmem>> -> memref<1x128xi32, #tpu.memory_space<vmem>>
        %dma_wait3A_334 = arith.constant 0 : i32
        %dma_wait3A_335 = tpu.memref_slice %arg3[%add3A_315, %dma_wait3A_334] : memref<2500x128xi32, #tpu.memory_space<hbm>> -> memref<1x128xi32, #tpu.memory_space<hbm>>
        tpu.wait_dma2 semaphore(%run_scoped3A : memref<!tpu.dma_semaphore, #tpu.memory_space<semaphore_mem>>) src(%dma_wait3A_335 : memref<1x128xi32, #tpu.memory_space<hbm>>) dst(%dma_wait3A_333 : memref<1x128xi32, #tpu.memory_space<vmem>>)
        tpu.yield
      }) : () -> ()
    } else {
    }
    %scan3A = arith.constant 0 : i32
    %scan3A_26 = arith.constant 0 : i32
    %scan3A_27 = arith.constant 128 : i32
    %scan3A_28 = arith.addi %scan3A_26, %scan3A_27 : i32
    %scan3A_29 = arith.constant 1 : i32
    scf.for %scan3A_312 = %scan3A_26 to %scan3A_28 step %scan3A_29  : i32 {
      %broadcast_in_dim3A = arith.constant 0.000000e+00 : f32
      %broadcast_in_dim3A_313 = vector.broadcast %broadcast_in_dim3A : f32 to vector<16xf32>
      %swap3A = arith.index_cast %scan3A_312 : i32 to index
      %swap3A_314 = arith.constant 0 : index
      %swap3A_315 = tpu.vector_load %arg14[%swap3A, %swap3A_314] {strides = array<i32>} : memref<128x16xf32, #tpu.memory_space<vmem>>, vector<1x16xf32>,
      %swap3A_316 = vector.shape_cast %swap3A_315 : vector<1x16xf32> to vector<16xf32>
      %swap3A_317 = vector.shape_cast %broadcast_in_dim3A_313 : vector<16xf32> to vector<1x16xf32>
      tpu.vector_store %arg14[%swap3A, %swap3A_314], %swap3A_317 {strides = array<i32>} : memref<128x16xf32, #tpu.memory_space<vmem>>, vector<1x16xf32>,
    }
    %scan3A_30 = arith.constant 128 : i32
    %mul3A_31 = arith.constant 640 : i32
    %mul3A_32 = arith.muli %arg1, %mul3A_31 : i32
    %add3A_33 = arith.constant 0 : i32
    %add3A_34 = arith.addi %mul3A_32, %add3A_33 : i32
    %dma_start3A_35 = arith.constant 0 : i32
    %dma_start3A_36 = tpu.memref_slice %arg15[%add3A_34, %dma_start3A_35] : memref<10240x16xf32, #tpu.memory_space<vmem_shared>> -> memref<128x16xf32, #tpu.memory_space<vmem_shared>>
    %dma_start3A_37 = arith.constant 0 : i32
    %dma_start3A_38 = tpu.memref_slice %arg15[%add3A_34, %dma_start3A_37] : memref<10240x16xf32, #tpu.memory_space<vmem_shared>> -> memref<128x16xf32, #tpu.memory_space<vmem_shared>>
    tpu.enqueue_dma source(%arg14 : memref<128x16xf32, #tpu.memory_space<vmem>>) target(%dma_start3A_38 : memref<128x16xf32, #tpu.memory_space<vmem_shared>>) target_semaphore(%arg28 : memref<!tpu.dma_semaphore, #tpu.memory_space<semaphore_mem>>)
    %mul3A_39 = arith.constant 640 : i32
    %mul3A_40 = arith.muli %arg1, %mul3A_39 : i32
    %add3A_41 = arith.constant 128 : i32
    %add3A_42 = arith.addi %mul3A_40, %add3A_41 : i32
    %dma_start3A_43 = arith.constant 0 : i32
    %dma_start3A_44 = tpu.memref_slice %arg15[%add3A_42, %dma_start3A_43] : memref<10240x16xf32, #tpu.memory_space<vmem_shared>> -> memref<128x16xf32, #tpu.memory_space<vmem_shared>>
    %dma_start3A_45 = arith.constant 0 : i32
    %dma_start3A_46 = tpu.memref_slice %arg15[%add3A_42, %dma_start3A_45] : memref<10240x16xf32, #tpu.memory_space<vmem_shared>> -> memref<128x16xf32, #tpu.memory_space<vmem_shared>>
    tpu.enqueue_dma source(%arg14 : memref<128x16xf32, #tpu.memory_space<vmem>>) target(%dma_start3A_46 : memref<128x16xf32, #tpu.memory_space<vmem_shared>>) target_semaphore(%arg28 : memref<!tpu.dma_semaphore, #tpu.memory_space<semaphore_mem>>)
    %mul3A_47 = arith.constant 640 : i32
    %mul3A_48 = arith.muli %arg1, %mul3A_47 : i32
    %add3A_49 = arith.constant 256 : i32
    %add3A_50 = arith.addi %mul3A_48, %add3A_49 : i32
    %dma_start3A_51 = arith.constant 0 : i32
    %dma_start3A_52 = tpu.memref_slice %arg15[%add3A_50, %dma_start3A_51] : memref<10240x16xf32, #tpu.memory_space<vmem_shared>> -> memref<128x16xf32, #tpu.memory_space<vmem_shared>>
    %dma_start3A_53 = arith.constant 0 : i32
    %dma_start3A_54 = tpu.memref_slice %arg15[%add3A_50, %dma_start3A_53] : memref<10240x16xf32, #tpu.memory_space<vmem_shared>> -> memref<128x16xf32, #tpu.memory_space<vmem_shared>>
    tpu.enqueue_dma source(%arg14 : memref<128x16xf32, #tpu.memory_space<vmem>>) target(%dma_start3A_54 : memref<128x16xf32, #tpu.memory_space<vmem_shared>>) target_semaphore(%arg28 : memref<!tpu.dma_semaphore, #tpu.memory_space<semaphore_mem>>)
    %mul3A_55 = arith.constant 640 : i32
    %mul3A_56 = arith.muli %arg1, %mul3A_55 : i32
    %add3A_57 = arith.constant 384 : i32
    %add3A_58 = arith.addi %mul3A_56, %add3A_57 : i32
    %dma_start3A_59 = arith.constant 0 : i32
    %dma_start3A_60 = tpu.memref_slice %arg15[%add3A_58, %dma_start3A_59] : memref<10240x16xf32, #tpu.memory_space<vmem_shared>> -> memref<128x16xf32, #tpu.memory_space<vmem_shared>>
    %dma_start3A_61 = arith.constant 0 : i32
    %dma_start3A_62 = tpu.memref_slice %arg15[%add3A_58, %dma_start3A_61] : memref<10240x16xf32, #tpu.memory_space<vmem_shared>> -> memref<128x16xf32, #tpu.memory_space<vmem_shared>>
    tpu.enqueue_dma source(%arg14 : memref<128x16xf32, #tpu.memory_space<vmem>>) target(%dma_start3A_62 : memref<128x16xf32, #tpu.memory_space<vmem_shared>>) target_semaphore(%arg28 : memref<!tpu.dma_semaphore, #tpu.memory_space<semaphore_mem>>)
    %mul3A_63 = arith.constant 640 : i32
    %mul3A_64 = arith.muli %arg1, %mul3A_63 : i32
    %add3A_65 = arith.constant 512 : i32
    %add3A_66 = arith.addi %mul3A_64, %add3A_65 : i32
    %dma_start3A_67 = arith.constant 0 : i32
    %dma_start3A_68 = tpu.memref_slice %arg15[%add3A_66, %dma_start3A_67] : memref<10240x16xf32, #tpu.memory_space<vmem_shared>> -> memref<128x16xf32, #tpu.memory_space<vmem_shared>>
    %dma_start3A_69 = arith.constant 0 : i32
    %dma_start3A_70 = tpu.memref_slice %arg15[%add3A_66, %dma_start3A_69] : memref<10240x16xf32, #tpu.memory_space<vmem_shared>> -> memref<128x16xf32, #tpu.memory_space<vmem_shared>>
    tpu.enqueue_dma source(%arg14 : memref<128x16xf32, #tpu.memory_space<vmem>>) target(%dma_start3A_70 : memref<128x16xf32, #tpu.memory_space<vmem_shared>>) target_semaphore(%arg28 : memref<!tpu.dma_semaphore, #tpu.memory_space<semaphore_mem>>)
    %dma_wait3A = arith.constant 0 : i32
    %dma_wait3A_71 = arith.constant 0 : i32
    %dma_wait3A_72 = tpu.memref_slice %arg6[%dma_wait3A, %dma_wait3A_71] : memref<79x128xi32, #tpu.memory_space<vmem>> -> memref<78x128xi32, #tpu.memory_space<vmem>>
    %dma_wait3A_73 = arith.constant 0 : i32
    %dma_wait3A_74 = tpu.memref_slice %arg2[%add3A_5, %dma_wait3A_73] : memref<2500x128xi32, #tpu.memory_space<hbm>> -> memref<78x128xi32, #tpu.memory_space<hbm>>
    %dma_wait3A_75 = arith.constant 0 : i32
    %dma_wait3A_76 = arith.constant 0 : i32
    %dma_wait3A_77 = tpu.memref_slice %arg6[%dma_wait3A_75, %dma_wait3A_76] : memref<79x128xi32, #tpu.memory_space<vmem>> -> memref<78x128xi32, #tpu.memory_space<vmem>>
    %dma_wait3A_78 = arith.constant 0 : i32
    %dma_wait3A_79 = tpu.memref_slice %arg2[%add3A_5, %dma_wait3A_78] : memref<2500x128xi32, #tpu.memory_space<hbm>> -> memref<78x128xi32, #tpu.memory_space<hbm>>
    tpu.wait_dma2 semaphore(%arg29 : memref<!tpu.dma_semaphore, #tpu.memory_space<semaphore_mem>>) src(%dma_wait3A_79 : memref<78x128xi32, #tpu.memory_space<hbm>>) dst(%dma_wait3A_77 : memref<78x128xi32, #tpu.memory_space<vmem>>)
    %dma_start3A_80 = arith.constant 0 : i32
    %dma_start3A_81 = arith.constant 0 : i32
    %dma_start3A_82 = tpu.memref_slice %arg6[%dma_start3A_80, %dma_start3A_81] : memref<79x128xi32, #tpu.memory_space<vmem>> -> memref<1x128xi32, #tpu.memory_space<vmem>>
    %dma_start3A_83 = tpu.memref_squeeze %dma_start3A_82 : memref<1x128xi32, #tpu.memory_space<vmem>> -> memref<128xi32, #tpu.memory_space<vmem>>
    %dma_start3A_84 = arith.constant 0 : i32
    %dma_start3A_85 = arith.constant 0 : i32
    %dma_start3A_86 = tpu.memref_slice %arg4[%dma_start3A_84, %dma_start3A_85] : memref<10000x16xf32, #tpu.memory_space<hbm>> -> memref<10000x16xf32, #tpu.memory_space<hbm>>
    tpu.enqueue_indirect_dma source(%dma_start3A_86 : memref<10000x16xf32, #tpu.memory_space<hbm>>) target(%arg8 : memref<128x16xf32, #tpu.memory_space<vmem>>) offsets(%dma_start3A_83 : memref<128xi32, #tpu.memory_space<vmem>>) semaphore(%arg16 : memref<!tpu.dma_semaphore, #tpu.memory_space<semaphore_mem>>)
    %dma_start3A_87 = arith.constant 1 : i32
    %dma_start3A_88 = arith.constant 0 : i32
    %dma_start3A_89 = tpu.memref_slice %arg6[%dma_start3A_87, %dma_start3A_88] : memref<79x128xi32, #tpu.memory_space<vmem>> -> memref<1x128xi32, #tpu.memory_space<vmem>>
    %dma_start3A_90 = tpu.memref_squeeze %dma_start3A_89 : memref<1x128xi32, #tpu.memory_space<vmem>> -> memref<128xi32, #tpu.memory_space<vmem>>
    %dma_start3A_91 = arith.constant 0 : i32
    %dma_start3A_92 = arith.constant 0 : i32
    %dma_start3A_93 = tpu.memref_slice %arg4[%dma_start3A_91, %dma_start3A_92] : memref<10000x16xf32, #tpu.memory_space<hbm>> -> memref<10000x16xf32, #tpu.memory_space<hbm>>
    tpu.enqueue_indirect_dma source(%dma_start3A_93 : memref<10000x16xf32, #tpu.memory_space<hbm>>) target(%arg9 : memref<128x16xf32, #tpu.memory_space<vmem>>) offsets(%dma_start3A_90 : memref<128xi32, #tpu.memory_space<vmem>>) semaphore(%arg17 : memref<!tpu.dma_semaphore, #tpu.memory_space<semaphore_mem>>)
    %dma_start3A_94 = arith.constant 2 : i32
    %dma_start3A_95 = arith.constant 0 : i32
    %dma_start3A_96 = tpu.memref_slice %arg6[%dma_start3A_94, %dma_start3A_95] : memref<79x128xi32, #tpu.memory_space<vmem>> -> memref<1x128xi32, #tpu.memory_space<vmem>>
    %dma_start3A_97 = tpu.memref_squeeze %dma_start3A_96 : memref<1x128xi32, #tpu.memory_space<vmem>> -> memref<128xi32, #tpu.memory_space<vmem>>
    %dma_start3A_98 = arith.constant 0 : i32
    %dma_start3A_99 = arith.constant 0 : i32
    %dma_start3A_100 = tpu.memref_slice %arg4[%dma_start3A_98, %dma_start3A_99] : memref<10000x16xf32, #tpu.memory_space<hbm>> -> memref<10000x16xf32, #tpu.memory_space<hbm>>
    tpu.enqueue_indirect_dma source(%dma_start3A_100 : memref<10000x16xf32, #tpu.memory_space<hbm>>) target(%arg10 : memref<128x16xf32, #tpu.memory_space<vmem>>) offsets(%dma_start3A_97 : memref<128xi32, #tpu.memory_space<vmem>>) semaphore(%arg18 : memref<!tpu.dma_semaphore, #tpu.memory_space<semaphore_mem>>)
    %dma_start3A_101 = arith.constant 3 : i32
    %dma_start3A_102 = arith.constant 0 : i32
    %dma_start3A_103 = tpu.memref_slice %arg6[%dma_start3A_101, %dma_start3A_102] : memref<79x128xi32, #tpu.memory_space<vmem>> -> memref<1x128xi32, #tpu.memory_space<vmem>>
    %dma_start3A_104 = tpu.memref_squeeze %dma_start3A_103 : memref<1x128xi32, #tpu.memory_space<vmem>> -> memref<128xi32, #tpu.memory_space<vmem>>
    %dma_start3A_105 = arith.constant 0 : i32
    %dma_start3A_106 = arith.constant 0 : i32
    %dma_start3A_107 = tpu.memref_slice %arg4[%dma_start3A_105, %dma_start3A_106] : memref<10000x16xf32, #tpu.memory_space<hbm>> -> memref<10000x16xf32, #tpu.memory_space<hbm>>
    tpu.enqueue_indirect_dma source(%dma_start3A_107 : memref<10000x16xf32, #tpu.memory_space<hbm>>) target(%arg11 : memref<128x16xf32, #tpu.memory_space<vmem>>) offsets(%dma_start3A_104 : memref<128xi32, #tpu.memory_space<vmem>>) semaphore(%arg19 : memref<!tpu.dma_semaphore, #tpu.memory_space<semaphore_mem>>)
    %dma_start3A_108 = arith.constant 4 : i32
    %dma_start3A_109 = arith.constant 0 : i32
    %dma_start3A_110 = tpu.memref_slice %arg6[%dma_start3A_108, %dma_start3A_109] : memref<79x128xi32, #tpu.memory_space<vmem>> -> memref<1x128xi32, #tpu.memory_space<vmem>>
    %dma_start3A_111 = tpu.memref_squeeze %dma_start3A_110 : memref<1x128xi32, #tpu.memory_space<vmem>> -> memref<128xi32, #tpu.memory_space<vmem>>
    %dma_start3A_112 = arith.constant 0 : i32
    %dma_start3A_113 = arith.constant 0 : i32
    %dma_start3A_114 = tpu.memref_slice %arg4[%dma_start3A_112, %dma_start3A_113] : memref<10000x16xf32, #tpu.memory_space<hbm>> -> memref<10000x16xf32, #tpu.memory_space<hbm>>
    tpu.enqueue_indirect_dma source(%dma_start3A_114 : memref<10000x16xf32, #tpu.memory_space<hbm>>) target(%arg12 : memref<128x16xf32, #tpu.memory_space<vmem>>) offsets(%dma_start3A_111 : memref<128xi32, #tpu.memory_space<vmem>>) semaphore(%arg20 : memref<!tpu.dma_semaphore, #tpu.memory_space<semaphore_mem>>)
    %dma_start3A_115 = arith.constant 5 : i32
    %dma_start3A_116 = arith.constant 0 : i32
    %dma_start3A_117 = tpu.memref_slice %arg6[%dma_start3A_115, %dma_start3A_116] : memref<79x128xi32, #tpu.memory_space<vmem>> -> memref<1x128xi32, #tpu.memory_space<vmem>>
    %dma_start3A_118 = tpu.memref_squeeze %dma_start3A_117 : memref<1x128xi32, #tpu.memory_space<vmem>> -> memref<128xi32, #tpu.memory_space<vmem>>
    %dma_start3A_119 = arith.constant 0 : i32
    %dma_start3A_120 = arith.constant 0 : i32
    %dma_start3A_121 = tpu.memref_slice %arg4[%dma_start3A_119, %dma_start3A_120] : memref<10000x16xf32, #tpu.memory_space<hbm>> -> memref<10000x16xf32, #tpu.memory_space<hbm>>
    tpu.enqueue_indirect_dma source(%dma_start3A_121 : memref<10000x16xf32, #tpu.memory_space<hbm>>) target(%arg13 : memref<128x16xf32, #tpu.memory_space<vmem>>) offsets(%dma_start3A_118 : memref<128xi32, #tpu.memory_space<vmem>>) semaphore(%arg21 : memref<!tpu.dma_semaphore, #tpu.memory_space<semaphore_mem>>)
    %dma_wait3A_122 = arith.constant 0 : i32
    %dma_wait3A_123 = arith.constant 0 : i32
    %dma_wait3A_124 = tpu.memref_slice %arg7[%dma_wait3A_122, %dma_wait3A_123] : memref<79x128xi32, #tpu.memory_space<vmem>> -> memref<78x128xi32, #tpu.memory_space<vmem>>
    %dma_wait3A_125 = arith.constant 0 : i32
    %dma_wait3A_126 = tpu.memref_slice %arg3[%add3A_5, %dma_wait3A_125] : memref<2500x128xi32, #tpu.memory_space<hbm>> -> memref<78x128xi32, #tpu.memory_space<hbm>>
    %dma_wait3A_127 = arith.constant 0 : i32
    %dma_wait3A_128 = arith.constant 0 : i32
    %dma_wait3A_129 = tpu.memref_slice %arg7[%dma_wait3A_127, %dma_wait3A_128] : memref<79x128xi32, #tpu.memory_space<vmem>> -> memref<78x128xi32, #tpu.memory_space<vmem>>
    %dma_wait3A_130 = arith.constant 0 : i32
    %dma_wait3A_131 = tpu.memref_slice %arg3[%add3A_5, %dma_wait3A_130] : memref<2500x128xi32, #tpu.memory_space<hbm>> -> memref<78x128xi32, #tpu.memory_space<hbm>>
    tpu.wait_dma2 semaphore(%arg30 : memref<!tpu.dma_semaphore, #tpu.memory_space<semaphore_mem>>) src(%dma_wait3A_131 : memref<78x128xi32, #tpu.memory_space<hbm>>) dst(%dma_wait3A_129 : memref<78x128xi32, #tpu.memory_space<vmem>>)
    %mul3A_132 = arith.constant 640 : i32
    %mul3A_133 = arith.muli %arg1, %mul3A_132 : i32
    %add3A_134 = arith.constant 0 : i32
    %add3A_135 = arith.addi %mul3A_133, %add3A_134 : i32
    %dma_wait3A_136 = arith.constant 0 : i32
    %dma_wait3A_137 = tpu.memref_slice %arg15[%add3A_135, %dma_wait3A_136] : memref<10240x16xf32, #tpu.memory_space<vmem_shared>> -> memref<128x16xf32, #tpu.memory_space<vmem_shared>>
    %dma_wait3A_138 = arith.constant 0 : i32
    %dma_wait3A_139 = tpu.memref_slice %arg15[%add3A_135, %dma_wait3A_138] : memref<10240x16xf32, #tpu.memory_space<vmem_shared>> -> memref<128x16xf32, #tpu.memory_space<vmem_shared>>
    tpu.wait_dma2 semaphore(%arg28 : memref<!tpu.dma_semaphore, #tpu.memory_space<semaphore_mem>>) src(%arg14 : memref<128x16xf32, #tpu.memory_space<vmem>>) dst(%dma_wait3A_139 : memref<128x16xf32, #tpu.memory_space<vmem_shared>>)
    %mul3A_140 = arith.constant 640 : i32
    %mul3A_141 = arith.muli %arg1, %mul3A_140 : i32
    %add3A_142 = arith.constant 128 : i32
    %add3A_143 = arith.addi %mul3A_141, %add3A_142 : i32
    %dma_wait3A_144 = arith.constant 0 : i32
    %dma_wait3A_145 = tpu.memref_slice %arg15[%add3A_143, %dma_wait3A_144] : memref<10240x16xf32, #tpu.memory_space<vmem_shared>> -> memref<128x16xf32, #tpu.memory_space<vmem_shared>>
    %dma_wait3A_146 = arith.constant 0 : i32
    %dma_wait3A_147 = tpu.memref_slice %arg15[%add3A_143, %dma_wait3A_146] : memref<10240x16xf32, #tpu.memory_space<vmem_shared>> -> memref<128x16xf32, #tpu.memory_space<vmem_shared>>
    tpu.wait_dma2 semaphore(%arg28 : memref<!tpu.dma_semaphore, #tpu.memory_space<semaphore_mem>>) src(%arg14 : memref<128x16xf32, #tpu.memory_space<vmem>>) dst(%dma_wait3A_147 : memref<128x16xf32, #tpu.memory_space<vmem_shared>>)
    %mul3A_148 = arith.constant 640 : i32
    %mul3A_149 = arith.muli %arg1, %mul3A_148 : i32
    %add3A_150 = arith.constant 256 : i32
    %add3A_151 = arith.addi %mul3A_149, %add3A_150 : i32
    %dma_wait3A_152 = arith.constant 0 : i32
    %dma_wait3A_153 = tpu.memref_slice %arg15[%add3A_151, %dma_wait3A_152] : memref<10240x16xf32, #tpu.memory_space<vmem_shared>> -> memref<128x16xf32, #tpu.memory_space<vmem_shared>>
    %dma_wait3A_154 = arith.constant 0 : i32
    %dma_wait3A_155 = tpu.memref_slice %arg15[%add3A_151, %dma_wait3A_154] : memref<10240x16xf32, #tpu.memory_space<vmem_shared>> -> memref<128x16xf32, #tpu.memory_space<vmem_shared>>
    tpu.wait_dma2 semaphore(%arg28 : memref<!tpu.dma_semaphore, #tpu.memory_space<semaphore_mem>>) src(%arg14 : memref<128x16xf32, #tpu.memory_space<vmem>>) dst(%dma_wait3A_155 : memref<128x16xf32, #tpu.memory_space<vmem_shared>>)
    %mul3A_156 = arith.constant 640 : i32
    %mul3A_157 = arith.muli %arg1, %mul3A_156 : i32
    %add3A_158 = arith.constant 384 : i32
    %add3A_159 = arith.addi %mul3A_157, %add3A_158 : i32
    %dma_wait3A_160 = arith.constant 0 : i32
    %dma_wait3A_161 = tpu.memref_slice %arg15[%add3A_159, %dma_wait3A_160] : memref<10240x16xf32, #tpu.memory_space<vmem_shared>> -> memref<128x16xf32, #tpu.memory_space<vmem_shared>>
    %dma_wait3A_162 = arith.constant 0 : i32
    %dma_wait3A_163 = tpu.memref_slice %arg15[%add3A_159, %dma_wait3A_162] : memref<10240x16xf32, #tpu.memory_space<vmem_shared>> -> memref<128x16xf32, #tpu.memory_space<vmem_shared>>
    tpu.wait_dma2 semaphore(%arg28 : memref<!tpu.dma_semaphore, #tpu.memory_space<semaphore_mem>>) src(%arg14 : memref<128x16xf32, #tpu.memory_space<vmem>>) dst(%dma_wait3A_163 : memref<128x16xf32, #tpu.memory_space<vmem_shared>>)
    %mul3A_164 = arith.constant 640 : i32
    %mul3A_165 = arith.muli %arg1, %mul3A_164 : i32
    %add3A_166 = arith.constant 512 : i32
    %add3A_167 = arith.addi %mul3A_165, %add3A_166 : i32
    %dma_wait3A_168 = arith.constant 0 : i32
    %dma_wait3A_169 = tpu.memref_slice %arg15[%add3A_167, %dma_wait3A_168] : memref<10240x16xf32, #tpu.memory_space<vmem_shared>> -> memref<128x16xf32, #tpu.memory_space<vmem_shared>>
    %dma_wait3A_170 = arith.constant 0 : i32
    %dma_wait3A_171 = tpu.memref_slice %arg15[%add3A_167, %dma_wait3A_170] : memref<10240x16xf32, #tpu.memory_space<vmem_shared>> -> memref<128x16xf32, #tpu.memory_space<vmem_shared>>
    tpu.wait_dma2 semaphore(%arg28 : memref<!tpu.dma_semaphore, #tpu.memory_space<semaphore_mem>>) src(%arg14 : memref<128x16xf32, #tpu.memory_space<vmem>>) dst(%dma_wait3A_171 : memref<128x16xf32, #tpu.memory_space<vmem_shared>>)
    %barrier3A = arith.constant 0 : index
    tpu.barrier barrier_id(%barrier3A)
    %scan3A_172 = arith.constant 0 : i32
    %scan3A_173 = arith.constant 0 : i32
    %scan3A_174 = arith.constant 12 : i32
    %scan3A_175 = arith.addi %scan3A_173, %scan3A_174 : i32
    %scan3A_176 = arith.constant 1 : i32
    scf.for %scan3A_312 = %scan3A_173 to %scan3A_175 step %scan3A_176  : i32 {
      %mul3A_313 = arith.constant 6 : i32
      %mul3A_314 = arith.muli %mul3A_313, %scan3A_312 : i32
      %add3A_315 = arith.constant 0 : i32
      %add3A_316 = arith.addi %mul3A_314, %add3A_315 : i32
      %dma_wait3A_317 = arith.constant 0 : i32
      %dma_wait3A_318 = tpu.memref_slice %arg6[%add3A_316, %dma_wait3A_317] : memref<79x128xi32, #tpu.memory_space<vmem>> -> memref<1x128xi32, #tpu.memory_space<vmem>>
      %dma_wait3A_319 = tpu.memref_squeeze %dma_wait3A_318 : memref<1x128xi32, #tpu.memory_space<vmem>> -> memref<128xi32, #tpu.memory_space<vmem>>
      %dma_wait3A_320 = arith.constant 0 : i32
      %dma_wait3A_321 = arith.constant 0 : i32
      %dma_wait3A_322 = tpu.memref_slice %arg4[%dma_wait3A_320, %dma_wait3A_321] : memref<10000x16xf32, #tpu.memory_space<hbm>> -> memref<10000x16xf32, #tpu.memory_space<hbm>>
      tpu.wait_indirect_dma semaphore(%arg16 : memref<!tpu.dma_semaphore, #tpu.memory_space<semaphore_mem>>) src(%dma_wait3A_322 : memref<10000x16xf32, #tpu.memory_space<hbm>>) dst(%arg8 : memref<128x16xf32, #tpu.memory_space<vmem>>)
      %add3A_323 = arith.constant 0 : i32
      %add3A_324 = arith.addi %mul3A_314, %add3A_323 : i32
      %dma_start3A_325 = arith.constant 0 : i32
      %dma_start3A_326 = tpu.memref_slice %arg7[%add3A_324, %dma_start3A_325] : memref<79x128xi32, #tpu.memory_space<vmem>> -> memref<1x128xi32, #tpu.memory_space<vmem>>
      %dma_start3A_327 = tpu.memref_squeeze %dma_start3A_326 : memref<1x128xi32, #tpu.memory_space<vmem>> -> memref<128xi32, #tpu.memory_space<vmem>>
      %dma_start3A_328 = arith.constant 0 : i32
      %dma_start3A_329 = arith.constant 0 : i32
      %dma_start3A_330 = tpu.memref_slice %arg15[%dma_start3A_328, %dma_start3A_329] : memref<10240x16xf32, #tpu.memory_space<vmem_shared>> -> memref<10240x16xf32, #tpu.memory_space<vmem_shared>>
      tpu.enqueue_indirect_dma source(%arg8 : memref<128x16xf32, #tpu.memory_space<vmem>>) target(%dma_start3A_330 : memref<10240x16xf32, #tpu.memory_space<vmem_shared>>) offsets(%dma_start3A_327 : memref<128xi32, #tpu.memory_space<vmem>>) semaphore(%arg22 : memref<!tpu.dma_semaphore, #tpu.memory_space<semaphore_mem>>) {add = true}
      %add3A_331 = arith.constant 1 : i32
      %add3A_332 = arith.addi %mul3A_314, %add3A_331 : i32
      %dma_wait3A_333 = arith.constant 0 : i32
      %dma_wait3A_334 = tpu.memref_slice %arg6[%add3A_332, %dma_wait3A_333] : memref<79x128xi32, #tpu.memory_space<vmem>> -> memref<1x128xi32, #tpu.memory_space<vmem>>
      %dma_wait3A_335 = tpu.memref_squeeze %dma_wait3A_334 : memref<1x128xi32, #tpu.memory_space<vmem>> -> memref<128xi32, #tpu.memory_space<vmem>>
      %dma_wait3A_336 = arith.constant 0 : i32
      %dma_wait3A_337 = arith.constant 0 : i32
      %dma_wait3A_338 = tpu.memref_slice %arg4[%dma_wait3A_336, %dma_wait3A_337] : memref<10000x16xf32, #tpu.memory_space<hbm>> -> memref<10000x16xf32, #tpu.memory_space<hbm>>
      tpu.wait_indirect_dma semaphore(%arg17 : memref<!tpu.dma_semaphore, #tpu.memory_space<semaphore_mem>>) src(%dma_wait3A_338 : memref<10000x16xf32, #tpu.memory_space<hbm>>) dst(%arg9 : memref<128x16xf32, #tpu.memory_space<vmem>>)
      %add3A_339 = arith.constant 1 : i32
      %add3A_340 = arith.addi %mul3A_314, %add3A_339 : i32
      %dma_start3A_341 = arith.constant 0 : i32
      %dma_start3A_342 = tpu.memref_slice %arg7[%add3A_340, %dma_start3A_341] : memref<79x128xi32, #tpu.memory_space<vmem>> -> memref<1x128xi32, #tpu.memory_space<vmem>>
      %dma_start3A_343 = tpu.memref_squeeze %dma_start3A_342 : memref<1x128xi32, #tpu.memory_space<vmem>> -> memref<128xi32, #tpu.memory_space<vmem>>
      %dma_start3A_344 = arith.constant 0 : i32
      %dma_start3A_345 = arith.constant 0 : i32
      %dma_start3A_346 = tpu.memref_slice %arg15[%dma_start3A_344, %dma_start3A_345] : memref<10240x16xf32, #tpu.memory_space<vmem_shared>> -> memref<10240x16xf32, #tpu.memory_space<vmem_shared>>
      tpu.enqueue_indirect_dma source(%arg9 : memref<128x16xf32, #tpu.memory_space<vmem>>) target(%dma_start3A_346 : memref<10240x16xf32, #tpu.memory_space<vmem_shared>>) offsets(%dma_start3A_343 : memref<128xi32, #tpu.memory_space<vmem>>) semaphore(%arg23 : memref<!tpu.dma_semaphore, #tpu.memory_space<semaphore_mem>>) {add = true}
      %add3A_347 = arith.constant 2 : i32
      %add3A_348 = arith.addi %mul3A_314, %add3A_347 : i32
      %dma_wait3A_349 = arith.constant 0 : i32
      %dma_wait3A_350 = tpu.memref_slice %arg6[%add3A_348, %dma_wait3A_349] : memref<79x128xi32, #tpu.memory_space<vmem>> -> memref<1x128xi32, #tpu.memory_space<vmem>>
      %dma_wait3A_351 = tpu.memref_squeeze %dma_wait3A_350 : memref<1x128xi32, #tpu.memory_space<vmem>> -> memref<128xi32, #tpu.memory_space<vmem>>
      %dma_wait3A_352 = arith.constant 0 : i32
      %dma_wait3A_353 = arith.constant 0 : i32
      %dma_wait3A_354 = tpu.memref_slice %arg4[%dma_wait3A_352, %dma_wait3A_353] : memref<10000x16xf32, #tpu.memory_space<hbm>> -> memref<10000x16xf32, #tpu.memory_space<hbm>>
      tpu.wait_indirect_dma semaphore(%arg18 : memref<!tpu.dma_semaphore, #tpu.memory_space<semaphore_mem>>) src(%dma_wait3A_354 : memref<10000x16xf32, #tpu.memory_space<hbm>>) dst(%arg10 : memref<128x16xf32, #tpu.memory_space<vmem>>)
      %add3A_355 = arith.constant 2 : i32
      %add3A_356 = arith.addi %mul3A_314, %add3A_355 : i32
      %dma_start3A_357 = arith.constant 0 : i32
      %dma_start3A_358 = tpu.memref_slice %arg7[%add3A_356, %dma_start3A_357] : memref<79x128xi32, #tpu.memory_space<vmem>> -> memref<1x128xi32, #tpu.memory_space<vmem>>
      %dma_start3A_359 = tpu.memref_squeeze %dma_start3A_358 : memref<1x128xi32, #tpu.memory_space<vmem>> -> memref<128xi32, #tpu.memory_space<vmem>>
      %dma_start3A_360 = arith.constant 0 : i32
      %dma_start3A_361 = arith.constant 0 : i32
      %dma_start3A_362 = tpu.memref_slice %arg15[%dma_start3A_360, %dma_start3A_361] : memref<10240x16xf32, #tpu.memory_space<vmem_shared>> -> memref<10240x16xf32, #tpu.memory_space<vmem_shared>>
      tpu.enqueue_indirect_dma source(%arg10 : memref<128x16xf32, #tpu.memory_space<vmem>>) target(%dma_start3A_362 : memref<10240x16xf32, #tpu.memory_space<vmem_shared>>) offsets(%dma_start3A_359 : memref<128xi32, #tpu.memory_space<vmem>>) semaphore(%arg24 : memref<!tpu.dma_semaphore, #tpu.memory_space<semaphore_mem>>) {add = true}
      %add3A_363 = arith.constant 3 : i32
      %add3A_364 = arith.addi %mul3A_314, %add3A_363 : i32
      %dma_wait3A_365 = arith.constant 0 : i32
      %dma_wait3A_366 = tpu.memref_slice %arg6[%add3A_364, %dma_wait3A_365] : memref<79x128xi32, #tpu.memory_space<vmem>> -> memref<1x128xi32, #tpu.memory_space<vmem>>
      %dma_wait3A_367 = tpu.memref_squeeze %dma_wait3A_366 : memref<1x128xi32, #tpu.memory_space<vmem>> -> memref<128xi32, #tpu.memory_space<vmem>>
      %dma_wait3A_368 = arith.constant 0 : i32
      %dma_wait3A_369 = arith.constant 0 : i32
      %dma_wait3A_370 = tpu.memref_slice %arg4[%dma_wait3A_368, %dma_wait3A_369] : memref<10000x16xf32, #tpu.memory_space<hbm>> -> memref<10000x16xf32, #tpu.memory_space<hbm>>
      tpu.wait_indirect_dma semaphore(%arg19 : memref<!tpu.dma_semaphore, #tpu.memory_space<semaphore_mem>>) src(%dma_wait3A_370 : memref<10000x16xf32, #tpu.memory_space<hbm>>) dst(%arg11 : memref<128x16xf32, #tpu.memory_space<vmem>>)
      %add3A_371 = arith.constant 3 : i32
      %add3A_372 = arith.addi %mul3A_314, %add3A_371 : i32
      %dma_start3A_373 = arith.constant 0 : i32
      %dma_start3A_374 = tpu.memref_slice %arg7[%add3A_372, %dma_start3A_373] : memref<79x128xi32, #tpu.memory_space<vmem>> -> memref<1x128xi32, #tpu.memory_space<vmem>>
      %dma_start3A_375 = tpu.memref_squeeze %dma_start3A_374 : memref<1x128xi32, #tpu.memory_space<vmem>> -> memref<128xi32, #tpu.memory_space<vmem>>
      %dma_start3A_376 = arith.constant 0 : i32
      %dma_start3A_377 = arith.constant 0 : i32
      %dma_start3A_378 = tpu.memref_slice %arg15[%dma_start3A_376, %dma_start3A_377] : memref<10240x16xf32, #tpu.memory_space<vmem_shared>> -> memref<10240x16xf32, #tpu.memory_space<vmem_shared>>
      tpu.enqueue_indirect_dma source(%arg11 : memref<128x16xf32, #tpu.memory_space<vmem>>) target(%dma_start3A_378 : memref<10240x16xf32, #tpu.memory_space<vmem_shared>>) offsets(%dma_start3A_375 : memref<128xi32, #tpu.memory_space<vmem>>) semaphore(%arg25 : memref<!tpu.dma_semaphore, #tpu.memory_space<semaphore_mem>>) {add = true}
      %add3A_379 = arith.constant 4 : i32
      %add3A_380 = arith.addi %mul3A_314, %add3A_379 : i32
      %dma_wait3A_381 = arith.constant 0 : i32
      %dma_wait3A_382 = tpu.memref_slice %arg6[%add3A_380, %dma_wait3A_381] : memref<79x128xi32, #tpu.memory_space<vmem>> -> memref<1x128xi32, #tpu.memory_space<vmem>>
      %dma_wait3A_383 = tpu.memref_squeeze %dma_wait3A_382 : memref<1x128xi32, #tpu.memory_space<vmem>> -> memref<128xi32, #tpu.memory_space<vmem>>
      %dma_wait3A_384 = arith.constant 0 : i32
      %dma_wait3A_385 = arith.constant 0 : i32
      %dma_wait3A_386 = tpu.memref_slice %arg4[%dma_wait3A_384, %dma_wait3A_385] : memref<10000x16xf32, #tpu.memory_space<hbm>> -> memref<10000x16xf32, #tpu.memory_space<hbm>>
      tpu.wait_indirect_dma semaphore(%arg20 : memref<!tpu.dma_semaphore, #tpu.memory_space<semaphore_mem>>) src(%dma_wait3A_386 : memref<10000x16xf32, #tpu.memory_space<hbm>>) dst(%arg12 : memref<128x16xf32, #tpu.memory_space<vmem>>)
      %add3A_387 = arith.constant 4 : i32
      %add3A_388 = arith.addi %mul3A_314, %add3A_387 : i32
      %dma_start3A_389 = arith.constant 0 : i32
      %dma_start3A_390 = tpu.memref_slice %arg7[%add3A_388, %dma_start3A_389] : memref<79x128xi32, #tpu.memory_space<vmem>> -> memref<1x128xi32, #tpu.memory_space<vmem>>
      %dma_start3A_391 = tpu.memref_squeeze %dma_start3A_390 : memref<1x128xi32, #tpu.memory_space<vmem>> -> memref<128xi32, #tpu.memory_space<vmem>>
      %dma_start3A_392 = arith.constant 0 : i32
      %dma_start3A_393 = arith.constant 0 : i32
      %dma_start3A_394 = tpu.memref_slice %arg15[%dma_start3A_392, %dma_start3A_393] : memref<10240x16xf32, #tpu.memory_space<vmem_shared>> -> memref<10240x16xf32, #tpu.memory_space<vmem_shared>>
      tpu.enqueue_indirect_dma source(%arg12 : memref<128x16xf32, #tpu.memory_space<vmem>>) target(%dma_start3A_394 : memref<10240x16xf32, #tpu.memory_space<vmem_shared>>) offsets(%dma_start3A_391 : memref<128xi32, #tpu.memory_space<vmem>>) semaphore(%arg26 : memref<!tpu.dma_semaphore, #tpu.memory_space<semaphore_mem>>) {add = true}
      %add3A_395 = arith.constant 5 : i32
      %add3A_396 = arith.addi %mul3A_314, %add3A_395 : i32
      %dma_wait3A_397 = arith.constant 0 : i32
      %dma_wait3A_398 = tpu.memref_slice %arg6[%add3A_396, %dma_wait3A_397] : memref<79x128xi32, #tpu.memory_space<vmem>> -> memref<1x128xi32, #tpu.memory_space<vmem>>
      %dma_wait3A_399 = tpu.memref_squeeze %dma_wait3A_398 : memref<1x128xi32, #tpu.memory_space<vmem>> -> memref<128xi32, #tpu.memory_space<vmem>>
      %dma_wait3A_400 = arith.constant 0 : i32
      %dma_wait3A_401 = arith.constant 0 : i32
      %dma_wait3A_402 = tpu.memref_slice %arg4[%dma_wait3A_400, %dma_wait3A_401] : memref<10000x16xf32, #tpu.memory_space<hbm>> -> memref<10000x16xf32, #tpu.memory_space<hbm>>
      tpu.wait_indirect_dma semaphore(%arg21 : memref<!tpu.dma_semaphore, #tpu.memory_space<semaphore_mem>>) src(%dma_wait3A_402 : memref<10000x16xf32, #tpu.memory_space<hbm>>) dst(%arg13 : memref<128x16xf32, #tpu.memory_space<vmem>>)
      %add3A_403 = arith.constant 5 : i32
      %add3A_404 = arith.addi %mul3A_314, %add3A_403 : i32
      %dma_start3A_405 = arith.constant 0 : i32
      %dma_start3A_406 = tpu.memref_slice %arg7[%add3A_404, %dma_start3A_405] : memref<79x128xi32, #tpu.memory_space<vmem>> -> memref<1x128xi32, #tpu.memory_space<vmem>>
      %dma_start3A_407 = tpu.memref_squeeze %dma_start3A_406 : memref<1x128xi32, #tpu.memory_space<vmem>> -> memref<128xi32, #tpu.memory_space<vmem>>
      %dma_start3A_408 = arith.constant 0 : i32
      %dma_start3A_409 = arith.constant 0 : i32
      %dma_start3A_410 = tpu.memref_slice %arg15[%dma_start3A_408, %dma_start3A_409] : memref<10240x16xf32, #tpu.memory_space<vmem_shared>> -> memref<10240x16xf32, #tpu.memory_space<vmem_shared>>
      tpu.enqueue_indirect_dma source(%arg13 : memref<128x16xf32, #tpu.memory_space<vmem>>) target(%dma_start3A_410 : memref<10240x16xf32, #tpu.memory_space<vmem_shared>>) offsets(%dma_start3A_407 : memref<128xi32, #tpu.memory_space<vmem>>) semaphore(%arg27 : memref<!tpu.dma_semaphore, #tpu.memory_space<semaphore_mem>>) {add = true}
      %add3A_411 = arith.constant 0 : i32
      %add3A_412 = arith.addi %mul3A_314, %add3A_411 : i32
      %dma_wait3A_413 = arith.constant 0 : i32
      %dma_wait3A_414 = tpu.memref_slice %arg7[%add3A_412, %dma_wait3A_413] : memref<79x128xi32, #tpu.memory_space<vmem>> -> memref<1x128xi32, #tpu.memory_space<vmem>>
      %dma_wait3A_415 = tpu.memref_squeeze %dma_wait3A_414 : memref<1x128xi32, #tpu.memory_space<vmem>> -> memref<128xi32, #tpu.memory_space<vmem>>
      %dma_wait3A_416 = arith.constant 0 : i32
      %dma_wait3A_417 = arith.constant 0 : i32
      %dma_wait3A_418 = tpu.memref_slice %arg15[%dma_wait3A_416, %dma_wait3A_417] : memref<10240x16xf32, #tpu.memory_space<vmem_shared>> -> memref<10240x16xf32, #tpu.memory_space<vmem_shared>>
      tpu.wait_indirect_dma semaphore(%arg22 : memref<!tpu.dma_semaphore, #tpu.memory_space<semaphore_mem>>) src(%arg8 : memref<128x16xf32, #tpu.memory_space<vmem>>) dst(%dma_wait3A_418 : memref<10240x16xf32, #tpu.memory_space<vmem_shared>>)
      %add3A_419 = arith.constant 0 : i32
      %add3A_420 = arith.addi %mul3A_314, %add3A_419 : i32
      %add3A_421 = arith.constant 6 : i32
      %add3A_422 = arith.addi %add3A_420, %add3A_421 : i32
      %dma_start3A_423 = arith.constant 0 : i32
      %dma_start3A_424 = tpu.memref_slice %arg6[%add3A_422, %dma_start3A_423] : memref<79x128xi32, #tpu.memory_space<vmem>> -> memref<1x128xi32, #tpu.memory_space<vmem>>
      %dma_start3A_425 = tpu.memref_squeeze %dma_start3A_424 : memref<1x128xi32, #tpu.memory_space<vmem>> -> memref<128xi32, #tpu.memory_space<vmem>>
      %dma_start3A_426 = arith.constant 0 : i32
      %dma_start3A_427 = arith.constant 0 : i32
      %dma_start3A_428 = tpu.memref_slice %arg4[%dma_start3A_426, %dma_start3A_427] : memref<10000x16xf32, #tpu.memory_space<hbm>> -> memref<10000x16xf32, #tpu.memory_space<hbm>>
      tpu.enqueue_indirect_dma source(%dma_start3A_428 : memref<10000x16xf32, #tpu.memory_space<hbm>>) target(%arg8 : memref<128x16xf32, #tpu.memory_space<vmem>>) offsets(%dma_start3A_425 : memref<128xi32, #tpu.memory_space<vmem>>) semaphore(%arg16 : memref<!tpu.dma_semaphore, #tpu.memory_space<semaphore_mem>>)
      %add3A_429 = arith.constant 1 : i32
      %add3A_430 = arith.addi %mul3A_314, %add3A_429 : i32
      %dma_wait3A_431 = arith.constant 0 : i32
      %dma_wait3A_432 = tpu.memref_slice %arg7[%add3A_430, %dma_wait3A_431] : memref<79x128xi32, #tpu.memory_space<vmem>> -> memref<1x128xi32, #tpu.memory_space<vmem>>
      %dma_wait3A_433 = tpu.memref_squeeze %dma_wait3A_432 : memref<1x128xi32, #tpu.memory_space<vmem>> -> memref<128xi32, #tpu.memory_space<vmem>>
      %dma_wait3A_434 = arith.constant 0 : i32
      %dma_wait3A_435 = arith.constant 0 : i32
      %dma_wait3A_436 = tpu.memref_slice %arg15[%dma_wait3A_434, %dma_wait3A_435] : memref<10240x16xf32, #tpu.memory_space<vmem_shared>> -> memref<10240x16xf32, #tpu.memory_space<vmem_shared>>
      tpu.wait_indirect_dma semaphore(%arg23 : memref<!tpu.dma_semaphore, #tpu.memory_space<semaphore_mem>>) src(%arg9 : memref<128x16xf32, #tpu.memory_space<vmem>>) dst(%dma_wait3A_436 : memref<10240x16xf32, #tpu.memory_space<vmem_shared>>)
      %add3A_437 = arith.constant 1 : i32
      %add3A_438 = arith.addi %mul3A_314, %add3A_437 : i32
      %add3A_439 = arith.constant 6 : i32
      %add3A_440 = arith.addi %add3A_438, %add3A_439 : i32
      %dma_start3A_441 = arith.constant 0 : i32
      %dma_start3A_442 = tpu.memref_slice %arg6[%add3A_440, %dma_start3A_441] : memref<79x128xi32, #tpu.memory_space<vmem>> -> memref<1x128xi32, #tpu.memory_space<vmem>>
      %dma_start3A_443 = tpu.memref_squeeze %dma_start3A_442 : memref<1x128xi32, #tpu.memory_space<vmem>> -> memref<128xi32, #tpu.memory_space<vmem>>
      %dma_start3A_444 = arith.constant 0 : i32
      %dma_start3A_445 = arith.constant 0 : i32
      %dma_start3A_446 = tpu.memref_slice %arg4[%dma_start3A_444, %dma_start3A_445] : memref<10000x16xf32, #tpu.memory_space<hbm>> -> memref<10000x16xf32, #tpu.memory_space<hbm>>
      tpu.enqueue_indirect_dma source(%dma_start3A_446 : memref<10000x16xf32, #tpu.memory_space<hbm>>) target(%arg9 : memref<128x16xf32, #tpu.memory_space<vmem>>) offsets(%dma_start3A_443 : memref<128xi32, #tpu.memory_space<vmem>>) semaphore(%arg17 : memref<!tpu.dma_semaphore, #tpu.memory_space<semaphore_mem>>)
      %add3A_447 = arith.constant 2 : i32
      %add3A_448 = arith.addi %mul3A_314, %add3A_447 : i32
      %dma_wait3A_449 = arith.constant 0 : i32
      %dma_wait3A_450 = tpu.memref_slice %arg7[%add3A_448, %dma_wait3A_449] : memref<79x128xi32, #tpu.memory_space<vmem>> -> memref<1x128xi32, #tpu.memory_space<vmem>>
      %dma_wait3A_451 = tpu.memref_squeeze %dma_wait3A_450 : memref<1x128xi32, #tpu.memory_space<vmem>> -> memref<128xi32, #tpu.memory_space<vmem>>
      %dma_wait3A_452 = arith.constant 0 : i32
      %dma_wait3A_453 = arith.constant 0 : i32
      %dma_wait3A_454 = tpu.memref_slice %arg15[%dma_wait3A_452, %dma_wait3A_453] : memref<10240x16xf32, #tpu.memory_space<vmem_shared>> -> memref<10240x16xf32, #tpu.memory_space<vmem_shared>>
      tpu.wait_indirect_dma semaphore(%arg24 : memref<!tpu.dma_semaphore, #tpu.memory_space<semaphore_mem>>) src(%arg10 : memref<128x16xf32, #tpu.memory_space<vmem>>) dst(%dma_wait3A_454 : memref<10240x16xf32, #tpu.memory_space<vmem_shared>>)
      %add3A_455 = arith.constant 2 : i32
      %add3A_456 = arith.addi %mul3A_314, %add3A_455 : i32
      %add3A_457 = arith.constant 6 : i32
      %add3A_458 = arith.addi %add3A_456, %add3A_457 : i32
      %dma_start3A_459 = arith.constant 0 : i32
      %dma_start3A_460 = tpu.memref_slice %arg6[%add3A_458, %dma_start3A_459] : memref<79x128xi32, #tpu.memory_space<vmem>> -> memref<1x128xi32, #tpu.memory_space<vmem>>
      %dma_start3A_461 = tpu.memref_squeeze %dma_start3A_460 : memref<1x128xi32, #tpu.memory_space<vmem>> -> memref<128xi32, #tpu.memory_space<vmem>>
      %dma_start3A_462 = arith.constant 0 : i32
      %dma_start3A_463 = arith.constant 0 : i32
      %dma_start3A_464 = tpu.memref_slice %arg4[%dma_start3A_462, %dma_start3A_463] : memref<10000x16xf32, #tpu.memory_space<hbm>> -> memref<10000x16xf32, #tpu.memory_space<hbm>>
      tpu.enqueue_indirect_dma source(%dma_start3A_464 : memref<10000x16xf32, #tpu.memory_space<hbm>>) target(%arg10 : memref<128x16xf32, #tpu.memory_space<vmem>>) offsets(%dma_start3A_461 : memref<128xi32, #tpu.memory_space<vmem>>) semaphore(%arg18 : memref<!tpu.dma_semaphore, #tpu.memory_space<semaphore_mem>>)
      %add3A_465 = arith.constant 3 : i32
      %add3A_466 = arith.addi %mul3A_314, %add3A_465 : i32
      %dma_wait3A_467 = arith.constant 0 : i32
      %dma_wait3A_468 = tpu.memref_slice %arg7[%add3A_466, %dma_wait3A_467] : memref<79x128xi32, #tpu.memory_space<vmem>> -> memref<1x128xi32, #tpu.memory_space<vmem>>
      %dma_wait3A_469 = tpu.memref_squeeze %dma_wait3A_468 : memref<1x128xi32, #tpu.memory_space<vmem>> -> memref<128xi32, #tpu.memory_space<vmem>>
      %dma_wait3A_470 = arith.constant 0 : i32
      %dma_wait3A_471 = arith.constant 0 : i32
      %dma_wait3A_472 = tpu.memref_slice %arg15[%dma_wait3A_470, %dma_wait3A_471] : memref<10240x16xf32, #tpu.memory_space<vmem_shared>> -> memref<10240x16xf32, #tpu.memory_space<vmem_shared>>
      tpu.wait_indirect_dma semaphore(%arg25 : memref<!tpu.dma_semaphore, #tpu.memory_space<semaphore_mem>>) src(%arg11 : memref<128x16xf32, #tpu.memory_space<vmem>>) dst(%dma_wait3A_472 : memref<10240x16xf32, #tpu.memory_space<vmem_shared>>)
      %add3A_473 = arith.constant 3 : i32
      %add3A_474 = arith.addi %mul3A_314, %add3A_473 : i32
      %add3A_475 = arith.constant 6 : i32
      %add3A_476 = arith.addi %add3A_474, %add3A_475 : i32
      %dma_start3A_477 = arith.constant 0 : i32
      %dma_start3A_478 = tpu.memref_slice %arg6[%add3A_476, %dma_start3A_477] : memref<79x128xi32, #tpu.memory_space<vmem>> -> memref<1x128xi32, #tpu.memory_space<vmem>>
      %dma_start3A_479 = tpu.memref_squeeze %dma_start3A_478 : memref<1x128xi32, #tpu.memory_space<vmem>> -> memref<128xi32, #tpu.memory_space<vmem>>
      %dma_start3A_480 = arith.constant 0 : i32
      %dma_start3A_481 = arith.constant 0 : i32
      %dma_start3A_482 = tpu.memref_slice %arg4[%dma_start3A_480, %dma_start3A_481] : memref<10000x16xf32, #tpu.memory_space<hbm>> -> memref<10000x16xf32, #tpu.memory_space<hbm>>
      tpu.enqueue_indirect_dma source(%dma_start3A_482 : memref<10000x16xf32, #tpu.memory_space<hbm>>) target(%arg11 : memref<128x16xf32, #tpu.memory_space<vmem>>) offsets(%dma_start3A_479 : memref<128xi32, #tpu.memory_space<vmem>>) semaphore(%arg19 : memref<!tpu.dma_semaphore, #tpu.memory_space<semaphore_mem>>)
      %add3A_483 = arith.constant 4 : i32
      %add3A_484 = arith.addi %mul3A_314, %add3A_483 : i32
      %dma_wait3A_485 = arith.constant 0 : i32
      %dma_wait3A_486 = tpu.memref_slice %arg7[%add3A_484, %dma_wait3A_485] : memref<79x128xi32, #tpu.memory_space<vmem>> -> memref<1x128xi32, #tpu.memory_space<vmem>>
      %dma_wait3A_487 = tpu.memref_squeeze %dma_wait3A_486 : memref<1x128xi32, #tpu.memory_space<vmem>> -> memref<128xi32, #tpu.memory_space<vmem>>
      %dma_wait3A_488 = arith.constant 0 : i32
      %dma_wait3A_489 = arith.constant 0 : i32
      %dma_wait3A_490 = tpu.memref_slice %arg15[%dma_wait3A_488, %dma_wait3A_489] : memref<10240x16xf32, #tpu.memory_space<vmem_shared>> -> memref<10240x16xf32, #tpu.memory_space<vmem_shared>>
      tpu.wait_indirect_dma semaphore(%arg26 : memref<!tpu.dma_semaphore, #tpu.memory_space<semaphore_mem>>) src(%arg12 : memref<128x16xf32, #tpu.memory_space<vmem>>) dst(%dma_wait3A_490 : memref<10240x16xf32, #tpu.memory_space<vmem_shared>>)
      %add3A_491 = arith.constant 4 : i32
      %add3A_492 = arith.addi %mul3A_314, %add3A_491 : i32
      %add3A_493 = arith.constant 6 : i32
      %add3A_494 = arith.addi %add3A_492, %add3A_493 : i32
      %dma_start3A_495 = arith.constant 0 : i32
      %dma_start3A_496 = tpu.memref_slice %arg6[%add3A_494, %dma_start3A_495] : memref<79x128xi32, #tpu.memory_space<vmem>> -> memref<1x128xi32, #tpu.memory_space<vmem>>
      %dma_start3A_497 = tpu.memref_squeeze %dma_start3A_496 : memref<1x128xi32, #tpu.memory_space<vmem>> -> memref<128xi32, #tpu.memory_space<vmem>>
      %dma_start3A_498 = arith.constant 0 : i32
      %dma_start3A_499 = arith.constant 0 : i32
      %dma_start3A_500 = tpu.memref_slice %arg4[%dma_start3A_498, %dma_start3A_499] : memref<10000x16xf32, #tpu.memory_space<hbm>> -> memref<10000x16xf32, #tpu.memory_space<hbm>>
      tpu.enqueue_indirect_dma source(%dma_start3A_500 : memref<10000x16xf32, #tpu.memory_space<hbm>>) target(%arg12 : memref<128x16xf32, #tpu.memory_space<vmem>>) offsets(%dma_start3A_497 : memref<128xi32, #tpu.memory_space<vmem>>) semaphore(%arg20 : memref<!tpu.dma_semaphore, #tpu.memory_space<semaphore_mem>>)
      %add3A_501 = arith.constant 5 : i32
      %add3A_502 = arith.addi %mul3A_314, %add3A_501 : i32
      %dma_wait3A_503 = arith.constant 0 : i32
      %dma_wait3A_504 = tpu.memref_slice %arg7[%add3A_502, %dma_wait3A_503] : memref<79x128xi32, #tpu.memory_space<vmem>> -> memref<1x128xi32, #tpu.memory_space<vmem>>
      %dma_wait3A_505 = tpu.memref_squeeze %dma_wait3A_504 : memref<1x128xi32, #tpu.memory_space<vmem>> -> memref<128xi32, #tpu.memory_space<vmem>>
      %dma_wait3A_506 = arith.constant 0 : i32
      %dma_wait3A_507 = arith.constant 0 : i32
      %dma_wait3A_508 = tpu.memref_slice %arg15[%dma_wait3A_506, %dma_wait3A_507] : memref<10240x16xf32, #tpu.memory_space<vmem_shared>> -> memref<10240x16xf32, #tpu.memory_space<vmem_shared>>
      tpu.wait_indirect_dma semaphore(%arg27 : memref<!tpu.dma_semaphore, #tpu.memory_space<semaphore_mem>>) src(%arg13 : memref<128x16xf32, #tpu.memory_space<vmem>>) dst(%dma_wait3A_508 : memref<10240x16xf32, #tpu.memory_space<vmem_shared>>)
      %add3A_509 = arith.constant 5 : i32
      %add3A_510 = arith.addi %mul3A_314, %add3A_509 : i32
      %add3A_511 = arith.constant 6 : i32
      %add3A_512 = arith.addi %add3A_510, %add3A_511 : i32
      %dma_start3A_513 = arith.constant 0 : i32
      %dma_start3A_514 = tpu.memref_slice %arg6[%add3A_512, %dma_start3A_513] : memref<79x128xi32, #tpu.memory_space<vmem>> -> memref<1x128xi32, #tpu.memory_space<vmem>>
      %dma_start3A_515 = tpu.memref_squeeze %dma_start3A_514 : memref<1x128xi32, #tpu.memory_space<vmem>> -> memref<128xi32, #tpu.memory_space<vmem>>
      %dma_start3A_516 = arith.constant 0 : i32
      %dma_start3A_517 = arith.constant 0 : i32
      %dma_start3A_518 = tpu.memref_slice %arg4[%dma_start3A_516, %dma_start3A_517] : memref<10000x16xf32, #tpu.memory_space<hbm>> -> memref<10000x16xf32, #tpu.memory_space<hbm>>
      tpu.enqueue_indirect_dma source(%dma_start3A_518 : memref<10000x16xf32, #tpu.memory_space<hbm>>) target(%arg13 : memref<128x16xf32, #tpu.memory_space<vmem>>) offsets(%dma_start3A_515 : memref<128xi32, #tpu.memory_space<vmem>>) semaphore(%arg21 : memref<!tpu.dma_semaphore, #tpu.memory_space<semaphore_mem>>)
    }
    %scan3A_177 = arith.constant 12 : i32
    %dma_wait3A_178 = arith.constant 72 : i32
    %dma_wait3A_179 = arith.constant 0 : i32
    %dma_wait3A_180 = tpu.memref_slice %arg6[%dma_wait3A_178, %dma_wait3A_179] : memref<79x128xi32, #tpu.memory_space<vmem>> -> memref<1x128xi32, #tpu.memory_space<vmem>>
    %dma_wait3A_181 = tpu.memref_squeeze %dma_wait3A_180 : memref<1x128xi32, #tpu.memory_space<vmem>> -> memref<128xi32, #tpu.memory_space<vmem>>
    %dma_wait3A_182 = arith.constant 0 : i32
    %dma_wait3A_183 = arith.constant 0 : i32
    %dma_wait3A_184 = tpu.memref_slice %arg4[%dma_wait3A_182, %dma_wait3A_183] : memref<10000x16xf32, #tpu.memory_space<hbm>> -> memref<10000x16xf32, #tpu.memory_space<hbm>>
    tpu.wait_indirect_dma semaphore(%arg16 : memref<!tpu.dma_semaphore, #tpu.memory_space<semaphore_mem>>) src(%dma_wait3A_184 : memref<10000x16xf32, #tpu.memory_space<hbm>>) dst(%arg8 : memref<128x16xf32, #tpu.memory_space<vmem>>)
    %dma_start3A_185 = arith.constant 72 : i32
    %dma_start3A_186 = arith.constant 0 : i32
    %dma_start3A_187 = tpu.memref_slice %arg7[%dma_start3A_185, %dma_start3A_186] : memref<79x128xi32, #tpu.memory_space<vmem>> -> memref<1x128xi32, #tpu.memory_space<vmem>>
    %dma_start3A_188 = tpu.memref_squeeze %dma_start3A_187 : memref<1x128xi32, #tpu.memory_space<vmem>> -> memref<128xi32, #tpu.memory_space<vmem>>
    %dma_start3A_189 = arith.constant 0 : i32
    %dma_start3A_190 = arith.constant 0 : i32
    %dma_start3A_191 = tpu.memref_slice %arg15[%dma_start3A_189, %dma_start3A_190] : memref<10240x16xf32, #tpu.memory_space<vmem_shared>> -> memref<10240x16xf32, #tpu.memory_space<vmem_shared>>
    tpu.enqueue_indirect_dma source(%arg8 : memref<128x16xf32, #tpu.memory_space<vmem>>) target(%dma_start3A_191 : memref<10240x16xf32, #tpu.memory_space<vmem_shared>>) offsets(%dma_start3A_188 : memref<128xi32, #tpu.memory_space<vmem>>) semaphore(%arg22 : memref<!tpu.dma_semaphore, #tpu.memory_space<semaphore_mem>>) {add = true}
    %dma_wait3A_192 = arith.constant 73 : i32
    %dma_wait3A_193 = arith.constant 0 : i32
    %dma_wait3A_194 = tpu.memref_slice %arg6[%dma_wait3A_192, %dma_wait3A_193] : memref<79x128xi32, #tpu.memory_space<vmem>> -> memref<1x128xi32, #tpu.memory_space<vmem>>
    %dma_wait3A_195 = tpu.memref_squeeze %dma_wait3A_194 : memref<1x128xi32, #tpu.memory_space<vmem>> -> memref<128xi32, #tpu.memory_space<vmem>>
    %dma_wait3A_196 = arith.constant 0 : i32
    %dma_wait3A_197 = arith.constant 0 : i32
    %dma_wait3A_198 = tpu.memref_slice %arg4[%dma_wait3A_196, %dma_wait3A_197] : memref<10000x16xf32, #tpu.memory_space<hbm>> -> memref<10000x16xf32, #tpu.memory_space<hbm>>
    tpu.wait_indirect_dma semaphore(%arg17 : memref<!tpu.dma_semaphore, #tpu.memory_space<semaphore_mem>>) src(%dma_wait3A_198 : memref<10000x16xf32, #tpu.memory_space<hbm>>) dst(%arg9 : memref<128x16xf32, #tpu.memory_space<vmem>>)
    %dma_start3A_199 = arith.constant 73 : i32
    %dma_start3A_200 = arith.constant 0 : i32
    %dma_start3A_201 = tpu.memref_slice %arg7[%dma_start3A_199, %dma_start3A_200] : memref<79x128xi32, #tpu.memory_space<vmem>> -> memref<1x128xi32, #tpu.memory_space<vmem>>
    %dma_start3A_202 = tpu.memref_squeeze %dma_start3A_201 : memref<1x128xi32, #tpu.memory_space<vmem>> -> memref<128xi32, #tpu.memory_space<vmem>>
    %dma_start3A_203 = arith.constant 0 : i32
    %dma_start3A_204 = arith.constant 0 : i32
    %dma_start3A_205 = tpu.memref_slice %arg15[%dma_start3A_203, %dma_start3A_204] : memref<10240x16xf32, #tpu.memory_space<vmem_shared>> -> memref<10240x16xf32, #tpu.memory_space<vmem_shared>>
    tpu.enqueue_indirect_dma source(%arg9 : memref<128x16xf32, #tpu.memory_space<vmem>>) target(%dma_start3A_205 : memref<10240x16xf32, #tpu.memory_space<vmem_shared>>) offsets(%dma_start3A_202 : memref<128xi32, #tpu.memory_space<vmem>>) semaphore(%arg23 : memref<!tpu.dma_semaphore, #tpu.memory_space<semaphore_mem>>) {add = true}
    %dma_wait3A_206 = arith.constant 74 : i32
    %dma_wait3A_207 = arith.constant 0 : i32
    %dma_wait3A_208 = tpu.memref_slice %arg6[%dma_wait3A_206, %dma_wait3A_207] : memref<79x128xi32, #tpu.memory_space<vmem>> -> memref<1x128xi32, #tpu.memory_space<vmem>>
    %dma_wait3A_209 = tpu.memref_squeeze %dma_wait3A_208 : memref<1x128xi32, #tpu.memory_space<vmem>> -> memref<128xi32, #tpu.memory_space<vmem>>
    %dma_wait3A_210 = arith.constant 0 : i32
    %dma_wait3A_211 = arith.constant 0 : i32
    %dma_wait3A_212 = tpu.memref_slice %arg4[%dma_wait3A_210, %dma_wait3A_211] : memref<10000x16xf32, #tpu.memory_space<hbm>> -> memref<10000x16xf32, #tpu.memory_space<hbm>>
    tpu.wait_indirect_dma semaphore(%arg18 : memref<!tpu.dma_semaphore, #tpu.memory_space<semaphore_mem>>) src(%dma_wait3A_212 : memref<10000x16xf32, #tpu.memory_space<hbm>>) dst(%arg10 : memref<128x16xf32, #tpu.memory_space<vmem>>)
    %dma_start3A_213 = arith.constant 74 : i32
    %dma_start3A_214 = arith.constant 0 : i32
    %dma_start3A_215 = tpu.memref_slice %arg7[%dma_start3A_213, %dma_start3A_214] : memref<79x128xi32, #tpu.memory_space<vmem>> -> memref<1x128xi32, #tpu.memory_space<vmem>>
    %dma_start3A_216 = tpu.memref_squeeze %dma_start3A_215 : memref<1x128xi32, #tpu.memory_space<vmem>> -> memref<128xi32, #tpu.memory_space<vmem>>
    %dma_start3A_217 = arith.constant 0 : i32
    %dma_start3A_218 = arith.constant 0 : i32
    %dma_start3A_219 = tpu.memref_slice %arg15[%dma_start3A_217, %dma_start3A_218] : memref<10240x16xf32, #tpu.memory_space<vmem_shared>> -> memref<10240x16xf32, #tpu.memory_space<vmem_shared>>
    tpu.enqueue_indirect_dma source(%arg10 : memref<128x16xf32, #tpu.memory_space<vmem>>) target(%dma_start3A_219 : memref<10240x16xf32, #tpu.memory_space<vmem_shared>>) offsets(%dma_start3A_216 : memref<128xi32, #tpu.memory_space<vmem>>) semaphore(%arg24 : memref<!tpu.dma_semaphore, #tpu.memory_space<semaphore_mem>>) {add = true}
    %dma_wait3A_220 = arith.constant 75 : i32
    %dma_wait3A_221 = arith.constant 0 : i32
    %dma_wait3A_222 = tpu.memref_slice %arg6[%dma_wait3A_220, %dma_wait3A_221] : memref<79x128xi32, #tpu.memory_space<vmem>> -> memref<1x128xi32, #tpu.memory_space<vmem>>
    %dma_wait3A_223 = tpu.memref_squeeze %dma_wait3A_222 : memref<1x128xi32, #tpu.memory_space<vmem>> -> memref<128xi32, #tpu.memory_space<vmem>>
    %dma_wait3A_224 = arith.constant 0 : i32
    %dma_wait3A_225 = arith.constant 0 : i32
    %dma_wait3A_226 = tpu.memref_slice %arg4[%dma_wait3A_224, %dma_wait3A_225] : memref<10000x16xf32, #tpu.memory_space<hbm>> -> memref<10000x16xf32, #tpu.memory_space<hbm>>
    tpu.wait_indirect_dma semaphore(%arg19 : memref<!tpu.dma_semaphore, #tpu.memory_space<semaphore_mem>>) src(%dma_wait3A_226 : memref<10000x16xf32, #tpu.memory_space<hbm>>) dst(%arg11 : memref<128x16xf32, #tpu.memory_space<vmem>>)
    %dma_start3A_227 = arith.constant 75 : i32
    %dma_start3A_228 = arith.constant 0 : i32
    %dma_start3A_229 = tpu.memref_slice %arg7[%dma_start3A_227, %dma_start3A_228] : memref<79x128xi32, #tpu.memory_space<vmem>> -> memref<1x128xi32, #tpu.memory_space<vmem>>
    %dma_start3A_230 = tpu.memref_squeeze %dma_start3A_229 : memref<1x128xi32, #tpu.memory_space<vmem>> -> memref<128xi32, #tpu.memory_space<vmem>>
    %dma_start3A_231 = arith.constant 0 : i32
    %dma_start3A_232 = arith.constant 0 : i32
    %dma_start3A_233 = tpu.memref_slice %arg15[%dma_start3A_231, %dma_start3A_232] : memref<10240x16xf32, #tpu.memory_space<vmem_shared>> -> memref<10240x16xf32, #tpu.memory_space<vmem_shared>>
    tpu.enqueue_indirect_dma source(%arg11 : memref<128x16xf32, #tpu.memory_space<vmem>>) target(%dma_start3A_233 : memref<10240x16xf32, #tpu.memory_space<vmem_shared>>) offsets(%dma_start3A_230 : memref<128xi32, #tpu.memory_space<vmem>>) semaphore(%arg25 : memref<!tpu.dma_semaphore, #tpu.memory_space<semaphore_mem>>) {add = true}
    %dma_wait3A_234 = arith.constant 76 : i32
    %dma_wait3A_235 = arith.constant 0 : i32
    %dma_wait3A_236 = tpu.memref_slice %arg6[%dma_wait3A_234, %dma_wait3A_235] : memref<79x128xi32, #tpu.memory_space<vmem>> -> memref<1x128xi32, #tpu.memory_space<vmem>>
    %dma_wait3A_237 = tpu.memref_squeeze %dma_wait3A_236 : memref<1x128xi32, #tpu.memory_space<vmem>> -> memref<128xi32, #tpu.memory_space<vmem>>
    %dma_wait3A_238 = arith.constant 0 : i32
    %dma_wait3A_239 = arith.constant 0 : i32
    %dma_wait3A_240 = tpu.memref_slice %arg4[%dma_wait3A_238, %dma_wait3A_239] : memref<10000x16xf32, #tpu.memory_space<hbm>> -> memref<10000x16xf32, #tpu.memory_space<hbm>>
    tpu.wait_indirect_dma semaphore(%arg20 : memref<!tpu.dma_semaphore, #tpu.memory_space<semaphore_mem>>) src(%dma_wait3A_240 : memref<10000x16xf32, #tpu.memory_space<hbm>>) dst(%arg12 : memref<128x16xf32, #tpu.memory_space<vmem>>)
    %dma_start3A_241 = arith.constant 76 : i32
    %dma_start3A_242 = arith.constant 0 : i32
    %dma_start3A_243 = tpu.memref_slice %arg7[%dma_start3A_241, %dma_start3A_242] : memref<79x128xi32, #tpu.memory_space<vmem>> -> memref<1x128xi32, #tpu.memory_space<vmem>>
    %dma_start3A_244 = tpu.memref_squeeze %dma_start3A_243 : memref<1x128xi32, #tpu.memory_space<vmem>> -> memref<128xi32, #tpu.memory_space<vmem>>
    %dma_start3A_245 = arith.constant 0 : i32
    %dma_start3A_246 = arith.constant 0 : i32
    %dma_start3A_247 = tpu.memref_slice %arg15[%dma_start3A_245, %dma_start3A_246] : memref<10240x16xf32, #tpu.memory_space<vmem_shared>> -> memref<10240x16xf32, #tpu.memory_space<vmem_shared>>
    tpu.enqueue_indirect_dma source(%arg12 : memref<128x16xf32, #tpu.memory_space<vmem>>) target(%dma_start3A_247 : memref<10240x16xf32, #tpu.memory_space<vmem_shared>>) offsets(%dma_start3A_244 : memref<128xi32, #tpu.memory_space<vmem>>) semaphore(%arg26 : memref<!tpu.dma_semaphore, #tpu.memory_space<semaphore_mem>>) {add = true}
    %dma_wait3A_248 = arith.constant 77 : i32
    %dma_wait3A_249 = arith.constant 0 : i32
    %dma_wait3A_250 = tpu.memref_slice %arg6[%dma_wait3A_248, %dma_wait3A_249] : memref<79x128xi32, #tpu.memory_space<vmem>> -> memref<1x128xi32, #tpu.memory_space<vmem>>
    %dma_wait3A_251 = tpu.memref_squeeze %dma_wait3A_250 : memref<1x128xi32, #tpu.memory_space<vmem>> -> memref<128xi32, #tpu.memory_space<vmem>>
    %dma_wait3A_252 = arith.constant 0 : i32
    %dma_wait3A_253 = arith.constant 0 : i32
    %dma_wait3A_254 = tpu.memref_slice %arg4[%dma_wait3A_252, %dma_wait3A_253] : memref<10000x16xf32, #tpu.memory_space<hbm>> -> memref<10000x16xf32, #tpu.memory_space<hbm>>
    tpu.wait_indirect_dma semaphore(%arg21 : memref<!tpu.dma_semaphore, #tpu.memory_space<semaphore_mem>>) src(%dma_wait3A_254 : memref<10000x16xf32, #tpu.memory_space<hbm>>) dst(%arg13 : memref<128x16xf32, #tpu.memory_space<vmem>>)
    %dma_start3A_255 = arith.constant 77 : i32
    %dma_start3A_256 = arith.constant 0 : i32
    %dma_start3A_257 = tpu.memref_slice %arg7[%dma_start3A_255, %dma_start3A_256] : memref<79x128xi32, #tpu.memory_space<vmem>> -> memref<1x128xi32, #tpu.memory_space<vmem>>
    %dma_start3A_258 = tpu.memref_squeeze %dma_start3A_257 : memref<1x128xi32, #tpu.memory_space<vmem>> -> memref<128xi32, #tpu.memory_space<vmem>>
    %dma_start3A_259 = arith.constant 0 : i32
    %dma_start3A_260 = arith.constant 0 : i32
    %dma_start3A_261 = tpu.memref_slice %arg15[%dma_start3A_259, %dma_start3A_260] : memref<10240x16xf32, #tpu.memory_space<vmem_shared>> -> memref<10240x16xf32, #tpu.memory_space<vmem_shared>>
    tpu.enqueue_indirect_dma source(%arg13 : memref<128x16xf32, #tpu.memory_space<vmem>>) target(%dma_start3A_261 : memref<10240x16xf32, #tpu.memory_space<vmem_shared>>) offsets(%dma_start3A_258 : memref<128xi32, #tpu.memory_space<vmem>>) semaphore(%arg27 : memref<!tpu.dma_semaphore, #tpu.memory_space<semaphore_mem>>) {add = true}
    %dma_wait3A_262 = arith.constant 72 : i32
    %dma_wait3A_263 = arith.constant 0 : i32
    %dma_wait3A_264 = tpu.memref_slice %arg7[%dma_wait3A_262, %dma_wait3A_263] : memref<79x128xi32, #tpu.memory_space<vmem>> -> memref<1x128xi32, #tpu.memory_space<vmem>>
    %dma_wait3A_265 = tpu.memref_squeeze %dma_wait3A_264 : memref<1x128xi32, #tpu.memory_space<vmem>> -> memref<128xi32, #tpu.memory_space<vmem>>
    %dma_wait3A_266 = arith.constant 0 : i32
    %dma_wait3A_267 = arith.constant 0 : i32
    %dma_wait3A_268 = tpu.memref_slice %arg15[%dma_wait3A_266, %dma_wait3A_267] : memref<10240x16xf32, #tpu.memory_space<vmem_shared>> -> memref<10240x16xf32, #tpu.memory_space<vmem_shared>>
    tpu.wait_indirect_dma semaphore(%arg22 : memref<!tpu.dma_semaphore, #tpu.memory_space<semaphore_mem>>) src(%arg8 : memref<128x16xf32, #tpu.memory_space<vmem>>) dst(%dma_wait3A_268 : memref<10240x16xf32, #tpu.memory_space<vmem_shared>>)
    %dma_wait3A_269 = arith.constant 73 : i32
    %dma_wait3A_270 = arith.constant 0 : i32
    %dma_wait3A_271 = tpu.memref_slice %arg7[%dma_wait3A_269, %dma_wait3A_270] : memref<79x128xi32, #tpu.memory_space<vmem>> -> memref<1x128xi32, #tpu.memory_space<vmem>>
    %dma_wait3A_272 = tpu.memref_squeeze %dma_wait3A_271 : memref<1x128xi32, #tpu.memory_space<vmem>> -> memref<128xi32, #tpu.memory_space<vmem>>
    %dma_wait3A_273 = arith.constant 0 : i32
    %dma_wait3A_274 = arith.constant 0 : i32
    %dma_wait3A_275 = tpu.memref_slice %arg15[%dma_wait3A_273, %dma_wait3A_274] : memref<10240x16xf32, #tpu.memory_space<vmem_shared>> -> memref<10240x16xf32, #tpu.memory_space<vmem_shared>>
    tpu.wait_indirect_dma semaphore(%arg23 : memref<!tpu.dma_semaphore, #tpu.memory_space<semaphore_mem>>) src(%arg9 : memref<128x16xf32, #tpu.memory_space<vmem>>) dst(%dma_wait3A_275 : memref<10240x16xf32, #tpu.memory_space<vmem_shared>>)
    %dma_wait3A_276 = arith.constant 74 : i32
    %dma_wait3A_277 = arith.constant 0 : i32
    %dma_wait3A_278 = tpu.memref_slice %arg7[%dma_wait3A_276, %dma_wait3A_277] : memref<79x128xi32, #tpu.memory_space<vmem>> -> memref<1x128xi32, #tpu.memory_space<vmem>>
    %dma_wait3A_279 = tpu.memref_squeeze %dma_wait3A_278 : memref<1x128xi32, #tpu.memory_space<vmem>> -> memref<128xi32, #tpu.memory_space<vmem>>
    %dma_wait3A_280 = arith.constant 0 : i32
    %dma_wait3A_281 = arith.constant 0 : i32
    %dma_wait3A_282 = tpu.memref_slice %arg15[%dma_wait3A_280, %dma_wait3A_281] : memref<10240x16xf32, #tpu.memory_space<vmem_shared>> -> memref<10240x16xf32, #tpu.memory_space<vmem_shared>>
    tpu.wait_indirect_dma semaphore(%arg24 : memref<!tpu.dma_semaphore, #tpu.memory_space<semaphore_mem>>) src(%arg10 : memref<128x16xf32, #tpu.memory_space<vmem>>) dst(%dma_wait3A_282 : memref<10240x16xf32, #tpu.memory_space<vmem_shared>>)
    %dma_wait3A_283 = arith.constant 75 : i32
    %dma_wait3A_284 = arith.constant 0 : i32
    %dma_wait3A_285 = tpu.memref_slice %arg7[%dma_wait3A_283, %dma_wait3A_284] : memref<79x128xi32, #tpu.memory_space<vmem>> -> memref<1x128xi32, #tpu.memory_space<vmem>>
    %dma_wait3A_286 = tpu.memref_squeeze %dma_wait3A_285 : memref<1x128xi32, #tpu.memory_space<vmem>> -> memref<128xi32, #tpu.memory_space<vmem>>
    %dma_wait3A_287 = arith.constant 0 : i32
    %dma_wait3A_288 = arith.constant 0 : i32
    %dma_wait3A_289 = tpu.memref_slice %arg15[%dma_wait3A_287, %dma_wait3A_288] : memref<10240x16xf32, #tpu.memory_space<vmem_shared>> -> memref<10240x16xf32, #tpu.memory_space<vmem_shared>>
    tpu.wait_indirect_dma semaphore(%arg25 : memref<!tpu.dma_semaphore, #tpu.memory_space<semaphore_mem>>) src(%arg11 : memref<128x16xf32, #tpu.memory_space<vmem>>) dst(%dma_wait3A_289 : memref<10240x16xf32, #tpu.memory_space<vmem_shared>>)
    %dma_wait3A_290 = arith.constant 76 : i32
    %dma_wait3A_291 = arith.constant 0 : i32
    %dma_wait3A_292 = tpu.memref_slice %arg7[%dma_wait3A_290, %dma_wait3A_291] : memref<79x128xi32, #tpu.memory_space<vmem>> -> memref<1x128xi32, #tpu.memory_space<vmem>>
    %dma_wait3A_293 = tpu.memref_squeeze %dma_wait3A_292 : memref<1x128xi32, #tpu.memory_space<vmem>> -> memref<128xi32, #tpu.memory_space<vmem>>
    %dma_wait3A_294 = arith.constant 0 : i32
    %dma_wait3A_295 = arith.constant 0 : i32
    %dma_wait3A_296 = tpu.memref_slice %arg15[%dma_wait3A_294, %dma_wait3A_295] : memref<10240x16xf32, #tpu.memory_space<vmem_shared>> -> memref<10240x16xf32, #tpu.memory_space<vmem_shared>>
    tpu.wait_indirect_dma semaphore(%arg26 : memref<!tpu.dma_semaphore, #tpu.memory_space<semaphore_mem>>) src(%arg12 : memref<128x16xf32, #tpu.memory_space<vmem>>) dst(%dma_wait3A_296 : memref<10240x16xf32, #tpu.memory_space<vmem_shared>>)
    %dma_wait3A_297 = arith.constant 77 : i32
    %dma_wait3A_298 = arith.constant 0 : i32
    %dma_wait3A_299 = tpu.memref_slice %arg7[%dma_wait3A_297, %dma_wait3A_298] : memref<79x128xi32, #tpu.memory_space<vmem>> -> memref<1x128xi32, #tpu.memory_space<vmem>>
    %dma_wait3A_300 = tpu.memref_squeeze %dma_wait3A_299 : memref<1x128xi32, #tpu.memory_space<vmem>> -> memref<128xi32, #tpu.memory_space<vmem>>
    %dma_wait3A_301 = arith.constant 0 : i32
    %dma_wait3A_302 = arith.constant 0 : i32
    %dma_wait3A_303 = tpu.memref_slice %arg15[%dma_wait3A_301, %dma_wait3A_302] : memref<10240x16xf32, #tpu.memory_space<vmem_shared>> -> memref<10240x16xf32, #tpu.memory_space<vmem_shared>>
    tpu.wait_indirect_dma semaphore(%arg27 : memref<!tpu.dma_semaphore, #tpu.memory_space<semaphore_mem>>) src(%arg13 : memref<128x16xf32, #tpu.memory_space<vmem>>) dst(%dma_wait3A_303 : memref<10240x16xf32, #tpu.memory_space<vmem_shared>>)
    %convert_element_type3A_304 = arith.extui %lt3A_1 : i1 to i32
    %cond3A_305 = arith.constant 0 : i32
    %cond3A_306 = arith.cmpi ne, %convert_element_type3A_304, %cond3A_305 : i32
    scf.if %cond3A_306 {
      %dma_start3A_312 = arith.constant 78 : i32
      %dma_start3A_313 = arith.constant 0 : i32
      %dma_start3A_314 = tpu.memref_slice %arg6[%dma_start3A_312, %dma_start3A_313] : memref<79x128xi32, #tpu.memory_space<vmem>> -> memref<1x128xi32, #tpu.memory_space<vmem>>
      %dma_start3A_315 = tpu.memref_squeeze %dma_start3A_314 : memref<1x128xi32, #tpu.memory_space<vmem>> -> memref<128xi32, #tpu.memory_space<vmem>>
      %dma_start3A_316 = arith.constant 0 : i32
      %dma_start3A_317 = arith.constant 0 : i32
      %dma_start3A_318 = tpu.memref_slice %arg4[%dma_start3A_316, %dma_start3A_317] : memref<10000x16xf32, #tpu.memory_space<hbm>> -> memref<10000x16xf32, #tpu.memory_space<hbm>>
      tpu.enqueue_indirect_dma source(%dma_start3A_318 : memref<10000x16xf32, #tpu.memory_space<hbm>>) target(%arg8 : memref<128x16xf32, #tpu.memory_space<vmem>>) offsets(%dma_start3A_315 : memref<128xi32, #tpu.memory_space<vmem>>) semaphore(%arg16 : memref<!tpu.dma_semaphore, #tpu.memory_space<semaphore_mem>>)
      %dma_wait3A_319 = arith.constant 78 : i32
      %dma_wait3A_320 = arith.constant 0 : i32
      %dma_wait3A_321 = tpu.memref_slice %arg6[%dma_wait3A_319, %dma_wait3A_320] : memref<79x128xi32, #tpu.memory_space<vmem>> -> memref<1x128xi32, #tpu.memory_space<vmem>>
      %dma_wait3A_322 = tpu.memref_squeeze %dma_wait3A_321 : memref<1x128xi32, #tpu.memory_space<vmem>> -> memref<128xi32, #tpu.memory_space<vmem>>
      %dma_wait3A_323 = arith.constant 0 : i32
      %dma_wait3A_324 = arith.constant 0 : i32
      %dma_wait3A_325 = tpu.memref_slice %arg4[%dma_wait3A_323, %dma_wait3A_324] : memref<10000x16xf32, #tpu.memory_space<hbm>> -> memref<10000x16xf32, #tpu.memory_space<hbm>>
      tpu.wait_indirect_dma semaphore(%arg16 : memref<!tpu.dma_semaphore, #tpu.memory_space<semaphore_mem>>) src(%dma_wait3A_325 : memref<10000x16xf32, #tpu.memory_space<hbm>>) dst(%arg8 : memref<128x16xf32, #tpu.memory_space<vmem>>)
      %dma_start3A_326 = arith.constant 78 : i32
      %dma_start3A_327 = arith.constant 0 : i32
      %dma_start3A_328 = tpu.memref_slice %arg7[%dma_start3A_326, %dma_start3A_327] : memref<79x128xi32, #tpu.memory_space<vmem>> -> memref<1x128xi32, #tpu.memory_space<vmem>>
      %dma_start3A_329 = tpu.memref_squeeze %dma_start3A_328 : memref<1x128xi32, #tpu.memory_space<vmem>> -> memref<128xi32, #tpu.memory_space<vmem>>
      %dma_start3A_330 = arith.constant 0 : i32
      %dma_start3A_331 = arith.constant 0 : i32
      %dma_start3A_332 = tpu.memref_slice %arg15[%dma_start3A_330, %dma_start3A_331] : memref<10240x16xf32, #tpu.memory_space<vmem_shared>> -> memref<10240x16xf32, #tpu.memory_space<vmem_shared>>
      tpu.enqueue_indirect_dma source(%arg8 : memref<128x16xf32, #tpu.memory_space<vmem>>) target(%dma_start3A_332 : memref<10240x16xf32, #tpu.memory_space<vmem_shared>>) offsets(%dma_start3A_329 : memref<128xi32, #tpu.memory_space<vmem>>) semaphore(%arg22 : memref<!tpu.dma_semaphore, #tpu.memory_space<semaphore_mem>>) {add = true}
      %dma_wait3A_333 = arith.constant 78 : i32
      %dma_wait3A_334 = arith.constant 0 : i32
      %dma_wait3A_335 = tpu.memref_slice %arg7[%dma_wait3A_333, %dma_wait3A_334] : memref<79x128xi32, #tpu.memory_space<vmem>> -> memref<1x128xi32, #tpu.memory_space<vmem>>
      %dma_wait3A_336 = tpu.memref_squeeze %dma_wait3A_335 : memref<1x128xi32, #tpu.memory_space<vmem>> -> memref<128xi32, #tpu.memory_space<vmem>>
      %dma_wait3A_337 = arith.constant 0 : i32
      %dma_wait3A_338 = arith.constant 0 : i32
      %dma_wait3A_339 = tpu.memref_slice %arg15[%dma_wait3A_337, %dma_wait3A_338] : memref<10240x16xf32, #tpu.memory_space<vmem_shared>> -> memref<10240x16xf32, #tpu.memory_space<vmem_shared>>
      tpu.wait_indirect_dma semaphore(%arg22 : memref<!tpu.dma_semaphore, #tpu.memory_space<semaphore_mem>>) src(%arg8 : memref<128x16xf32, #tpu.memory_space<vmem>>) dst(%dma_wait3A_339 : memref<10240x16xf32, #tpu.memory_space<vmem_shared>>)
    } else {
    }
    %barrier3A_307 = arith.constant 0 : index
    tpu.barrier barrier_id(%barrier3A_307)
    %mul3A_308 = arith.constant 640 : i32
    %mul3A_309 = arith.muli %arg1, %mul3A_308 : i32
    %mul3A_310 = arith.constant 640 : i32
    %mul3A_311 = arith.muli %arg1, %mul3A_310 : i32
    "tpu.region"() ({
      %run_scoped3A = tpu.sem_alloc : memref<!tpu.dma_semaphore, #tpu.memory_space<semaphore_mem>>
      %dma_start3A_312 = arith.constant 0 : i32
      %dma_start3A_313 = tpu.memref_slice %arg5[%arg0, %mul3A_311, %dma_start3A_312] : memref<2x10240x16xf32, #tpu.memory_space<hbm>> -> memref<1x640x16xf32, #tpu.memory_space<hbm>>
      %dma_start3A_314 = tpu.memref_squeeze %dma_start3A_313 : memref<1x640x16xf32, #tpu.memory_space<hbm>> -> memref<640x16xf32, #tpu.memory_space<hbm>>
      %dma_start3A_315 = arith.constant 0 : i32
      %dma_start3A_316 = tpu.memref_slice %arg15[%mul3A_309, %dma_start3A_315] : memref<10240x16xf32, #tpu.memory_space<vmem_shared>> -> memref<640x16xf32, #tpu.memory_space<vmem_shared>>
      tpu.enqueue_dma source(%dma_start3A_316 : memref<640x16xf32, #tpu.memory_space<vmem_shared>>) target(%dma_start3A_314 : memref<640x16xf32, #tpu.memory_space<hbm>>) target_semaphore(%run_scoped3A : memref<!tpu.dma_semaphore, #tpu.memory_space<semaphore_mem>>)
      %dma_wait3A_317 = arith.constant 0 : i32
      %dma_wait3A_318 = tpu.memref_slice %arg5[%arg0, %mul3A_311, %dma_wait3A_317] : memref<2x10240x16xf32, #tpu.memory_space<hbm>> -> memref<1x640x16xf32, #tpu.memory_space<hbm>>
      %dma_wait3A_319 = tpu.memref_squeeze %dma_wait3A_318 : memref<1x640x16xf32, #tpu.memory_space<hbm>> -> memref<640x16xf32, #tpu.memory_space<hbm>>
      %dma_wait3A_320 = arith.constant 0 : i32
      %dma_wait3A_321 = tpu.memref_slice %arg15[%mul3A_309, %dma_wait3A_320] : memref<10240x16xf32, #tpu.memory_space<vmem_shared>> -> memref<640x16xf32, #tpu.memory_space<vmem_shared>>
      tpu.wait_dma2 semaphore(%run_scoped3A : memref<!tpu.dma_semaphore, #tpu.memory_space<semaphore_mem>>) src(%dma_wait3A_321 : memref<640x16xf32, #tpu.memory_space<vmem_shared>>) dst(%dma_wait3A_319 : memref<640x16xf32, #tpu.memory_space<hbm>>)
      tpu.yield
    }) : () -> ()
    return
  }
}

#map = affine_map<(d0, d1) -> (0, 0)>
#map1 = affine_map<(d0, d1) -> (0, 0, 0)>
module attributes {stable_mosaic.version = 14 : i64} {
  func.func @spmm(%arg0: i32, %arg1: i32, %arg2: memref<2500x128xi32, #tpu.memory_space<hbm>>, %arg3: memref<2500x128xi32, #tpu.memory_space<hbm>>, %arg4: memref<10240x16xf32, #tpu.memory_space<hbm>>, %arg5: memref<2x10240x16xf32, #tpu.memory_space<hbm>>, %arg6: memref<79x128xi32, #tpu.memory_space<vmem>>, %arg7: memref<79x128xi32, #tpu.memory_space<vmem>>, %arg8: memref<128x16xf32, #tpu.memory_space<vmem>>, %arg9: memref<128x16xf32, #tpu.memory_space<vmem>>, %arg10: memref<128x16xf32, #tpu.memory_space<vmem>>, %arg11: memref<128x16xf32, #tpu.memory_space<vmem>>, %arg12: memref<128x16xf32, #tpu.memory_space<vmem>>, %arg13: memref<128x16xf32, #tpu.memory_space<vmem>>, %arg14: memref<128x16xf32, #tpu.memory_space<vmem>>, %arg15: memref<10240x16xf32, #tpu.memory_space<vmem_shared>>, %arg16: memref<!tpu.dma_semaphore, #tpu.memory_space<semaphore_mem>>, %arg17: memref<!tpu.dma_semaphore, #tpu.memory_space<semaphore_mem>>, %arg18: memref<!tpu.dma_semaphore, #tpu.memory_space<semaphore_mem>>, %arg19: memref<!tpu.dma_semaphore, #tpu.memory_space<semaphore_mem>>, %arg20: memref<!tpu.dma_semaphore, #tpu.memory_space<semaphore_mem>>, %arg21: memref<!tpu.dma_semaphore, #tpu.memory_space<semaphore_mem>>, %arg22: memref<!tpu.dma_semaphore, #tpu.memory_space<semaphore_mem>>, %arg23: memref<!tpu.dma_semaphore, #tpu.memory_space<semaphore_mem>>, %arg24: memref<!tpu.dma_semaphore, #tpu.memory_space<semaphore_mem>>, %arg25: memref<!tpu.dma_semaphore, #tpu.memory_space<semaphore_mem>>, %arg26: memref<!tpu.dma_semaphore, #tpu.memory_space<semaphore_mem>>, %arg27: memref<!tpu.dma_semaphore, #tpu.memory_space<semaphore_mem>>, %arg28: memref<!tpu.dma_semaphore, #tpu.memory_space<semaphore_mem>>, %arg29: memref<!tpu.dma_semaphore, #tpu.memory_space<semaphore_mem>>, %arg30: memref<!tpu.dma_semaphore, #tpu.memory_space<semaphore_mem>>) attributes {dimension_semantics = [#tpu.dimension_semantics<core_parallel>, #tpu.dimension_semantics<subcore_parallel>], iteration_bounds = array<i64: 2, 16>, scalar_prefetch = 0 : i64, scratch_operands = 25 : i64, tpu.core_type = #tpu.core_type<sc_vector_subcore>, window_params = [{transform_indices = #map}, {transform_indices = #map}, {transform_indices = #map}, {transform_indices = #map1}]} {
    %mul3A = arith.constant 2 : i32
    %mul3A_0 = arith.muli %arg1, %mul3A : i32
    %add3A = arith.addi %mul3A_0, %arg0 : i32
    %lt3A = arith.constant 4 : i32
    %lt3A_1 = arith.cmpi slt, %add3A, %lt3A : i32
    %mul3A_2 = arith.constant 78 : i32
    %mul3A_3 = arith.muli %add3A, %mul3A_2 : i32
    %min3A = arith.constant 4 : i32
    %min3A_4 = arith.minsi %add3A, %min3A : i32
    %add3A_5 = arith.addi %mul3A_3, %min3A_4 : i32
    %dma_start3A = arith.constant 0 : i32
    %dma_start3A_6 = arith.constant 0 : i32
    %dma_start3A_7 = tpu.memref_slice %arg6[%dma_start3A, %dma_start3A_6] : memref<79x128xi32, #tpu.memory_space<vmem>> -> memref<78x128xi32, #tpu.memory_space<vmem>>
    %dma_start3A_8 = arith.constant 0 : i32
    %dma_start3A_9 = tpu.memref_slice %arg2[%add3A_5, %dma_start3A_8] : memref<2500x128xi32, #tpu.memory_space<hbm>> -> memref<78x128xi32, #tpu.memory_space<hbm>>
    %dma_start3A_10 = arith.constant 0 : i32
    %dma_start3A_11 = arith.constant 0 : i32
    %dma_start3A_12 = tpu.memref_slice %arg6[%dma_start3A_10, %dma_start3A_11] : memref<79x128xi32, #tpu.memory_space<vmem>> -> memref<78x128xi32, #tpu.memory_space<vmem>>
    %dma_start3A_13 = arith.constant 0 : i32
    %dma_start3A_14 = tpu.memref_slice %arg2[%add3A_5, %dma_start3A_13] : memref<2500x128xi32, #tpu.memory_space<hbm>> -> memref<78x128xi32, #tpu.memory_space<hbm>>
    tpu.enqueue_dma source(%dma_start3A_14 : memref<78x128xi32, #tpu.memory_space<hbm>>) target(%dma_start3A_12 : memref<78x128xi32, #tpu.memory_space<vmem>>) target_semaphore(%arg29 : memref<!tpu.dma_semaphore, #tpu.memory_space<semaphore_mem>>)
    %dma_start3A_15 = arith.constant 0 : i32
    %dma_start3A_16 = arith.constant 0 : i32
    %dma_start3A_17 = tpu.memref_slice %arg7[%dma_start3A_15, %dma_start3A_16] : memref<79x128xi32, #tpu.memory_space<vmem>> -> memref<78x128xi32, #tpu.memory_space<vmem>>
    %dma_start3A_18 = arith.constant 0 : i32
    %dma_start3A_19 = tpu.memref_slice %arg3[%add3A_5, %dma_start3A_18] : memref<2500x128xi32, #tpu.memory_space<hbm>> -> memref<78x128xi32, #tpu.memory_space<hbm>>
    %dma_start3A_20 = arith.constant 0 : i32
    %dma_start3A_21 = arith.constant 0 : i32
    %dma_start3A_22 = tpu.memref_slice %arg7[%dma_start3A_20, %dma_start3A_21] : memref<79x128xi32, #tpu.memory_space<vmem>> -> memref<78x128xi32, #tpu.memory_space<vmem>>
    %dma_start3A_23 = arith.constant 0 : i32
    %dma_start3A_24 = tpu.memref_slice %arg3[%add3A_5, %dma_start3A_23] : memref<2500x128xi32, #tpu.memory_space<hbm>> -> memref<78x128xi32, #tpu.memory_space<hbm>>
    tpu.enqueue_dma source(%dma_start3A_24 : memref<78x128xi32, #tpu.memory_space<hbm>>) target(%dma_start3A_22 : memref<78x128xi32, #tpu.memory_space<vmem>>) target_semaphore(%arg30 : memref<!tpu.dma_semaphore, #tpu.memory_space<semaphore_mem>>)
    %convert_element_type3A = arith.extui %lt3A_1 : i1 to i32
    %cond3A = arith.constant 0 : i32
    %cond3A_25 = arith.cmpi ne, %convert_element_type3A, %cond3A : i32
    scf.if %cond3A_25 {
      %add3A_312 = arith.constant 78 : i32
      %add3A_313 = arith.addi %add3A_5, %add3A_312 : i32
      "tpu.region"() ({
        %run_scoped3A = tpu.sem_alloc : memref<!tpu.dma_semaphore, #tpu.memory_space<semaphore_mem>>
        %dma_start3A_316 = arith.constant 78 : i32
        %dma_start3A_317 = arith.constant 0 : i32
        %dma_start3A_318 = tpu.memref_slice %arg6[%dma_start3A_316, %dma_start3A_317] : memref<79x128xi32, #tpu.memory_space<vmem>> -> memref<1x128xi32, #tpu.memory_space<vmem>>
        %dma_start3A_319 = arith.constant 0 : i32
        %dma_start3A_320 = tpu.memref_slice %arg2[%add3A_313, %dma_start3A_319] : memref<2500x128xi32, #tpu.memory_space<hbm>> -> memref<1x128xi32, #tpu.memory_space<hbm>>
        %dma_start3A_321 = arith.constant 78 : i32
        %dma_start3A_322 = arith.constant 0 : i32
        %dma_start3A_323 = tpu.memref_slice %arg6[%dma_start3A_321, %dma_start3A_322] : memref<79x128xi32, #tpu.memory_space<vmem>> -> memref<1x128xi32, #tpu.memory_space<vmem>>
        %dma_start3A_324 = arith.constant 0 : i32
        %dma_start3A_325 = tpu.memref_slice %arg2[%add3A_313, %dma_start3A_324] : memref<2500x128xi32, #tpu.memory_space<hbm>> -> memref<1x128xi32, #tpu.memory_space<hbm>>
        tpu.enqueue_dma source(%dma_start3A_325 : memref<1x128xi32, #tpu.memory_space<hbm>>) target(%dma_start3A_323 : memref<1x128xi32, #tpu.memory_space<vmem>>) target_semaphore(%run_scoped3A : memref<!tpu.dma_semaphore, #tpu.memory_space<semaphore_mem>>)
        %dma_wait3A_326 = arith.constant 78 : i32
        %dma_wait3A_327 = arith.constant 0 : i32
        %dma_wait3A_328 = tpu.memref_slice %arg6[%dma_wait3A_326, %dma_wait3A_327] : memref<79x128xi32, #tpu.memory_space<vmem>> -> memref<1x128xi32, #tpu.memory_space<vmem>>
        %dma_wait3A_329 = arith.constant 0 : i32
        %dma_wait3A_330 = tpu.memref_slice %arg2[%add3A_313, %dma_wait3A_329] : memref<2500x128xi32, #tpu.memory_space<hbm>> -> memref<1x128xi32, #tpu.memory_space<hbm>>
        %dma_wait3A_331 = arith.constant 78 : i32
        %dma_wait3A_332 = arith.constant 0 : i32
        %dma_wait3A_333 = tpu.memref_slice %arg6[%dma_wait3A_331, %dma_wait3A_332] : memref<79x128xi32, #tpu.memory_space<vmem>> -> memref<1x128xi32, #tpu.memory_space<vmem>>
        %dma_wait3A_334 = arith.constant 0 : i32
        %dma_wait3A_335 = tpu.memref_slice %arg2[%add3A_313, %dma_wait3A_334] : memref<2500x128xi32, #tpu.memory_space<hbm>> -> memref<1x128xi32, #tpu.memory_space<hbm>>
        tpu.wait_dma2 semaphore(%run_scoped3A : memref<!tpu.dma_semaphore, #tpu.memory_space<semaphore_mem>>) src(%dma_wait3A_335 : memref<1x128xi32, #tpu.memory_space<hbm>>) dst(%dma_wait3A_333 : memref<1x128xi32, #tpu.memory_space<vmem>>)
        tpu.yield
      }) : () -> ()
      %add3A_314 = arith.constant 78 : i32
      %add3A_315 = arith.addi %add3A_5, %add3A_314 : i32
      "tpu.region"() ({
        %run_scoped3A = tpu.sem_alloc : memref<!tpu.dma_semaphore, #tpu.memory_space<semaphore_mem>>
        %dma_start3A_316 = arith.constant 78 : i32
        %dma_start3A_317 = arith.constant 0 : i32
        %dma_start3A_318 = tpu.memref_slice %arg7[%dma_start3A_316, %dma_start3A_317] : memref<79x128xi32, #tpu.memory_space<vmem>> -> memref<1x128xi32, #tpu.memory_space<vmem>>
        %dma_start3A_319 = arith.constant 0 : i32
        %dma_start3A_320 = tpu.memref_slice %arg3[%add3A_315, %dma_start3A_319] : memref<2500x128xi32, #tpu.memory_space<hbm>> -> memref<1x128xi32, #tpu.memory_space<hbm>>
        %dma_start3A_321 = arith.constant 78 : i32
        %dma_start3A_322 = arith.constant 0 : i32
        %dma_start3A_323 = tpu.memref_slice %arg7[%dma_start3A_321, %dma_start3A_322] : memref<79x128xi32, #tpu.memory_space<vmem>> -> memref<1x128xi32, #tpu.memory_space<vmem>>
        %dma_start3A_324 = arith.constant 0 : i32
        %dma_start3A_325 = tpu.memref_slice %arg3[%add3A_315, %dma_start3A_324] : memref<2500x128xi32, #tpu.memory_space<hbm>> -> memref<1x128xi32, #tpu.memory_space<hbm>>
        tpu.enqueue_dma source(%dma_start3A_325 : memref<1x128xi32, #tpu.memory_space<hbm>>) target(%dma_start3A_323 : memref<1x128xi32, #tpu.memory_space<vmem>>) target_semaphore(%run_scoped3A : memref<!tpu.dma_semaphore, #tpu.memory_space<semaphore_mem>>)
        %dma_wait3A_326 = arith.constant 78 : i32
        %dma_wait3A_327 = arith.constant 0 : i32
        %dma_wait3A_328 = tpu.memref_slice %arg7[%dma_wait3A_326, %dma_wait3A_327] : memref<79x128xi32, #tpu.memory_space<vmem>> -> memref<1x128xi32, #tpu.memory_space<vmem>>
        %dma_wait3A_329 = arith.constant 0 : i32
        %dma_wait3A_330 = tpu.memref_slice %arg3[%add3A_315, %dma_wait3A_329] : memref<2500x128xi32, #tpu.memory_space<hbm>> -> memref<1x128xi32, #tpu.memory_space<hbm>>
        %dma_wait3A_331 = arith.constant 78 : i32
        %dma_wait3A_332 = arith.constant 0 : i32
        %dma_wait3A_333 = tpu.memref_slice %arg7[%dma_wait3A_331, %dma_wait3A_332] : memref<79x128xi32, #tpu.memory_space<vmem>> -> memref<1x128xi32, #tpu.memory_space<vmem>>
        %dma_wait3A_334 = arith.constant 0 : i32
        %dma_wait3A_335 = tpu.memref_slice %arg3[%add3A_315, %dma_wait3A_334] : memref<2500x128xi32, #tpu.memory_space<hbm>> -> memref<1x128xi32, #tpu.memory_space<hbm>>
        tpu.wait_dma2 semaphore(%run_scoped3A : memref<!tpu.dma_semaphore, #tpu.memory_space<semaphore_mem>>) src(%dma_wait3A_335 : memref<1x128xi32, #tpu.memory_space<hbm>>) dst(%dma_wait3A_333 : memref<1x128xi32, #tpu.memory_space<vmem>>)
        tpu.yield
      }) : () -> ()
    } else {
    }
    %scan3A = arith.constant 0 : i32
    %scan3A_26 = arith.constant 0 : i32
    %scan3A_27 = arith.constant 128 : i32
    %scan3A_28 = arith.addi %scan3A_26, %scan3A_27 : i32
    %scan3A_29 = arith.constant 1 : i32
    scf.for %scan3A_312 = %scan3A_26 to %scan3A_28 step %scan3A_29  : i32 {
      %broadcast_in_dim3A = arith.constant 0.000000e+00 : f32
      %broadcast_in_dim3A_313 = vector.broadcast %broadcast_in_dim3A : f32 to vector<16xf32>
      %swap3A = arith.index_cast %scan3A_312 : i32 to index
      %swap3A_314 = arith.constant 0 : index
      %swap3A_315 = tpu.vector_load %arg14[%swap3A, %swap3A_314] {strides = array<i32>} : memref<128x16xf32, #tpu.memory_space<vmem>>, vector<1x16xf32>,
      %swap3A_316 = vector.shape_cast %swap3A_315 : vector<1x16xf32> to vector<16xf32>
      %swap3A_317 = vector.shape_cast %broadcast_in_dim3A_313 : vector<16xf32> to vector<1x16xf32>
      tpu.vector_store %arg14[%swap3A, %swap3A_314], %swap3A_317 {strides = array<i32>} : memref<128x16xf32, #tpu.memory_space<vmem>>, vector<1x16xf32>,
    }
    %scan3A_30 = arith.constant 128 : i32
    %mul3A_31 = arith.constant 640 : i32
    %mul3A_32 = arith.muli %arg1, %mul3A_31 : i32
    %add3A_33 = arith.constant 0 : i32
    %add3A_34 = arith.addi %mul3A_32, %add3A_33 : i32
    %dma_start3A_35 = arith.constant 0 : i32
    %dma_start3A_36 = tpu.memref_slice %arg15[%add3A_34, %dma_start3A_35] : memref<10240x16xf32, #tpu.memory_space<vmem_shared>> -> memref<128x16xf32, #tpu.memory_space<vmem_shared>>
    %dma_start3A_37 = arith.constant 0 : i32
    %dma_start3A_38 = tpu.memref_slice %arg15[%add3A_34, %dma_start3A_37] : memref<10240x16xf32, #tpu.memory_space<vmem_shared>> -> memref<128x16xf32, #tpu.memory_space<vmem_shared>>
    tpu.enqueue_dma source(%arg14 : memref<128x16xf32, #tpu.memory_space<vmem>>) target(%dma_start3A_38 : memref<128x16xf32, #tpu.memory_space<vmem_shared>>) target_semaphore(%arg28 : memref<!tpu.dma_semaphore, #tpu.memory_space<semaphore_mem>>)
    %mul3A_39 = arith.constant 640 : i32
    %mul3A_40 = arith.muli %arg1, %mul3A_39 : i32
    %add3A_41 = arith.constant 128 : i32
    %add3A_42 = arith.addi %mul3A_40, %add3A_41 : i32
    %dma_start3A_43 = arith.constant 0 : i32
    %dma_start3A_44 = tpu.memref_slice %arg15[%add3A_42, %dma_start3A_43] : memref<10240x16xf32, #tpu.memory_space<vmem_shared>> -> memref<128x16xf32, #tpu.memory_space<vmem_shared>>
    %dma_start3A_45 = arith.constant 0 : i32
    %dma_start3A_46 = tpu.memref_slice %arg15[%add3A_42, %dma_start3A_45] : memref<10240x16xf32, #tpu.memory_space<vmem_shared>> -> memref<128x16xf32, #tpu.memory_space<vmem_shared>>
    tpu.enqueue_dma source(%arg14 : memref<128x16xf32, #tpu.memory_space<vmem>>) target(%dma_start3A_46 : memref<128x16xf32, #tpu.memory_space<vmem_shared>>) target_semaphore(%arg28 : memref<!tpu.dma_semaphore, #tpu.memory_space<semaphore_mem>>)
    %mul3A_47 = arith.constant 640 : i32
    %mul3A_48 = arith.muli %arg1, %mul3A_47 : i32
    %add3A_49 = arith.constant 256 : i32
    %add3A_50 = arith.addi %mul3A_48, %add3A_49 : i32
    %dma_start3A_51 = arith.constant 0 : i32
    %dma_start3A_52 = tpu.memref_slice %arg15[%add3A_50, %dma_start3A_51] : memref<10240x16xf32, #tpu.memory_space<vmem_shared>> -> memref<128x16xf32, #tpu.memory_space<vmem_shared>>
    %dma_start3A_53 = arith.constant 0 : i32
    %dma_start3A_54 = tpu.memref_slice %arg15[%add3A_50, %dma_start3A_53] : memref<10240x16xf32, #tpu.memory_space<vmem_shared>> -> memref<128x16xf32, #tpu.memory_space<vmem_shared>>
    tpu.enqueue_dma source(%arg14 : memref<128x16xf32, #tpu.memory_space<vmem>>) target(%dma_start3A_54 : memref<128x16xf32, #tpu.memory_space<vmem_shared>>) target_semaphore(%arg28 : memref<!tpu.dma_semaphore, #tpu.memory_space<semaphore_mem>>)
    %mul3A_55 = arith.constant 640 : i32
    %mul3A_56 = arith.muli %arg1, %mul3A_55 : i32
    %add3A_57 = arith.constant 384 : i32
    %add3A_58 = arith.addi %mul3A_56, %add3A_57 : i32
    %dma_start3A_59 = arith.constant 0 : i32
    %dma_start3A_60 = tpu.memref_slice %arg15[%add3A_58, %dma_start3A_59] : memref<10240x16xf32, #tpu.memory_space<vmem_shared>> -> memref<128x16xf32, #tpu.memory_space<vmem_shared>>
    %dma_start3A_61 = arith.constant 0 : i32
    %dma_start3A_62 = tpu.memref_slice %arg15[%add3A_58, %dma_start3A_61] : memref<10240x16xf32, #tpu.memory_space<vmem_shared>> -> memref<128x16xf32, #tpu.memory_space<vmem_shared>>
    tpu.enqueue_dma source(%arg14 : memref<128x16xf32, #tpu.memory_space<vmem>>) target(%dma_start3A_62 : memref<128x16xf32, #tpu.memory_space<vmem_shared>>) target_semaphore(%arg28 : memref<!tpu.dma_semaphore, #tpu.memory_space<semaphore_mem>>)
    %mul3A_63 = arith.constant 640 : i32
    %mul3A_64 = arith.muli %arg1, %mul3A_63 : i32
    %add3A_65 = arith.constant 512 : i32
    %add3A_66 = arith.addi %mul3A_64, %add3A_65 : i32
    %dma_start3A_67 = arith.constant 0 : i32
    %dma_start3A_68 = tpu.memref_slice %arg15[%add3A_66, %dma_start3A_67] : memref<10240x16xf32, #tpu.memory_space<vmem_shared>> -> memref<128x16xf32, #tpu.memory_space<vmem_shared>>
    %dma_start3A_69 = arith.constant 0 : i32
    %dma_start3A_70 = tpu.memref_slice %arg15[%add3A_66, %dma_start3A_69] : memref<10240x16xf32, #tpu.memory_space<vmem_shared>> -> memref<128x16xf32, #tpu.memory_space<vmem_shared>>
    tpu.enqueue_dma source(%arg14 : memref<128x16xf32, #tpu.memory_space<vmem>>) target(%dma_start3A_70 : memref<128x16xf32, #tpu.memory_space<vmem_shared>>) target_semaphore(%arg28 : memref<!tpu.dma_semaphore, #tpu.memory_space<semaphore_mem>>)
    %dma_wait3A = arith.constant 0 : i32
    %dma_wait3A_71 = arith.constant 0 : i32
    %dma_wait3A_72 = tpu.memref_slice %arg6[%dma_wait3A, %dma_wait3A_71] : memref<79x128xi32, #tpu.memory_space<vmem>> -> memref<78x128xi32, #tpu.memory_space<vmem>>
    %dma_wait3A_73 = arith.constant 0 : i32
    %dma_wait3A_74 = tpu.memref_slice %arg2[%add3A_5, %dma_wait3A_73] : memref<2500x128xi32, #tpu.memory_space<hbm>> -> memref<78x128xi32, #tpu.memory_space<hbm>>
    %dma_wait3A_75 = arith.constant 0 : i32
    %dma_wait3A_76 = arith.constant 0 : i32
    %dma_wait3A_77 = tpu.memref_slice %arg6[%dma_wait3A_75, %dma_wait3A_76] : memref<79x128xi32, #tpu.memory_space<vmem>> -> memref<78x128xi32, #tpu.memory_space<vmem>>
    %dma_wait3A_78 = arith.constant 0 : i32
    %dma_wait3A_79 = tpu.memref_slice %arg2[%add3A_5, %dma_wait3A_78] : memref<2500x128xi32, #tpu.memory_space<hbm>> -> memref<78x128xi32, #tpu.memory_space<hbm>>
    tpu.wait_dma2 semaphore(%arg29 : memref<!tpu.dma_semaphore, #tpu.memory_space<semaphore_mem>>) src(%dma_wait3A_79 : memref<78x128xi32, #tpu.memory_space<hbm>>) dst(%dma_wait3A_77 : memref<78x128xi32, #tpu.memory_space<vmem>>)
    %dma_start3A_80 = arith.constant 0 : i32
    %dma_start3A_81 = arith.constant 0 : i32
    %dma_start3A_82 = tpu.memref_slice %arg6[%dma_start3A_80, %dma_start3A_81] : memref<79x128xi32, #tpu.memory_space<vmem>> -> memref<1x128xi32, #tpu.memory_space<vmem>>
    %dma_start3A_83 = tpu.memref_squeeze %dma_start3A_82 : memref<1x128xi32, #tpu.memory_space<vmem>> -> memref<128xi32, #tpu.memory_space<vmem>>
    %dma_start3A_84 = arith.constant 0 : i32
    %dma_start3A_85 = arith.constant 0 : i32
    %dma_start3A_86 = tpu.memref_slice %arg4[%dma_start3A_84, %dma_start3A_85] : memref<10240x16xf32, #tpu.memory_space<hbm>> -> memref<10240x16xf32, #tpu.memory_space<hbm>>
    tpu.enqueue_indirect_dma source(%dma_start3A_86 : memref<10240x16xf32, #tpu.memory_space<hbm>>) target(%arg8 : memref<128x16xf32, #tpu.memory_space<vmem>>) offsets(%dma_start3A_83 : memref<128xi32, #tpu.memory_space<vmem>>) semaphore(%arg16 : memref<!tpu.dma_semaphore, #tpu.memory_space<semaphore_mem>>)
    %dma_start3A_87 = arith.constant 1 : i32
    %dma_start3A_88 = arith.constant 0 : i32
    %dma_start3A_89 = tpu.memref_slice %arg6[%dma_start3A_87, %dma_start3A_88] : memref<79x128xi32, #tpu.memory_space<vmem>> -> memref<1x128xi32, #tpu.memory_space<vmem>>
    %dma_start3A_90 = tpu.memref_squeeze %dma_start3A_89 : memref<1x128xi32, #tpu.memory_space<vmem>> -> memref<128xi32, #tpu.memory_space<vmem>>
    %dma_start3A_91 = arith.constant 0 : i32
    %dma_start3A_92 = arith.constant 0 : i32
    %dma_start3A_93 = tpu.memref_slice %arg4[%dma_start3A_91, %dma_start3A_92] : memref<10240x16xf32, #tpu.memory_space<hbm>> -> memref<10240x16xf32, #tpu.memory_space<hbm>>
    tpu.enqueue_indirect_dma source(%dma_start3A_93 : memref<10240x16xf32, #tpu.memory_space<hbm>>) target(%arg9 : memref<128x16xf32, #tpu.memory_space<vmem>>) offsets(%dma_start3A_90 : memref<128xi32, #tpu.memory_space<vmem>>) semaphore(%arg17 : memref<!tpu.dma_semaphore, #tpu.memory_space<semaphore_mem>>)
    %dma_start3A_94 = arith.constant 2 : i32
    %dma_start3A_95 = arith.constant 0 : i32
    %dma_start3A_96 = tpu.memref_slice %arg6[%dma_start3A_94, %dma_start3A_95] : memref<79x128xi32, #tpu.memory_space<vmem>> -> memref<1x128xi32, #tpu.memory_space<vmem>>
    %dma_start3A_97 = tpu.memref_squeeze %dma_start3A_96 : memref<1x128xi32, #tpu.memory_space<vmem>> -> memref<128xi32, #tpu.memory_space<vmem>>
    %dma_start3A_98 = arith.constant 0 : i32
    %dma_start3A_99 = arith.constant 0 : i32
    %dma_start3A_100 = tpu.memref_slice %arg4[%dma_start3A_98, %dma_start3A_99] : memref<10240x16xf32, #tpu.memory_space<hbm>> -> memref<10240x16xf32, #tpu.memory_space<hbm>>
    tpu.enqueue_indirect_dma source(%dma_start3A_100 : memref<10240x16xf32, #tpu.memory_space<hbm>>) target(%arg10 : memref<128x16xf32, #tpu.memory_space<vmem>>) offsets(%dma_start3A_97 : memref<128xi32, #tpu.memory_space<vmem>>) semaphore(%arg18 : memref<!tpu.dma_semaphore, #tpu.memory_space<semaphore_mem>>)
    %dma_start3A_101 = arith.constant 3 : i32
    %dma_start3A_102 = arith.constant 0 : i32
    %dma_start3A_103 = tpu.memref_slice %arg6[%dma_start3A_101, %dma_start3A_102] : memref<79x128xi32, #tpu.memory_space<vmem>> -> memref<1x128xi32, #tpu.memory_space<vmem>>
    %dma_start3A_104 = tpu.memref_squeeze %dma_start3A_103 : memref<1x128xi32, #tpu.memory_space<vmem>> -> memref<128xi32, #tpu.memory_space<vmem>>
    %dma_start3A_105 = arith.constant 0 : i32
    %dma_start3A_106 = arith.constant 0 : i32
    %dma_start3A_107 = tpu.memref_slice %arg4[%dma_start3A_105, %dma_start3A_106] : memref<10240x16xf32, #tpu.memory_space<hbm>> -> memref<10240x16xf32, #tpu.memory_space<hbm>>
    tpu.enqueue_indirect_dma source(%dma_start3A_107 : memref<10240x16xf32, #tpu.memory_space<hbm>>) target(%arg11 : memref<128x16xf32, #tpu.memory_space<vmem>>) offsets(%dma_start3A_104 : memref<128xi32, #tpu.memory_space<vmem>>) semaphore(%arg19 : memref<!tpu.dma_semaphore, #tpu.memory_space<semaphore_mem>>)
    %dma_start3A_108 = arith.constant 4 : i32
    %dma_start3A_109 = arith.constant 0 : i32
    %dma_start3A_110 = tpu.memref_slice %arg6[%dma_start3A_108, %dma_start3A_109] : memref<79x128xi32, #tpu.memory_space<vmem>> -> memref<1x128xi32, #tpu.memory_space<vmem>>
    %dma_start3A_111 = tpu.memref_squeeze %dma_start3A_110 : memref<1x128xi32, #tpu.memory_space<vmem>> -> memref<128xi32, #tpu.memory_space<vmem>>
    %dma_start3A_112 = arith.constant 0 : i32
    %dma_start3A_113 = arith.constant 0 : i32
    %dma_start3A_114 = tpu.memref_slice %arg4[%dma_start3A_112, %dma_start3A_113] : memref<10240x16xf32, #tpu.memory_space<hbm>> -> memref<10240x16xf32, #tpu.memory_space<hbm>>
    tpu.enqueue_indirect_dma source(%dma_start3A_114 : memref<10240x16xf32, #tpu.memory_space<hbm>>) target(%arg12 : memref<128x16xf32, #tpu.memory_space<vmem>>) offsets(%dma_start3A_111 : memref<128xi32, #tpu.memory_space<vmem>>) semaphore(%arg20 : memref<!tpu.dma_semaphore, #tpu.memory_space<semaphore_mem>>)
    %dma_start3A_115 = arith.constant 5 : i32
    %dma_start3A_116 = arith.constant 0 : i32
    %dma_start3A_117 = tpu.memref_slice %arg6[%dma_start3A_115, %dma_start3A_116] : memref<79x128xi32, #tpu.memory_space<vmem>> -> memref<1x128xi32, #tpu.memory_space<vmem>>
    %dma_start3A_118 = tpu.memref_squeeze %dma_start3A_117 : memref<1x128xi32, #tpu.memory_space<vmem>> -> memref<128xi32, #tpu.memory_space<vmem>>
    %dma_start3A_119 = arith.constant 0 : i32
    %dma_start3A_120 = arith.constant 0 : i32
    %dma_start3A_121 = tpu.memref_slice %arg4[%dma_start3A_119, %dma_start3A_120] : memref<10240x16xf32, #tpu.memory_space<hbm>> -> memref<10240x16xf32, #tpu.memory_space<hbm>>
    tpu.enqueue_indirect_dma source(%dma_start3A_121 : memref<10240x16xf32, #tpu.memory_space<hbm>>) target(%arg13 : memref<128x16xf32, #tpu.memory_space<vmem>>) offsets(%dma_start3A_118 : memref<128xi32, #tpu.memory_space<vmem>>) semaphore(%arg21 : memref<!tpu.dma_semaphore, #tpu.memory_space<semaphore_mem>>)
    %dma_wait3A_122 = arith.constant 0 : i32
    %dma_wait3A_123 = arith.constant 0 : i32
    %dma_wait3A_124 = tpu.memref_slice %arg7[%dma_wait3A_122, %dma_wait3A_123] : memref<79x128xi32, #tpu.memory_space<vmem>> -> memref<78x128xi32, #tpu.memory_space<vmem>>
    %dma_wait3A_125 = arith.constant 0 : i32
    %dma_wait3A_126 = tpu.memref_slice %arg3[%add3A_5, %dma_wait3A_125] : memref<2500x128xi32, #tpu.memory_space<hbm>> -> memref<78x128xi32, #tpu.memory_space<hbm>>
    %dma_wait3A_127 = arith.constant 0 : i32
    %dma_wait3A_128 = arith.constant 0 : i32
    %dma_wait3A_129 = tpu.memref_slice %arg7[%dma_wait3A_127, %dma_wait3A_128] : memref<79x128xi32, #tpu.memory_space<vmem>> -> memref<78x128xi32, #tpu.memory_space<vmem>>
    %dma_wait3A_130 = arith.constant 0 : i32
    %dma_wait3A_131 = tpu.memref_slice %arg3[%add3A_5, %dma_wait3A_130] : memref<2500x128xi32, #tpu.memory_space<hbm>> -> memref<78x128xi32, #tpu.memory_space<hbm>>
    tpu.wait_dma2 semaphore(%arg30 : memref<!tpu.dma_semaphore, #tpu.memory_space<semaphore_mem>>) src(%dma_wait3A_131 : memref<78x128xi32, #tpu.memory_space<hbm>>) dst(%dma_wait3A_129 : memref<78x128xi32, #tpu.memory_space<vmem>>)
    %mul3A_132 = arith.constant 640 : i32
    %mul3A_133 = arith.muli %arg1, %mul3A_132 : i32
    %add3A_134 = arith.constant 0 : i32
    %add3A_135 = arith.addi %mul3A_133, %add3A_134 : i32
    %dma_wait3A_136 = arith.constant 0 : i32
    %dma_wait3A_137 = tpu.memref_slice %arg15[%add3A_135, %dma_wait3A_136] : memref<10240x16xf32, #tpu.memory_space<vmem_shared>> -> memref<128x16xf32, #tpu.memory_space<vmem_shared>>
    %dma_wait3A_138 = arith.constant 0 : i32
    %dma_wait3A_139 = tpu.memref_slice %arg15[%add3A_135, %dma_wait3A_138] : memref<10240x16xf32, #tpu.memory_space<vmem_shared>> -> memref<128x16xf32, #tpu.memory_space<vmem_shared>>
    tpu.wait_dma2 semaphore(%arg28 : memref<!tpu.dma_semaphore, #tpu.memory_space<semaphore_mem>>) src(%arg14 : memref<128x16xf32, #tpu.memory_space<vmem>>) dst(%dma_wait3A_139 : memref<128x16xf32, #tpu.memory_space<vmem_shared>>)
    %mul3A_140 = arith.constant 640 : i32
    %mul3A_141 = arith.muli %arg1, %mul3A_140 : i32
    %add3A_142 = arith.constant 128 : i32
    %add3A_143 = arith.addi %mul3A_141, %add3A_142 : i32
    %dma_wait3A_144 = arith.constant 0 : i32
    %dma_wait3A_145 = tpu.memref_slice %arg15[%add3A_143, %dma_wait3A_144] : memref<10240x16xf32, #tpu.memory_space<vmem_shared>> -> memref<128x16xf32, #tpu.memory_space<vmem_shared>>
    %dma_wait3A_146 = arith.constant 0 : i32
    %dma_wait3A_147 = tpu.memref_slice %arg15[%add3A_143, %dma_wait3A_146] : memref<10240x16xf32, #tpu.memory_space<vmem_shared>> -> memref<128x16xf32, #tpu.memory_space<vmem_shared>>
    tpu.wait_dma2 semaphore(%arg28 : memref<!tpu.dma_semaphore, #tpu.memory_space<semaphore_mem>>) src(%arg14 : memref<128x16xf32, #tpu.memory_space<vmem>>) dst(%dma_wait3A_147 : memref<128x16xf32, #tpu.memory_space<vmem_shared>>)
    %mul3A_148 = arith.constant 640 : i32
    %mul3A_149 = arith.muli %arg1, %mul3A_148 : i32
    %add3A_150 = arith.constant 256 : i32
    %add3A_151 = arith.addi %mul3A_149, %add3A_150 : i32
    %dma_wait3A_152 = arith.constant 0 : i32
    %dma_wait3A_153 = tpu.memref_slice %arg15[%add3A_151, %dma_wait3A_152] : memref<10240x16xf32, #tpu.memory_space<vmem_shared>> -> memref<128x16xf32, #tpu.memory_space<vmem_shared>>
    %dma_wait3A_154 = arith.constant 0 : i32
    %dma_wait3A_155 = tpu.memref_slice %arg15[%add3A_151, %dma_wait3A_154] : memref<10240x16xf32, #tpu.memory_space<vmem_shared>> -> memref<128x16xf32, #tpu.memory_space<vmem_shared>>
    tpu.wait_dma2 semaphore(%arg28 : memref<!tpu.dma_semaphore, #tpu.memory_space<semaphore_mem>>) src(%arg14 : memref<128x16xf32, #tpu.memory_space<vmem>>) dst(%dma_wait3A_155 : memref<128x16xf32, #tpu.memory_space<vmem_shared>>)
    %mul3A_156 = arith.constant 640 : i32
    %mul3A_157 = arith.muli %arg1, %mul3A_156 : i32
    %add3A_158 = arith.constant 384 : i32
    %add3A_159 = arith.addi %mul3A_157, %add3A_158 : i32
    %dma_wait3A_160 = arith.constant 0 : i32
    %dma_wait3A_161 = tpu.memref_slice %arg15[%add3A_159, %dma_wait3A_160] : memref<10240x16xf32, #tpu.memory_space<vmem_shared>> -> memref<128x16xf32, #tpu.memory_space<vmem_shared>>
    %dma_wait3A_162 = arith.constant 0 : i32
    %dma_wait3A_163 = tpu.memref_slice %arg15[%add3A_159, %dma_wait3A_162] : memref<10240x16xf32, #tpu.memory_space<vmem_shared>> -> memref<128x16xf32, #tpu.memory_space<vmem_shared>>
    tpu.wait_dma2 semaphore(%arg28 : memref<!tpu.dma_semaphore, #tpu.memory_space<semaphore_mem>>) src(%arg14 : memref<128x16xf32, #tpu.memory_space<vmem>>) dst(%dma_wait3A_163 : memref<128x16xf32, #tpu.memory_space<vmem_shared>>)
    %mul3A_164 = arith.constant 640 : i32
    %mul3A_165 = arith.muli %arg1, %mul3A_164 : i32
    %add3A_166 = arith.constant 512 : i32
    %add3A_167 = arith.addi %mul3A_165, %add3A_166 : i32
    %dma_wait3A_168 = arith.constant 0 : i32
    %dma_wait3A_169 = tpu.memref_slice %arg15[%add3A_167, %dma_wait3A_168] : memref<10240x16xf32, #tpu.memory_space<vmem_shared>> -> memref<128x16xf32, #tpu.memory_space<vmem_shared>>
    %dma_wait3A_170 = arith.constant 0 : i32
    %dma_wait3A_171 = tpu.memref_slice %arg15[%add3A_167, %dma_wait3A_170] : memref<10240x16xf32, #tpu.memory_space<vmem_shared>> -> memref<128x16xf32, #tpu.memory_space<vmem_shared>>
    tpu.wait_dma2 semaphore(%arg28 : memref<!tpu.dma_semaphore, #tpu.memory_space<semaphore_mem>>) src(%arg14 : memref<128x16xf32, #tpu.memory_space<vmem>>) dst(%dma_wait3A_171 : memref<128x16xf32, #tpu.memory_space<vmem_shared>>)
    %barrier3A = arith.constant 0 : index
    tpu.barrier barrier_id(%barrier3A)
    %scan3A_172 = arith.constant 0 : i32
    %scan3A_173 = arith.constant 0 : i32
    %scan3A_174 = arith.constant 12 : i32
    %scan3A_175 = arith.addi %scan3A_173, %scan3A_174 : i32
    %scan3A_176 = arith.constant 1 : i32
    scf.for %scan3A_312 = %scan3A_173 to %scan3A_175 step %scan3A_176  : i32 {
      %mul3A_313 = arith.constant 6 : i32
      %mul3A_314 = arith.muli %mul3A_313, %scan3A_312 : i32
      %add3A_315 = arith.constant 0 : i32
      %add3A_316 = arith.addi %mul3A_314, %add3A_315 : i32
      %dma_wait3A_317 = arith.constant 0 : i32
      %dma_wait3A_318 = tpu.memref_slice %arg6[%add3A_316, %dma_wait3A_317] : memref<79x128xi32, #tpu.memory_space<vmem>> -> memref<1x128xi32, #tpu.memory_space<vmem>>
      %dma_wait3A_319 = tpu.memref_squeeze %dma_wait3A_318 : memref<1x128xi32, #tpu.memory_space<vmem>> -> memref<128xi32, #tpu.memory_space<vmem>>
      %dma_wait3A_320 = arith.constant 0 : i32
      %dma_wait3A_321 = arith.constant 0 : i32
      %dma_wait3A_322 = tpu.memref_slice %arg4[%dma_wait3A_320, %dma_wait3A_321] : memref<10240x16xf32, #tpu.memory_space<hbm>> -> memref<10240x16xf32, #tpu.memory_space<hbm>>
      tpu.wait_indirect_dma semaphore(%arg16 : memref<!tpu.dma_semaphore, #tpu.memory_space<semaphore_mem>>) src(%dma_wait3A_322 : memref<10240x16xf32, #tpu.memory_space<hbm>>) dst(%arg8 : memref<128x16xf32, #tpu.memory_space<vmem>>)
      %add3A_323 = arith.constant 0 : i32
      %add3A_324 = arith.addi %mul3A_314, %add3A_323 : i32
      %dma_start3A_325 = arith.constant 0 : i32
      %dma_start3A_326 = tpu.memref_slice %arg7[%add3A_324, %dma_start3A_325] : memref<79x128xi32, #tpu.memory_space<vmem>> -> memref<1x128xi32, #tpu.memory_space<vmem>>
      %dma_start3A_327 = tpu.memref_squeeze %dma_start3A_326 : memref<1x128xi32, #tpu.memory_space<vmem>> -> memref<128xi32, #tpu.memory_space<vmem>>
      %dma_start3A_328 = arith.constant 0 : i32
      %dma_start3A_329 = arith.constant 0 : i32
      %dma_start3A_330 = tpu.memref_slice %arg15[%dma_start3A_328, %dma_start3A_329] : memref<10240x16xf32, #tpu.memory_space<vmem_shared>> -> memref<10240x16xf32, #tpu.memory_space<vmem_shared>>
      tpu.enqueue_indirect_dma source(%arg8 : memref<128x16xf32, #tpu.memory_space<vmem>>) target(%dma_start3A_330 : memref<10240x16xf32, #tpu.memory_space<vmem_shared>>) offsets(%dma_start3A_327 : memref<128xi32, #tpu.memory_space<vmem>>) semaphore(%arg22 : memref<!tpu.dma_semaphore, #tpu.memory_space<semaphore_mem>>) {add = true}
      %add3A_331 = arith.constant 1 : i32
      %add3A_332 = arith.addi %mul3A_314, %add3A_331 : i32
      %dma_wait3A_333 = arith.constant 0 : i32
      %dma_wait3A_334 = tpu.memref_slice %arg6[%add3A_332, %dma_wait3A_333] : memref<79x128xi32, #tpu.memory_space<vmem>> -> memref<1x128xi32, #tpu.memory_space<vmem>>
      %dma_wait3A_335 = tpu.memref_squeeze %dma_wait3A_334 : memref<1x128xi32, #tpu.memory_space<vmem>> -> memref<128xi32, #tpu.memory_space<vmem>>
      %dma_wait3A_336 = arith.constant 0 : i32
      %dma_wait3A_337 = arith.constant 0 : i32
      %dma_wait3A_338 = tpu.memref_slice %arg4[%dma_wait3A_336, %dma_wait3A_337] : memref<10240x16xf32, #tpu.memory_space<hbm>> -> memref<10240x16xf32, #tpu.memory_space<hbm>>
      tpu.wait_indirect_dma semaphore(%arg17 : memref<!tpu.dma_semaphore, #tpu.memory_space<semaphore_mem>>) src(%dma_wait3A_338 : memref<10240x16xf32, #tpu.memory_space<hbm>>) dst(%arg9 : memref<128x16xf32, #tpu.memory_space<vmem>>)
      %add3A_339 = arith.constant 1 : i32
      %add3A_340 = arith.addi %mul3A_314, %add3A_339 : i32
      %dma_start3A_341 = arith.constant 0 : i32
      %dma_start3A_342 = tpu.memref_slice %arg7[%add3A_340, %dma_start3A_341] : memref<79x128xi32, #tpu.memory_space<vmem>> -> memref<1x128xi32, #tpu.memory_space<vmem>>
      %dma_start3A_343 = tpu.memref_squeeze %dma_start3A_342 : memref<1x128xi32, #tpu.memory_space<vmem>> -> memref<128xi32, #tpu.memory_space<vmem>>
      %dma_start3A_344 = arith.constant 0 : i32
      %dma_start3A_345 = arith.constant 0 : i32
      %dma_start3A_346 = tpu.memref_slice %arg15[%dma_start3A_344, %dma_start3A_345] : memref<10240x16xf32, #tpu.memory_space<vmem_shared>> -> memref<10240x16xf32, #tpu.memory_space<vmem_shared>>
      tpu.enqueue_indirect_dma source(%arg9 : memref<128x16xf32, #tpu.memory_space<vmem>>) target(%dma_start3A_346 : memref<10240x16xf32, #tpu.memory_space<vmem_shared>>) offsets(%dma_start3A_343 : memref<128xi32, #tpu.memory_space<vmem>>) semaphore(%arg23 : memref<!tpu.dma_semaphore, #tpu.memory_space<semaphore_mem>>) {add = true}
      %add3A_347 = arith.constant 2 : i32
      %add3A_348 = arith.addi %mul3A_314, %add3A_347 : i32
      %dma_wait3A_349 = arith.constant 0 : i32
      %dma_wait3A_350 = tpu.memref_slice %arg6[%add3A_348, %dma_wait3A_349] : memref<79x128xi32, #tpu.memory_space<vmem>> -> memref<1x128xi32, #tpu.memory_space<vmem>>
      %dma_wait3A_351 = tpu.memref_squeeze %dma_wait3A_350 : memref<1x128xi32, #tpu.memory_space<vmem>> -> memref<128xi32, #tpu.memory_space<vmem>>
      %dma_wait3A_352 = arith.constant 0 : i32
      %dma_wait3A_353 = arith.constant 0 : i32
      %dma_wait3A_354 = tpu.memref_slice %arg4[%dma_wait3A_352, %dma_wait3A_353] : memref<10240x16xf32, #tpu.memory_space<hbm>> -> memref<10240x16xf32, #tpu.memory_space<hbm>>
      tpu.wait_indirect_dma semaphore(%arg18 : memref<!tpu.dma_semaphore, #tpu.memory_space<semaphore_mem>>) src(%dma_wait3A_354 : memref<10240x16xf32, #tpu.memory_space<hbm>>) dst(%arg10 : memref<128x16xf32, #tpu.memory_space<vmem>>)
      %add3A_355 = arith.constant 2 : i32
      %add3A_356 = arith.addi %mul3A_314, %add3A_355 : i32
      %dma_start3A_357 = arith.constant 0 : i32
      %dma_start3A_358 = tpu.memref_slice %arg7[%add3A_356, %dma_start3A_357] : memref<79x128xi32, #tpu.memory_space<vmem>> -> memref<1x128xi32, #tpu.memory_space<vmem>>
      %dma_start3A_359 = tpu.memref_squeeze %dma_start3A_358 : memref<1x128xi32, #tpu.memory_space<vmem>> -> memref<128xi32, #tpu.memory_space<vmem>>
      %dma_start3A_360 = arith.constant 0 : i32
      %dma_start3A_361 = arith.constant 0 : i32
      %dma_start3A_362 = tpu.memref_slice %arg15[%dma_start3A_360, %dma_start3A_361] : memref<10240x16xf32, #tpu.memory_space<vmem_shared>> -> memref<10240x16xf32, #tpu.memory_space<vmem_shared>>
      tpu.enqueue_indirect_dma source(%arg10 : memref<128x16xf32, #tpu.memory_space<vmem>>) target(%dma_start3A_362 : memref<10240x16xf32, #tpu.memory_space<vmem_shared>>) offsets(%dma_start3A_359 : memref<128xi32, #tpu.memory_space<vmem>>) semaphore(%arg24 : memref<!tpu.dma_semaphore, #tpu.memory_space<semaphore_mem>>) {add = true}
      %add3A_363 = arith.constant 3 : i32
      %add3A_364 = arith.addi %mul3A_314, %add3A_363 : i32
      %dma_wait3A_365 = arith.constant 0 : i32
      %dma_wait3A_366 = tpu.memref_slice %arg6[%add3A_364, %dma_wait3A_365] : memref<79x128xi32, #tpu.memory_space<vmem>> -> memref<1x128xi32, #tpu.memory_space<vmem>>
      %dma_wait3A_367 = tpu.memref_squeeze %dma_wait3A_366 : memref<1x128xi32, #tpu.memory_space<vmem>> -> memref<128xi32, #tpu.memory_space<vmem>>
      %dma_wait3A_368 = arith.constant 0 : i32
      %dma_wait3A_369 = arith.constant 0 : i32
      %dma_wait3A_370 = tpu.memref_slice %arg4[%dma_wait3A_368, %dma_wait3A_369] : memref<10240x16xf32, #tpu.memory_space<hbm>> -> memref<10240x16xf32, #tpu.memory_space<hbm>>
      tpu.wait_indirect_dma semaphore(%arg19 : memref<!tpu.dma_semaphore, #tpu.memory_space<semaphore_mem>>) src(%dma_wait3A_370 : memref<10240x16xf32, #tpu.memory_space<hbm>>) dst(%arg11 : memref<128x16xf32, #tpu.memory_space<vmem>>)
      %add3A_371 = arith.constant 3 : i32
      %add3A_372 = arith.addi %mul3A_314, %add3A_371 : i32
      %dma_start3A_373 = arith.constant 0 : i32
      %dma_start3A_374 = tpu.memref_slice %arg7[%add3A_372, %dma_start3A_373] : memref<79x128xi32, #tpu.memory_space<vmem>> -> memref<1x128xi32, #tpu.memory_space<vmem>>
      %dma_start3A_375 = tpu.memref_squeeze %dma_start3A_374 : memref<1x128xi32, #tpu.memory_space<vmem>> -> memref<128xi32, #tpu.memory_space<vmem>>
      %dma_start3A_376 = arith.constant 0 : i32
      %dma_start3A_377 = arith.constant 0 : i32
      %dma_start3A_378 = tpu.memref_slice %arg15[%dma_start3A_376, %dma_start3A_377] : memref<10240x16xf32, #tpu.memory_space<vmem_shared>> -> memref<10240x16xf32, #tpu.memory_space<vmem_shared>>
      tpu.enqueue_indirect_dma source(%arg11 : memref<128x16xf32, #tpu.memory_space<vmem>>) target(%dma_start3A_378 : memref<10240x16xf32, #tpu.memory_space<vmem_shared>>) offsets(%dma_start3A_375 : memref<128xi32, #tpu.memory_space<vmem>>) semaphore(%arg25 : memref<!tpu.dma_semaphore, #tpu.memory_space<semaphore_mem>>) {add = true}
      %add3A_379 = arith.constant 4 : i32
      %add3A_380 = arith.addi %mul3A_314, %add3A_379 : i32
      %dma_wait3A_381 = arith.constant 0 : i32
      %dma_wait3A_382 = tpu.memref_slice %arg6[%add3A_380, %dma_wait3A_381] : memref<79x128xi32, #tpu.memory_space<vmem>> -> memref<1x128xi32, #tpu.memory_space<vmem>>
      %dma_wait3A_383 = tpu.memref_squeeze %dma_wait3A_382 : memref<1x128xi32, #tpu.memory_space<vmem>> -> memref<128xi32, #tpu.memory_space<vmem>>
      %dma_wait3A_384 = arith.constant 0 : i32
      %dma_wait3A_385 = arith.constant 0 : i32
      %dma_wait3A_386 = tpu.memref_slice %arg4[%dma_wait3A_384, %dma_wait3A_385] : memref<10240x16xf32, #tpu.memory_space<hbm>> -> memref<10240x16xf32, #tpu.memory_space<hbm>>
      tpu.wait_indirect_dma semaphore(%arg20 : memref<!tpu.dma_semaphore, #tpu.memory_space<semaphore_mem>>) src(%dma_wait3A_386 : memref<10240x16xf32, #tpu.memory_space<hbm>>) dst(%arg12 : memref<128x16xf32, #tpu.memory_space<vmem>>)
      %add3A_387 = arith.constant 4 : i32
      %add3A_388 = arith.addi %mul3A_314, %add3A_387 : i32
      %dma_start3A_389 = arith.constant 0 : i32
      %dma_start3A_390 = tpu.memref_slice %arg7[%add3A_388, %dma_start3A_389] : memref<79x128xi32, #tpu.memory_space<vmem>> -> memref<1x128xi32, #tpu.memory_space<vmem>>
      %dma_start3A_391 = tpu.memref_squeeze %dma_start3A_390 : memref<1x128xi32, #tpu.memory_space<vmem>> -> memref<128xi32, #tpu.memory_space<vmem>>
      %dma_start3A_392 = arith.constant 0 : i32
      %dma_start3A_393 = arith.constant 0 : i32
      %dma_start3A_394 = tpu.memref_slice %arg15[%dma_start3A_392, %dma_start3A_393] : memref<10240x16xf32, #tpu.memory_space<vmem_shared>> -> memref<10240x16xf32, #tpu.memory_space<vmem_shared>>
      tpu.enqueue_indirect_dma source(%arg12 : memref<128x16xf32, #tpu.memory_space<vmem>>) target(%dma_start3A_394 : memref<10240x16xf32, #tpu.memory_space<vmem_shared>>) offsets(%dma_start3A_391 : memref<128xi32, #tpu.memory_space<vmem>>) semaphore(%arg26 : memref<!tpu.dma_semaphore, #tpu.memory_space<semaphore_mem>>) {add = true}
      %add3A_395 = arith.constant 5 : i32
      %add3A_396 = arith.addi %mul3A_314, %add3A_395 : i32
      %dma_wait3A_397 = arith.constant 0 : i32
      %dma_wait3A_398 = tpu.memref_slice %arg6[%add3A_396, %dma_wait3A_397] : memref<79x128xi32, #tpu.memory_space<vmem>> -> memref<1x128xi32, #tpu.memory_space<vmem>>
      %dma_wait3A_399 = tpu.memref_squeeze %dma_wait3A_398 : memref<1x128xi32, #tpu.memory_space<vmem>> -> memref<128xi32, #tpu.memory_space<vmem>>
      %dma_wait3A_400 = arith.constant 0 : i32
      %dma_wait3A_401 = arith.constant 0 : i32
      %dma_wait3A_402 = tpu.memref_slice %arg4[%dma_wait3A_400, %dma_wait3A_401] : memref<10240x16xf32, #tpu.memory_space<hbm>> -> memref<10240x16xf32, #tpu.memory_space<hbm>>
      tpu.wait_indirect_dma semaphore(%arg21 : memref<!tpu.dma_semaphore, #tpu.memory_space<semaphore_mem>>) src(%dma_wait3A_402 : memref<10240x16xf32, #tpu.memory_space<hbm>>) dst(%arg13 : memref<128x16xf32, #tpu.memory_space<vmem>>)
      %add3A_403 = arith.constant 5 : i32
      %add3A_404 = arith.addi %mul3A_314, %add3A_403 : i32
      %dma_start3A_405 = arith.constant 0 : i32
      %dma_start3A_406 = tpu.memref_slice %arg7[%add3A_404, %dma_start3A_405] : memref<79x128xi32, #tpu.memory_space<vmem>> -> memref<1x128xi32, #tpu.memory_space<vmem>>
      %dma_start3A_407 = tpu.memref_squeeze %dma_start3A_406 : memref<1x128xi32, #tpu.memory_space<vmem>> -> memref<128xi32, #tpu.memory_space<vmem>>
      %dma_start3A_408 = arith.constant 0 : i32
      %dma_start3A_409 = arith.constant 0 : i32
      %dma_start3A_410 = tpu.memref_slice %arg15[%dma_start3A_408, %dma_start3A_409] : memref<10240x16xf32, #tpu.memory_space<vmem_shared>> -> memref<10240x16xf32, #tpu.memory_space<vmem_shared>>
      tpu.enqueue_indirect_dma source(%arg13 : memref<128x16xf32, #tpu.memory_space<vmem>>) target(%dma_start3A_410 : memref<10240x16xf32, #tpu.memory_space<vmem_shared>>) offsets(%dma_start3A_407 : memref<128xi32, #tpu.memory_space<vmem>>) semaphore(%arg27 : memref<!tpu.dma_semaphore, #tpu.memory_space<semaphore_mem>>) {add = true}
      %add3A_411 = arith.constant 0 : i32
      %add3A_412 = arith.addi %mul3A_314, %add3A_411 : i32
      %dma_wait3A_413 = arith.constant 0 : i32
      %dma_wait3A_414 = tpu.memref_slice %arg7[%add3A_412, %dma_wait3A_413] : memref<79x128xi32, #tpu.memory_space<vmem>> -> memref<1x128xi32, #tpu.memory_space<vmem>>
      %dma_wait3A_415 = tpu.memref_squeeze %dma_wait3A_414 : memref<1x128xi32, #tpu.memory_space<vmem>> -> memref<128xi32, #tpu.memory_space<vmem>>
      %dma_wait3A_416 = arith.constant 0 : i32
      %dma_wait3A_417 = arith.constant 0 : i32
      %dma_wait3A_418 = tpu.memref_slice %arg15[%dma_wait3A_416, %dma_wait3A_417] : memref<10240x16xf32, #tpu.memory_space<vmem_shared>> -> memref<10240x16xf32, #tpu.memory_space<vmem_shared>>
      tpu.wait_indirect_dma semaphore(%arg22 : memref<!tpu.dma_semaphore, #tpu.memory_space<semaphore_mem>>) src(%arg8 : memref<128x16xf32, #tpu.memory_space<vmem>>) dst(%dma_wait3A_418 : memref<10240x16xf32, #tpu.memory_space<vmem_shared>>)
      %add3A_419 = arith.constant 0 : i32
      %add3A_420 = arith.addi %mul3A_314, %add3A_419 : i32
      %add3A_421 = arith.constant 6 : i32
      %add3A_422 = arith.addi %add3A_420, %add3A_421 : i32
      %dma_start3A_423 = arith.constant 0 : i32
      %dma_start3A_424 = tpu.memref_slice %arg6[%add3A_422, %dma_start3A_423] : memref<79x128xi32, #tpu.memory_space<vmem>> -> memref<1x128xi32, #tpu.memory_space<vmem>>
      %dma_start3A_425 = tpu.memref_squeeze %dma_start3A_424 : memref<1x128xi32, #tpu.memory_space<vmem>> -> memref<128xi32, #tpu.memory_space<vmem>>
      %dma_start3A_426 = arith.constant 0 : i32
      %dma_start3A_427 = arith.constant 0 : i32
      %dma_start3A_428 = tpu.memref_slice %arg4[%dma_start3A_426, %dma_start3A_427] : memref<10240x16xf32, #tpu.memory_space<hbm>> -> memref<10240x16xf32, #tpu.memory_space<hbm>>
      tpu.enqueue_indirect_dma source(%dma_start3A_428 : memref<10240x16xf32, #tpu.memory_space<hbm>>) target(%arg8 : memref<128x16xf32, #tpu.memory_space<vmem>>) offsets(%dma_start3A_425 : memref<128xi32, #tpu.memory_space<vmem>>) semaphore(%arg16 : memref<!tpu.dma_semaphore, #tpu.memory_space<semaphore_mem>>)
      %add3A_429 = arith.constant 1 : i32
      %add3A_430 = arith.addi %mul3A_314, %add3A_429 : i32
      %dma_wait3A_431 = arith.constant 0 : i32
      %dma_wait3A_432 = tpu.memref_slice %arg7[%add3A_430, %dma_wait3A_431] : memref<79x128xi32, #tpu.memory_space<vmem>> -> memref<1x128xi32, #tpu.memory_space<vmem>>
      %dma_wait3A_433 = tpu.memref_squeeze %dma_wait3A_432 : memref<1x128xi32, #tpu.memory_space<vmem>> -> memref<128xi32, #tpu.memory_space<vmem>>
      %dma_wait3A_434 = arith.constant 0 : i32
      %dma_wait3A_435 = arith.constant 0 : i32
      %dma_wait3A_436 = tpu.memref_slice %arg15[%dma_wait3A_434, %dma_wait3A_435] : memref<10240x16xf32, #tpu.memory_space<vmem_shared>> -> memref<10240x16xf32, #tpu.memory_space<vmem_shared>>
      tpu.wait_indirect_dma semaphore(%arg23 : memref<!tpu.dma_semaphore, #tpu.memory_space<semaphore_mem>>) src(%arg9 : memref<128x16xf32, #tpu.memory_space<vmem>>) dst(%dma_wait3A_436 : memref<10240x16xf32, #tpu.memory_space<vmem_shared>>)
      %add3A_437 = arith.constant 1 : i32
      %add3A_438 = arith.addi %mul3A_314, %add3A_437 : i32
      %add3A_439 = arith.constant 6 : i32
      %add3A_440 = arith.addi %add3A_438, %add3A_439 : i32
      %dma_start3A_441 = arith.constant 0 : i32
      %dma_start3A_442 = tpu.memref_slice %arg6[%add3A_440, %dma_start3A_441] : memref<79x128xi32, #tpu.memory_space<vmem>> -> memref<1x128xi32, #tpu.memory_space<vmem>>
      %dma_start3A_443 = tpu.memref_squeeze %dma_start3A_442 : memref<1x128xi32, #tpu.memory_space<vmem>> -> memref<128xi32, #tpu.memory_space<vmem>>
      %dma_start3A_444 = arith.constant 0 : i32
      %dma_start3A_445 = arith.constant 0 : i32
      %dma_start3A_446 = tpu.memref_slice %arg4[%dma_start3A_444, %dma_start3A_445] : memref<10240x16xf32, #tpu.memory_space<hbm>> -> memref<10240x16xf32, #tpu.memory_space<hbm>>
      tpu.enqueue_indirect_dma source(%dma_start3A_446 : memref<10240x16xf32, #tpu.memory_space<hbm>>) target(%arg9 : memref<128x16xf32, #tpu.memory_space<vmem>>) offsets(%dma_start3A_443 : memref<128xi32, #tpu.memory_space<vmem>>) semaphore(%arg17 : memref<!tpu.dma_semaphore, #tpu.memory_space<semaphore_mem>>)
      %add3A_447 = arith.constant 2 : i32
      %add3A_448 = arith.addi %mul3A_314, %add3A_447 : i32
      %dma_wait3A_449 = arith.constant 0 : i32
      %dma_wait3A_450 = tpu.memref_slice %arg7[%add3A_448, %dma_wait3A_449] : memref<79x128xi32, #tpu.memory_space<vmem>> -> memref<1x128xi32, #tpu.memory_space<vmem>>
      %dma_wait3A_451 = tpu.memref_squeeze %dma_wait3A_450 : memref<1x128xi32, #tpu.memory_space<vmem>> -> memref<128xi32, #tpu.memory_space<vmem>>
      %dma_wait3A_452 = arith.constant 0 : i32
      %dma_wait3A_453 = arith.constant 0 : i32
      %dma_wait3A_454 = tpu.memref_slice %arg15[%dma_wait3A_452, %dma_wait3A_453] : memref<10240x16xf32, #tpu.memory_space<vmem_shared>> -> memref<10240x16xf32, #tpu.memory_space<vmem_shared>>
      tpu.wait_indirect_dma semaphore(%arg24 : memref<!tpu.dma_semaphore, #tpu.memory_space<semaphore_mem>>) src(%arg10 : memref<128x16xf32, #tpu.memory_space<vmem>>) dst(%dma_wait3A_454 : memref<10240x16xf32, #tpu.memory_space<vmem_shared>>)
      %add3A_455 = arith.constant 2 : i32
      %add3A_456 = arith.addi %mul3A_314, %add3A_455 : i32
      %add3A_457 = arith.constant 6 : i32
      %add3A_458 = arith.addi %add3A_456, %add3A_457 : i32
      %dma_start3A_459 = arith.constant 0 : i32
      %dma_start3A_460 = tpu.memref_slice %arg6[%add3A_458, %dma_start3A_459] : memref<79x128xi32, #tpu.memory_space<vmem>> -> memref<1x128xi32, #tpu.memory_space<vmem>>
      %dma_start3A_461 = tpu.memref_squeeze %dma_start3A_460 : memref<1x128xi32, #tpu.memory_space<vmem>> -> memref<128xi32, #tpu.memory_space<vmem>>
      %dma_start3A_462 = arith.constant 0 : i32
      %dma_start3A_463 = arith.constant 0 : i32
      %dma_start3A_464 = tpu.memref_slice %arg4[%dma_start3A_462, %dma_start3A_463] : memref<10240x16xf32, #tpu.memory_space<hbm>> -> memref<10240x16xf32, #tpu.memory_space<hbm>>
      tpu.enqueue_indirect_dma source(%dma_start3A_464 : memref<10240x16xf32, #tpu.memory_space<hbm>>) target(%arg10 : memref<128x16xf32, #tpu.memory_space<vmem>>) offsets(%dma_start3A_461 : memref<128xi32, #tpu.memory_space<vmem>>) semaphore(%arg18 : memref<!tpu.dma_semaphore, #tpu.memory_space<semaphore_mem>>)
      %add3A_465 = arith.constant 3 : i32
      %add3A_466 = arith.addi %mul3A_314, %add3A_465 : i32
      %dma_wait3A_467 = arith.constant 0 : i32
      %dma_wait3A_468 = tpu.memref_slice %arg7[%add3A_466, %dma_wait3A_467] : memref<79x128xi32, #tpu.memory_space<vmem>> -> memref<1x128xi32, #tpu.memory_space<vmem>>
      %dma_wait3A_469 = tpu.memref_squeeze %dma_wait3A_468 : memref<1x128xi32, #tpu.memory_space<vmem>> -> memref<128xi32, #tpu.memory_space<vmem>>
      %dma_wait3A_470 = arith.constant 0 : i32
      %dma_wait3A_471 = arith.constant 0 : i32
      %dma_wait3A_472 = tpu.memref_slice %arg15[%dma_wait3A_470, %dma_wait3A_471] : memref<10240x16xf32, #tpu.memory_space<vmem_shared>> -> memref<10240x16xf32, #tpu.memory_space<vmem_shared>>
      tpu.wait_indirect_dma semaphore(%arg25 : memref<!tpu.dma_semaphore, #tpu.memory_space<semaphore_mem>>) src(%arg11 : memref<128x16xf32, #tpu.memory_space<vmem>>) dst(%dma_wait3A_472 : memref<10240x16xf32, #tpu.memory_space<vmem_shared>>)
      %add3A_473 = arith.constant 3 : i32
      %add3A_474 = arith.addi %mul3A_314, %add3A_473 : i32
      %add3A_475 = arith.constant 6 : i32
      %add3A_476 = arith.addi %add3A_474, %add3A_475 : i32
      %dma_start3A_477 = arith.constant 0 : i32
      %dma_start3A_478 = tpu.memref_slice %arg6[%add3A_476, %dma_start3A_477] : memref<79x128xi32, #tpu.memory_space<vmem>> -> memref<1x128xi32, #tpu.memory_space<vmem>>
      %dma_start3A_479 = tpu.memref_squeeze %dma_start3A_478 : memref<1x128xi32, #tpu.memory_space<vmem>> -> memref<128xi32, #tpu.memory_space<vmem>>
      %dma_start3A_480 = arith.constant 0 : i32
      %dma_start3A_481 = arith.constant 0 : i32
      %dma_start3A_482 = tpu.memref_slice %arg4[%dma_start3A_480, %dma_start3A_481] : memref<10240x16xf32, #tpu.memory_space<hbm>> -> memref<10240x16xf32, #tpu.memory_space<hbm>>
      tpu.enqueue_indirect_dma source(%dma_start3A_482 : memref<10240x16xf32, #tpu.memory_space<hbm>>) target(%arg11 : memref<128x16xf32, #tpu.memory_space<vmem>>) offsets(%dma_start3A_479 : memref<128xi32, #tpu.memory_space<vmem>>) semaphore(%arg19 : memref<!tpu.dma_semaphore, #tpu.memory_space<semaphore_mem>>)
      %add3A_483 = arith.constant 4 : i32
      %add3A_484 = arith.addi %mul3A_314, %add3A_483 : i32
      %dma_wait3A_485 = arith.constant 0 : i32
      %dma_wait3A_486 = tpu.memref_slice %arg7[%add3A_484, %dma_wait3A_485] : memref<79x128xi32, #tpu.memory_space<vmem>> -> memref<1x128xi32, #tpu.memory_space<vmem>>
      %dma_wait3A_487 = tpu.memref_squeeze %dma_wait3A_486 : memref<1x128xi32, #tpu.memory_space<vmem>> -> memref<128xi32, #tpu.memory_space<vmem>>
      %dma_wait3A_488 = arith.constant 0 : i32
      %dma_wait3A_489 = arith.constant 0 : i32
      %dma_wait3A_490 = tpu.memref_slice %arg15[%dma_wait3A_488, %dma_wait3A_489] : memref<10240x16xf32, #tpu.memory_space<vmem_shared>> -> memref<10240x16xf32, #tpu.memory_space<vmem_shared>>
      tpu.wait_indirect_dma semaphore(%arg26 : memref<!tpu.dma_semaphore, #tpu.memory_space<semaphore_mem>>) src(%arg12 : memref<128x16xf32, #tpu.memory_space<vmem>>) dst(%dma_wait3A_490 : memref<10240x16xf32, #tpu.memory_space<vmem_shared>>)
      %add3A_491 = arith.constant 4 : i32
      %add3A_492 = arith.addi %mul3A_314, %add3A_491 : i32
      %add3A_493 = arith.constant 6 : i32
      %add3A_494 = arith.addi %add3A_492, %add3A_493 : i32
      %dma_start3A_495 = arith.constant 0 : i32
      %dma_start3A_496 = tpu.memref_slice %arg6[%add3A_494, %dma_start3A_495] : memref<79x128xi32, #tpu.memory_space<vmem>> -> memref<1x128xi32, #tpu.memory_space<vmem>>
      %dma_start3A_497 = tpu.memref_squeeze %dma_start3A_496 : memref<1x128xi32, #tpu.memory_space<vmem>> -> memref<128xi32, #tpu.memory_space<vmem>>
      %dma_start3A_498 = arith.constant 0 : i32
      %dma_start3A_499 = arith.constant 0 : i32
      %dma_start3A_500 = tpu.memref_slice %arg4[%dma_start3A_498, %dma_start3A_499] : memref<10240x16xf32, #tpu.memory_space<hbm>> -> memref<10240x16xf32, #tpu.memory_space<hbm>>
      tpu.enqueue_indirect_dma source(%dma_start3A_500 : memref<10240x16xf32, #tpu.memory_space<hbm>>) target(%arg12 : memref<128x16xf32, #tpu.memory_space<vmem>>) offsets(%dma_start3A_497 : memref<128xi32, #tpu.memory_space<vmem>>) semaphore(%arg20 : memref<!tpu.dma_semaphore, #tpu.memory_space<semaphore_mem>>)
      %add3A_501 = arith.constant 5 : i32
      %add3A_502 = arith.addi %mul3A_314, %add3A_501 : i32
      %dma_wait3A_503 = arith.constant 0 : i32
      %dma_wait3A_504 = tpu.memref_slice %arg7[%add3A_502, %dma_wait3A_503] : memref<79x128xi32, #tpu.memory_space<vmem>> -> memref<1x128xi32, #tpu.memory_space<vmem>>
      %dma_wait3A_505 = tpu.memref_squeeze %dma_wait3A_504 : memref<1x128xi32, #tpu.memory_space<vmem>> -> memref<128xi32, #tpu.memory_space<vmem>>
      %dma_wait3A_506 = arith.constant 0 : i32
      %dma_wait3A_507 = arith.constant 0 : i32
      %dma_wait3A_508 = tpu.memref_slice %arg15[%dma_wait3A_506, %dma_wait3A_507] : memref<10240x16xf32, #tpu.memory_space<vmem_shared>> -> memref<10240x16xf32, #tpu.memory_space<vmem_shared>>
      tpu.wait_indirect_dma semaphore(%arg27 : memref<!tpu.dma_semaphore, #tpu.memory_space<semaphore_mem>>) src(%arg13 : memref<128x16xf32, #tpu.memory_space<vmem>>) dst(%dma_wait3A_508 : memref<10240x16xf32, #tpu.memory_space<vmem_shared>>)
      %add3A_509 = arith.constant 5 : i32
      %add3A_510 = arith.addi %mul3A_314, %add3A_509 : i32
      %add3A_511 = arith.constant 6 : i32
      %add3A_512 = arith.addi %add3A_510, %add3A_511 : i32
      %dma_start3A_513 = arith.constant 0 : i32
      %dma_start3A_514 = tpu.memref_slice %arg6[%add3A_512, %dma_start3A_513] : memref<79x128xi32, #tpu.memory_space<vmem>> -> memref<1x128xi32, #tpu.memory_space<vmem>>
      %dma_start3A_515 = tpu.memref_squeeze %dma_start3A_514 : memref<1x128xi32, #tpu.memory_space<vmem>> -> memref<128xi32, #tpu.memory_space<vmem>>
      %dma_start3A_516 = arith.constant 0 : i32
      %dma_start3A_517 = arith.constant 0 : i32
      %dma_start3A_518 = tpu.memref_slice %arg4[%dma_start3A_516, %dma_start3A_517] : memref<10240x16xf32, #tpu.memory_space<hbm>> -> memref<10240x16xf32, #tpu.memory_space<hbm>>
      tpu.enqueue_indirect_dma source(%dma_start3A_518 : memref<10240x16xf32, #tpu.memory_space<hbm>>) target(%arg13 : memref<128x16xf32, #tpu.memory_space<vmem>>) offsets(%dma_start3A_515 : memref<128xi32, #tpu.memory_space<vmem>>) semaphore(%arg21 : memref<!tpu.dma_semaphore, #tpu.memory_space<semaphore_mem>>)
    }
    %scan3A_177 = arith.constant 12 : i32
    %dma_wait3A_178 = arith.constant 72 : i32
    %dma_wait3A_179 = arith.constant 0 : i32
    %dma_wait3A_180 = tpu.memref_slice %arg6[%dma_wait3A_178, %dma_wait3A_179] : memref<79x128xi32, #tpu.memory_space<vmem>> -> memref<1x128xi32, #tpu.memory_space<vmem>>
    %dma_wait3A_181 = tpu.memref_squeeze %dma_wait3A_180 : memref<1x128xi32, #tpu.memory_space<vmem>> -> memref<128xi32, #tpu.memory_space<vmem>>
    %dma_wait3A_182 = arith.constant 0 : i32
    %dma_wait3A_183 = arith.constant 0 : i32
    %dma_wait3A_184 = tpu.memref_slice %arg4[%dma_wait3A_182, %dma_wait3A_183] : memref<10240x16xf32, #tpu.memory_space<hbm>> -> memref<10240x16xf32, #tpu.memory_space<hbm>>
    tpu.wait_indirect_dma semaphore(%arg16 : memref<!tpu.dma_semaphore, #tpu.memory_space<semaphore_mem>>) src(%dma_wait3A_184 : memref<10240x16xf32, #tpu.memory_space<hbm>>) dst(%arg8 : memref<128x16xf32, #tpu.memory_space<vmem>>)
    %dma_start3A_185 = arith.constant 72 : i32
    %dma_start3A_186 = arith.constant 0 : i32
    %dma_start3A_187 = tpu.memref_slice %arg7[%dma_start3A_185, %dma_start3A_186] : memref<79x128xi32, #tpu.memory_space<vmem>> -> memref<1x128xi32, #tpu.memory_space<vmem>>
    %dma_start3A_188 = tpu.memref_squeeze %dma_start3A_187 : memref<1x128xi32, #tpu.memory_space<vmem>> -> memref<128xi32, #tpu.memory_space<vmem>>
    %dma_start3A_189 = arith.constant 0 : i32
    %dma_start3A_190 = arith.constant 0 : i32
    %dma_start3A_191 = tpu.memref_slice %arg15[%dma_start3A_189, %dma_start3A_190] : memref<10240x16xf32, #tpu.memory_space<vmem_shared>> -> memref<10240x16xf32, #tpu.memory_space<vmem_shared>>
    tpu.enqueue_indirect_dma source(%arg8 : memref<128x16xf32, #tpu.memory_space<vmem>>) target(%dma_start3A_191 : memref<10240x16xf32, #tpu.memory_space<vmem_shared>>) offsets(%dma_start3A_188 : memref<128xi32, #tpu.memory_space<vmem>>) semaphore(%arg22 : memref<!tpu.dma_semaphore, #tpu.memory_space<semaphore_mem>>) {add = true}
    %dma_wait3A_192 = arith.constant 73 : i32
    %dma_wait3A_193 = arith.constant 0 : i32
    %dma_wait3A_194 = tpu.memref_slice %arg6[%dma_wait3A_192, %dma_wait3A_193] : memref<79x128xi32, #tpu.memory_space<vmem>> -> memref<1x128xi32, #tpu.memory_space<vmem>>
    %dma_wait3A_195 = tpu.memref_squeeze %dma_wait3A_194 : memref<1x128xi32, #tpu.memory_space<vmem>> -> memref<128xi32, #tpu.memory_space<vmem>>
    %dma_wait3A_196 = arith.constant 0 : i32
    %dma_wait3A_197 = arith.constant 0 : i32
    %dma_wait3A_198 = tpu.memref_slice %arg4[%dma_wait3A_196, %dma_wait3A_197] : memref<10240x16xf32, #tpu.memory_space<hbm>> -> memref<10240x16xf32, #tpu.memory_space<hbm>>
    tpu.wait_indirect_dma semaphore(%arg17 : memref<!tpu.dma_semaphore, #tpu.memory_space<semaphore_mem>>) src(%dma_wait3A_198 : memref<10240x16xf32, #tpu.memory_space<hbm>>) dst(%arg9 : memref<128x16xf32, #tpu.memory_space<vmem>>)
    %dma_start3A_199 = arith.constant 73 : i32
    %dma_start3A_200 = arith.constant 0 : i32
    %dma_start3A_201 = tpu.memref_slice %arg7[%dma_start3A_199, %dma_start3A_200] : memref<79x128xi32, #tpu.memory_space<vmem>> -> memref<1x128xi32, #tpu.memory_space<vmem>>
    %dma_start3A_202 = tpu.memref_squeeze %dma_start3A_201 : memref<1x128xi32, #tpu.memory_space<vmem>> -> memref<128xi32, #tpu.memory_space<vmem>>
    %dma_start3A_203 = arith.constant 0 : i32
    %dma_start3A_204 = arith.constant 0 : i32
    %dma_start3A_205 = tpu.memref_slice %arg15[%dma_start3A_203, %dma_start3A_204] : memref<10240x16xf32, #tpu.memory_space<vmem_shared>> -> memref<10240x16xf32, #tpu.memory_space<vmem_shared>>
    tpu.enqueue_indirect_dma source(%arg9 : memref<128x16xf32, #tpu.memory_space<vmem>>) target(%dma_start3A_205 : memref<10240x16xf32, #tpu.memory_space<vmem_shared>>) offsets(%dma_start3A_202 : memref<128xi32, #tpu.memory_space<vmem>>) semaphore(%arg23 : memref<!tpu.dma_semaphore, #tpu.memory_space<semaphore_mem>>) {add = true}
    %dma_wait3A_206 = arith.constant 74 : i32
    %dma_wait3A_207 = arith.constant 0 : i32
    %dma_wait3A_208 = tpu.memref_slice %arg6[%dma_wait3A_206, %dma_wait3A_207] : memref<79x128xi32, #tpu.memory_space<vmem>> -> memref<1x128xi32, #tpu.memory_space<vmem>>
    %dma_wait3A_209 = tpu.memref_squeeze %dma_wait3A_208 : memref<1x128xi32, #tpu.memory_space<vmem>> -> memref<128xi32, #tpu.memory_space<vmem>>
    %dma_wait3A_210 = arith.constant 0 : i32
    %dma_wait3A_211 = arith.constant 0 : i32
    %dma_wait3A_212 = tpu.memref_slice %arg4[%dma_wait3A_210, %dma_wait3A_211] : memref<10240x16xf32, #tpu.memory_space<hbm>> -> memref<10240x16xf32, #tpu.memory_space<hbm>>
    tpu.wait_indirect_dma semaphore(%arg18 : memref<!tpu.dma_semaphore, #tpu.memory_space<semaphore_mem>>) src(%dma_wait3A_212 : memref<10240x16xf32, #tpu.memory_space<hbm>>) dst(%arg10 : memref<128x16xf32, #tpu.memory_space<vmem>>)
    %dma_start3A_213 = arith.constant 74 : i32
    %dma_start3A_214 = arith.constant 0 : i32
    %dma_start3A_215 = tpu.memref_slice %arg7[%dma_start3A_213, %dma_start3A_214] : memref<79x128xi32, #tpu.memory_space<vmem>> -> memref<1x128xi32, #tpu.memory_space<vmem>>
    %dma_start3A_216 = tpu.memref_squeeze %dma_start3A_215 : memref<1x128xi32, #tpu.memory_space<vmem>> -> memref<128xi32, #tpu.memory_space<vmem>>
    %dma_start3A_217 = arith.constant 0 : i32
    %dma_start3A_218 = arith.constant 0 : i32
    %dma_start3A_219 = tpu.memref_slice %arg15[%dma_start3A_217, %dma_start3A_218] : memref<10240x16xf32, #tpu.memory_space<vmem_shared>> -> memref<10240x16xf32, #tpu.memory_space<vmem_shared>>
    tpu.enqueue_indirect_dma source(%arg10 : memref<128x16xf32, #tpu.memory_space<vmem>>) target(%dma_start3A_219 : memref<10240x16xf32, #tpu.memory_space<vmem_shared>>) offsets(%dma_start3A_216 : memref<128xi32, #tpu.memory_space<vmem>>) semaphore(%arg24 : memref<!tpu.dma_semaphore, #tpu.memory_space<semaphore_mem>>) {add = true}
    %dma_wait3A_220 = arith.constant 75 : i32
    %dma_wait3A_221 = arith.constant 0 : i32
    %dma_wait3A_222 = tpu.memref_slice %arg6[%dma_wait3A_220, %dma_wait3A_221] : memref<79x128xi32, #tpu.memory_space<vmem>> -> memref<1x128xi32, #tpu.memory_space<vmem>>
    %dma_wait3A_223 = tpu.memref_squeeze %dma_wait3A_222 : memref<1x128xi32, #tpu.memory_space<vmem>> -> memref<128xi32, #tpu.memory_space<vmem>>
    %dma_wait3A_224 = arith.constant 0 : i32
    %dma_wait3A_225 = arith.constant 0 : i32
    %dma_wait3A_226 = tpu.memref_slice %arg4[%dma_wait3A_224, %dma_wait3A_225] : memref<10240x16xf32, #tpu.memory_space<hbm>> -> memref<10240x16xf32, #tpu.memory_space<hbm>>
    tpu.wait_indirect_dma semaphore(%arg19 : memref<!tpu.dma_semaphore, #tpu.memory_space<semaphore_mem>>) src(%dma_wait3A_226 : memref<10240x16xf32, #tpu.memory_space<hbm>>) dst(%arg11 : memref<128x16xf32, #tpu.memory_space<vmem>>)
    %dma_start3A_227 = arith.constant 75 : i32
    %dma_start3A_228 = arith.constant 0 : i32
    %dma_start3A_229 = tpu.memref_slice %arg7[%dma_start3A_227, %dma_start3A_228] : memref<79x128xi32, #tpu.memory_space<vmem>> -> memref<1x128xi32, #tpu.memory_space<vmem>>
    %dma_start3A_230 = tpu.memref_squeeze %dma_start3A_229 : memref<1x128xi32, #tpu.memory_space<vmem>> -> memref<128xi32, #tpu.memory_space<vmem>>
    %dma_start3A_231 = arith.constant 0 : i32
    %dma_start3A_232 = arith.constant 0 : i32
    %dma_start3A_233 = tpu.memref_slice %arg15[%dma_start3A_231, %dma_start3A_232] : memref<10240x16xf32, #tpu.memory_space<vmem_shared>> -> memref<10240x16xf32, #tpu.memory_space<vmem_shared>>
    tpu.enqueue_indirect_dma source(%arg11 : memref<128x16xf32, #tpu.memory_space<vmem>>) target(%dma_start3A_233 : memref<10240x16xf32, #tpu.memory_space<vmem_shared>>) offsets(%dma_start3A_230 : memref<128xi32, #tpu.memory_space<vmem>>) semaphore(%arg25 : memref<!tpu.dma_semaphore, #tpu.memory_space<semaphore_mem>>) {add = true}
    %dma_wait3A_234 = arith.constant 76 : i32
    %dma_wait3A_235 = arith.constant 0 : i32
    %dma_wait3A_236 = tpu.memref_slice %arg6[%dma_wait3A_234, %dma_wait3A_235] : memref<79x128xi32, #tpu.memory_space<vmem>> -> memref<1x128xi32, #tpu.memory_space<vmem>>
    %dma_wait3A_237 = tpu.memref_squeeze %dma_wait3A_236 : memref<1x128xi32, #tpu.memory_space<vmem>> -> memref<128xi32, #tpu.memory_space<vmem>>
    %dma_wait3A_238 = arith.constant 0 : i32
    %dma_wait3A_239 = arith.constant 0 : i32
    %dma_wait3A_240 = tpu.memref_slice %arg4[%dma_wait3A_238, %dma_wait3A_239] : memref<10240x16xf32, #tpu.memory_space<hbm>> -> memref<10240x16xf32, #tpu.memory_space<hbm>>
    tpu.wait_indirect_dma semaphore(%arg20 : memref<!tpu.dma_semaphore, #tpu.memory_space<semaphore_mem>>) src(%dma_wait3A_240 : memref<10240x16xf32, #tpu.memory_space<hbm>>) dst(%arg12 : memref<128x16xf32, #tpu.memory_space<vmem>>)
    %dma_start3A_241 = arith.constant 76 : i32
    %dma_start3A_242 = arith.constant 0 : i32
    %dma_start3A_243 = tpu.memref_slice %arg7[%dma_start3A_241, %dma_start3A_242] : memref<79x128xi32, #tpu.memory_space<vmem>> -> memref<1x128xi32, #tpu.memory_space<vmem>>
    %dma_start3A_244 = tpu.memref_squeeze %dma_start3A_243 : memref<1x128xi32, #tpu.memory_space<vmem>> -> memref<128xi32, #tpu.memory_space<vmem>>
    %dma_start3A_245 = arith.constant 0 : i32
    %dma_start3A_246 = arith.constant 0 : i32
    %dma_start3A_247 = tpu.memref_slice %arg15[%dma_start3A_245, %dma_start3A_246] : memref<10240x16xf32, #tpu.memory_space<vmem_shared>> -> memref<10240x16xf32, #tpu.memory_space<vmem_shared>>
    tpu.enqueue_indirect_dma source(%arg12 : memref<128x16xf32, #tpu.memory_space<vmem>>) target(%dma_start3A_247 : memref<10240x16xf32, #tpu.memory_space<vmem_shared>>) offsets(%dma_start3A_244 : memref<128xi32, #tpu.memory_space<vmem>>) semaphore(%arg26 : memref<!tpu.dma_semaphore, #tpu.memory_space<semaphore_mem>>) {add = true}
    %dma_wait3A_248 = arith.constant 77 : i32
    %dma_wait3A_249 = arith.constant 0 : i32
    %dma_wait3A_250 = tpu.memref_slice %arg6[%dma_wait3A_248, %dma_wait3A_249] : memref<79x128xi32, #tpu.memory_space<vmem>> -> memref<1x128xi32, #tpu.memory_space<vmem>>
    %dma_wait3A_251 = tpu.memref_squeeze %dma_wait3A_250 : memref<1x128xi32, #tpu.memory_space<vmem>> -> memref<128xi32, #tpu.memory_space<vmem>>
    %dma_wait3A_252 = arith.constant 0 : i32
    %dma_wait3A_253 = arith.constant 0 : i32
    %dma_wait3A_254 = tpu.memref_slice %arg4[%dma_wait3A_252, %dma_wait3A_253] : memref<10240x16xf32, #tpu.memory_space<hbm>> -> memref<10240x16xf32, #tpu.memory_space<hbm>>
    tpu.wait_indirect_dma semaphore(%arg21 : memref<!tpu.dma_semaphore, #tpu.memory_space<semaphore_mem>>) src(%dma_wait3A_254 : memref<10240x16xf32, #tpu.memory_space<hbm>>) dst(%arg13 : memref<128x16xf32, #tpu.memory_space<vmem>>)
    %dma_start3A_255 = arith.constant 77 : i32
    %dma_start3A_256 = arith.constant 0 : i32
    %dma_start3A_257 = tpu.memref_slice %arg7[%dma_start3A_255, %dma_start3A_256] : memref<79x128xi32, #tpu.memory_space<vmem>> -> memref<1x128xi32, #tpu.memory_space<vmem>>
    %dma_start3A_258 = tpu.memref_squeeze %dma_start3A_257 : memref<1x128xi32, #tpu.memory_space<vmem>> -> memref<128xi32, #tpu.memory_space<vmem>>
    %dma_start3A_259 = arith.constant 0 : i32
    %dma_start3A_260 = arith.constant 0 : i32
    %dma_start3A_261 = tpu.memref_slice %arg15[%dma_start3A_259, %dma_start3A_260] : memref<10240x16xf32, #tpu.memory_space<vmem_shared>> -> memref<10240x16xf32, #tpu.memory_space<vmem_shared>>
    tpu.enqueue_indirect_dma source(%arg13 : memref<128x16xf32, #tpu.memory_space<vmem>>) target(%dma_start3A_261 : memref<10240x16xf32, #tpu.memory_space<vmem_shared>>) offsets(%dma_start3A_258 : memref<128xi32, #tpu.memory_space<vmem>>) semaphore(%arg27 : memref<!tpu.dma_semaphore, #tpu.memory_space<semaphore_mem>>) {add = true}
    %dma_wait3A_262 = arith.constant 72 : i32
    %dma_wait3A_263 = arith.constant 0 : i32
    %dma_wait3A_264 = tpu.memref_slice %arg7[%dma_wait3A_262, %dma_wait3A_263] : memref<79x128xi32, #tpu.memory_space<vmem>> -> memref<1x128xi32, #tpu.memory_space<vmem>>
    %dma_wait3A_265 = tpu.memref_squeeze %dma_wait3A_264 : memref<1x128xi32, #tpu.memory_space<vmem>> -> memref<128xi32, #tpu.memory_space<vmem>>
    %dma_wait3A_266 = arith.constant 0 : i32
    %dma_wait3A_267 = arith.constant 0 : i32
    %dma_wait3A_268 = tpu.memref_slice %arg15[%dma_wait3A_266, %dma_wait3A_267] : memref<10240x16xf32, #tpu.memory_space<vmem_shared>> -> memref<10240x16xf32, #tpu.memory_space<vmem_shared>>
    tpu.wait_indirect_dma semaphore(%arg22 : memref<!tpu.dma_semaphore, #tpu.memory_space<semaphore_mem>>) src(%arg8 : memref<128x16xf32, #tpu.memory_space<vmem>>) dst(%dma_wait3A_268 : memref<10240x16xf32, #tpu.memory_space<vmem_shared>>)
    %dma_wait3A_269 = arith.constant 73 : i32
    %dma_wait3A_270 = arith.constant 0 : i32
    %dma_wait3A_271 = tpu.memref_slice %arg7[%dma_wait3A_269, %dma_wait3A_270] : memref<79x128xi32, #tpu.memory_space<vmem>> -> memref<1x128xi32, #tpu.memory_space<vmem>>
    %dma_wait3A_272 = tpu.memref_squeeze %dma_wait3A_271 : memref<1x128xi32, #tpu.memory_space<vmem>> -> memref<128xi32, #tpu.memory_space<vmem>>
    %dma_wait3A_273 = arith.constant 0 : i32
    %dma_wait3A_274 = arith.constant 0 : i32
    %dma_wait3A_275 = tpu.memref_slice %arg15[%dma_wait3A_273, %dma_wait3A_274] : memref<10240x16xf32, #tpu.memory_space<vmem_shared>> -> memref<10240x16xf32, #tpu.memory_space<vmem_shared>>
    tpu.wait_indirect_dma semaphore(%arg23 : memref<!tpu.dma_semaphore, #tpu.memory_space<semaphore_mem>>) src(%arg9 : memref<128x16xf32, #tpu.memory_space<vmem>>) dst(%dma_wait3A_275 : memref<10240x16xf32, #tpu.memory_space<vmem_shared>>)
    %dma_wait3A_276 = arith.constant 74 : i32
    %dma_wait3A_277 = arith.constant 0 : i32
    %dma_wait3A_278 = tpu.memref_slice %arg7[%dma_wait3A_276, %dma_wait3A_277] : memref<79x128xi32, #tpu.memory_space<vmem>> -> memref<1x128xi32, #tpu.memory_space<vmem>>
    %dma_wait3A_279 = tpu.memref_squeeze %dma_wait3A_278 : memref<1x128xi32, #tpu.memory_space<vmem>> -> memref<128xi32, #tpu.memory_space<vmem>>
    %dma_wait3A_280 = arith.constant 0 : i32
    %dma_wait3A_281 = arith.constant 0 : i32
    %dma_wait3A_282 = tpu.memref_slice %arg15[%dma_wait3A_280, %dma_wait3A_281] : memref<10240x16xf32, #tpu.memory_space<vmem_shared>> -> memref<10240x16xf32, #tpu.memory_space<vmem_shared>>
    tpu.wait_indirect_dma semaphore(%arg24 : memref<!tpu.dma_semaphore, #tpu.memory_space<semaphore_mem>>) src(%arg10 : memref<128x16xf32, #tpu.memory_space<vmem>>) dst(%dma_wait3A_282 : memref<10240x16xf32, #tpu.memory_space<vmem_shared>>)
    %dma_wait3A_283 = arith.constant 75 : i32
    %dma_wait3A_284 = arith.constant 0 : i32
    %dma_wait3A_285 = tpu.memref_slice %arg7[%dma_wait3A_283, %dma_wait3A_284] : memref<79x128xi32, #tpu.memory_space<vmem>> -> memref<1x128xi32, #tpu.memory_space<vmem>>
    %dma_wait3A_286 = tpu.memref_squeeze %dma_wait3A_285 : memref<1x128xi32, #tpu.memory_space<vmem>> -> memref<128xi32, #tpu.memory_space<vmem>>
    %dma_wait3A_287 = arith.constant 0 : i32
    %dma_wait3A_288 = arith.constant 0 : i32
    %dma_wait3A_289 = tpu.memref_slice %arg15[%dma_wait3A_287, %dma_wait3A_288] : memref<10240x16xf32, #tpu.memory_space<vmem_shared>> -> memref<10240x16xf32, #tpu.memory_space<vmem_shared>>
    tpu.wait_indirect_dma semaphore(%arg25 : memref<!tpu.dma_semaphore, #tpu.memory_space<semaphore_mem>>) src(%arg11 : memref<128x16xf32, #tpu.memory_space<vmem>>) dst(%dma_wait3A_289 : memref<10240x16xf32, #tpu.memory_space<vmem_shared>>)
    %dma_wait3A_290 = arith.constant 76 : i32
    %dma_wait3A_291 = arith.constant 0 : i32
    %dma_wait3A_292 = tpu.memref_slice %arg7[%dma_wait3A_290, %dma_wait3A_291] : memref<79x128xi32, #tpu.memory_space<vmem>> -> memref<1x128xi32, #tpu.memory_space<vmem>>
    %dma_wait3A_293 = tpu.memref_squeeze %dma_wait3A_292 : memref<1x128xi32, #tpu.memory_space<vmem>> -> memref<128xi32, #tpu.memory_space<vmem>>
    %dma_wait3A_294 = arith.constant 0 : i32
    %dma_wait3A_295 = arith.constant 0 : i32
    %dma_wait3A_296 = tpu.memref_slice %arg15[%dma_wait3A_294, %dma_wait3A_295] : memref<10240x16xf32, #tpu.memory_space<vmem_shared>> -> memref<10240x16xf32, #tpu.memory_space<vmem_shared>>
    tpu.wait_indirect_dma semaphore(%arg26 : memref<!tpu.dma_semaphore, #tpu.memory_space<semaphore_mem>>) src(%arg12 : memref<128x16xf32, #tpu.memory_space<vmem>>) dst(%dma_wait3A_296 : memref<10240x16xf32, #tpu.memory_space<vmem_shared>>)
    %dma_wait3A_297 = arith.constant 77 : i32
    %dma_wait3A_298 = arith.constant 0 : i32
    %dma_wait3A_299 = tpu.memref_slice %arg7[%dma_wait3A_297, %dma_wait3A_298] : memref<79x128xi32, #tpu.memory_space<vmem>> -> memref<1x128xi32, #tpu.memory_space<vmem>>
    %dma_wait3A_300 = tpu.memref_squeeze %dma_wait3A_299 : memref<1x128xi32, #tpu.memory_space<vmem>> -> memref<128xi32, #tpu.memory_space<vmem>>
    %dma_wait3A_301 = arith.constant 0 : i32
    %dma_wait3A_302 = arith.constant 0 : i32
    %dma_wait3A_303 = tpu.memref_slice %arg15[%dma_wait3A_301, %dma_wait3A_302] : memref<10240x16xf32, #tpu.memory_space<vmem_shared>> -> memref<10240x16xf32, #tpu.memory_space<vmem_shared>>
    tpu.wait_indirect_dma semaphore(%arg27 : memref<!tpu.dma_semaphore, #tpu.memory_space<semaphore_mem>>) src(%arg13 : memref<128x16xf32, #tpu.memory_space<vmem>>) dst(%dma_wait3A_303 : memref<10240x16xf32, #tpu.memory_space<vmem_shared>>)
    %convert_element_type3A_304 = arith.extui %lt3A_1 : i1 to i32
    %cond3A_305 = arith.constant 0 : i32
    %cond3A_306 = arith.cmpi ne, %convert_element_type3A_304, %cond3A_305 : i32
    scf.if %cond3A_306 {
      %dma_start3A_312 = arith.constant 78 : i32
      %dma_start3A_313 = arith.constant 0 : i32
      %dma_start3A_314 = tpu.memref_slice %arg6[%dma_start3A_312, %dma_start3A_313] : memref<79x128xi32, #tpu.memory_space<vmem>> -> memref<1x128xi32, #tpu.memory_space<vmem>>
      %dma_start3A_315 = tpu.memref_squeeze %dma_start3A_314 : memref<1x128xi32, #tpu.memory_space<vmem>> -> memref<128xi32, #tpu.memory_space<vmem>>
      %dma_start3A_316 = arith.constant 0 : i32
      %dma_start3A_317 = arith.constant 0 : i32
      %dma_start3A_318 = tpu.memref_slice %arg4[%dma_start3A_316, %dma_start3A_317] : memref<10240x16xf32, #tpu.memory_space<hbm>> -> memref<10240x16xf32, #tpu.memory_space<hbm>>
      tpu.enqueue_indirect_dma source(%dma_start3A_318 : memref<10240x16xf32, #tpu.memory_space<hbm>>) target(%arg8 : memref<128x16xf32, #tpu.memory_space<vmem>>) offsets(%dma_start3A_315 : memref<128xi32, #tpu.memory_space<vmem>>) semaphore(%arg16 : memref<!tpu.dma_semaphore, #tpu.memory_space<semaphore_mem>>)
      %dma_wait3A_319 = arith.constant 78 : i32
      %dma_wait3A_320 = arith.constant 0 : i32
      %dma_wait3A_321 = tpu.memref_slice %arg6[%dma_wait3A_319, %dma_wait3A_320] : memref<79x128xi32, #tpu.memory_space<vmem>> -> memref<1x128xi32, #tpu.memory_space<vmem>>
      %dma_wait3A_322 = tpu.memref_squeeze %dma_wait3A_321 : memref<1x128xi32, #tpu.memory_space<vmem>> -> memref<128xi32, #tpu.memory_space<vmem>>
      %dma_wait3A_323 = arith.constant 0 : i32
      %dma_wait3A_324 = arith.constant 0 : i32
      %dma_wait3A_325 = tpu.memref_slice %arg4[%dma_wait3A_323, %dma_wait3A_324] : memref<10240x16xf32, #tpu.memory_space<hbm>> -> memref<10240x16xf32, #tpu.memory_space<hbm>>
      tpu.wait_indirect_dma semaphore(%arg16 : memref<!tpu.dma_semaphore, #tpu.memory_space<semaphore_mem>>) src(%dma_wait3A_325 : memref<10240x16xf32, #tpu.memory_space<hbm>>) dst(%arg8 : memref<128x16xf32, #tpu.memory_space<vmem>>)
      %dma_start3A_326 = arith.constant 78 : i32
      %dma_start3A_327 = arith.constant 0 : i32
      %dma_start3A_328 = tpu.memref_slice %arg7[%dma_start3A_326, %dma_start3A_327] : memref<79x128xi32, #tpu.memory_space<vmem>> -> memref<1x128xi32, #tpu.memory_space<vmem>>
      %dma_start3A_329 = tpu.memref_squeeze %dma_start3A_328 : memref<1x128xi32, #tpu.memory_space<vmem>> -> memref<128xi32, #tpu.memory_space<vmem>>
      %dma_start3A_330 = arith.constant 0 : i32
      %dma_start3A_331 = arith.constant 0 : i32
      %dma_start3A_332 = tpu.memref_slice %arg15[%dma_start3A_330, %dma_start3A_331] : memref<10240x16xf32, #tpu.memory_space<vmem_shared>> -> memref<10240x16xf32, #tpu.memory_space<vmem_shared>>
      tpu.enqueue_indirect_dma source(%arg8 : memref<128x16xf32, #tpu.memory_space<vmem>>) target(%dma_start3A_332 : memref<10240x16xf32, #tpu.memory_space<vmem_shared>>) offsets(%dma_start3A_329 : memref<128xi32, #tpu.memory_space<vmem>>) semaphore(%arg22 : memref<!tpu.dma_semaphore, #tpu.memory_space<semaphore_mem>>) {add = true}
      %dma_wait3A_333 = arith.constant 78 : i32
      %dma_wait3A_334 = arith.constant 0 : i32
      %dma_wait3A_335 = tpu.memref_slice %arg7[%dma_wait3A_333, %dma_wait3A_334] : memref<79x128xi32, #tpu.memory_space<vmem>> -> memref<1x128xi32, #tpu.memory_space<vmem>>
      %dma_wait3A_336 = tpu.memref_squeeze %dma_wait3A_335 : memref<1x128xi32, #tpu.memory_space<vmem>> -> memref<128xi32, #tpu.memory_space<vmem>>
      %dma_wait3A_337 = arith.constant 0 : i32
      %dma_wait3A_338 = arith.constant 0 : i32
      %dma_wait3A_339 = tpu.memref_slice %arg15[%dma_wait3A_337, %dma_wait3A_338] : memref<10240x16xf32, #tpu.memory_space<vmem_shared>> -> memref<10240x16xf32, #tpu.memory_space<vmem_shared>>
      tpu.wait_indirect_dma semaphore(%arg22 : memref<!tpu.dma_semaphore, #tpu.memory_space<semaphore_mem>>) src(%arg8 : memref<128x16xf32, #tpu.memory_space<vmem>>) dst(%dma_wait3A_339 : memref<10240x16xf32, #tpu.memory_space<vmem_shared>>)
    } else {
    }
    %barrier3A_307 = arith.constant 0 : index
    tpu.barrier barrier_id(%barrier3A_307)
    %mul3A_308 = arith.constant 640 : i32
    %mul3A_309 = arith.muli %arg1, %mul3A_308 : i32
    %mul3A_310 = arith.constant 640 : i32
    %mul3A_311 = arith.muli %arg1, %mul3A_310 : i32
    "tpu.region"() ({
      %run_scoped3A = tpu.sem_alloc : memref<!tpu.dma_semaphore, #tpu.memory_space<semaphore_mem>>
      %dma_start3A_312 = arith.constant 0 : i32
      %dma_start3A_313 = tpu.memref_slice %arg5[%arg0, %mul3A_311, %dma_start3A_312] : memref<2x10240x16xf32, #tpu.memory_space<hbm>> -> memref<1x640x16xf32, #tpu.memory_space<hbm>>
      %dma_start3A_314 = tpu.memref_squeeze %dma_start3A_313 : memref<1x640x16xf32, #tpu.memory_space<hbm>> -> memref<640x16xf32, #tpu.memory_space<hbm>>
      %dma_start3A_315 = arith.constant 0 : i32
      %dma_start3A_316 = tpu.memref_slice %arg15[%mul3A_309, %dma_start3A_315] : memref<10240x16xf32, #tpu.memory_space<vmem_shared>> -> memref<640x16xf32, #tpu.memory_space<vmem_shared>>
      tpu.enqueue_dma source(%dma_start3A_316 : memref<640x16xf32, #tpu.memory_space<vmem_shared>>) target(%dma_start3A_314 : memref<640x16xf32, #tpu.memory_space<hbm>>) target_semaphore(%run_scoped3A : memref<!tpu.dma_semaphore, #tpu.memory_space<semaphore_mem>>)
      %dma_wait3A_317 = arith.constant 0 : i32
      %dma_wait3A_318 = tpu.memref_slice %arg5[%arg0, %mul3A_311, %dma_wait3A_317] : memref<2x10240x16xf32, #tpu.memory_space<hbm>> -> memref<1x640x16xf32, #tpu.memory_space<hbm>>
      %dma_wait3A_319 = tpu.memref_squeeze %dma_wait3A_318 : memref<1x640x16xf32, #tpu.memory_space<hbm>> -> memref<640x16xf32, #tpu.memory_space<hbm>>
      %dma_wait3A_320 = arith.constant 0 : i32
      %dma_wait3A_321 = tpu.memref_slice %arg15[%mul3A_309, %dma_wait3A_320] : memref<10240x16xf32, #tpu.memory_space<vmem_shared>> -> memref<640x16xf32, #tpu.memory_space<vmem_shared>>
      tpu.wait_dma2 semaphore(%run_scoped3A : memref<!tpu.dma_semaphore, #tpu.memory_space<semaphore_mem>>) src(%dma_wait3A_321 : memref<640x16xf32, #tpu.memory_space<vmem_shared>>) dst(%dma_wait3A_319 : memref<640x16xf32, #tpu.memory_space<hbm>>)
      tpu.yield
    }) : () -> ()
    return
  }
}

module attributes {stable_mosaic.version = 14 : i64} {
  func.func @_mm1_body(%arg0: memref<10000x128xf32, #tpu.memory_space<vmem>>, %arg1: memref<128x16xf32, #tpu.memory_space<vmem>>, %arg2: memref<10000x16xf32, #tpu.memory_space<vmem>>) attributes {dimension_semantics = [], scalar_prefetch = 0 : i64, scratch_operands = 0 : i64, tpu.core_type = #tpu.core_type<tc>} {
    %get3A = arith.constant 0 : index
    %get3A_0 = arith.constant 0 : index
    %get3A_1 = vector.load %arg0[%get3A, %get3A_0] : memref<10000x128xf32, #tpu.memory_space<vmem>>, vector<10000x128xf32>
    %get3A_2 = arith.constant 0 : index
    %get3A_3 = arith.constant 0 : index
    %get3A_4 = vector.load %arg1[%get3A_2, %get3A_3] : memref<128x16xf32, #tpu.memory_space<vmem>>, vector<128x16xf32>
    %dot_general3A = arith.constant dense<0.000000e+00> : vector<10000x16xf32>
    %dot_general3A_5 = tpu.matmul %get3A_1, %get3A_4, %dot_general3A {dimension_numbers = #tpu.dot_dimension_numbers<[1], [0], [0], [1], [0, 0, 1, 1], [], []>, transpose_lhs_hint = false} : vector<10000x128xf32>, vector<128x16xf32>, vector<10000x16xf32> -> vector<10000x16xf32>
    %swap3A = arith.constant 0 : index
    %swap3A_6 = arith.constant 0 : index
    %swap3A_7 = vector.load %arg2[%swap3A, %swap3A_6] : memref<10000x16xf32, #tpu.memory_space<vmem>>, vector<10000x16xf32>
    tpu.vector_store %arg2[%swap3A, %swap3A_6], %dot_general3A_5 {strides = array<i32>} : memref<10000x16xf32, #tpu.memory_space<vmem>>, vector<10000x16xf32>,
    return
  }
}

module attributes {stable_mosaic.version = 14 : i64} {
  func.func @_mid_body(%arg0: memref<2x10240x16xf32, #tpu.memory_space<vmem>>, %arg1: memref<1x16xf32, #tpu.memory_space<vmem>>, %arg2: memref<16x7xf32, #tpu.memory_space<vmem>>, %arg3: memref<10240x16xf32, #tpu.memory_space<vmem>>) attributes {dimension_semantics = [], scalar_prefetch = 0 : i64, scratch_operands = 0 : i64, tpu.core_type = #tpu.core_type<tc>} {
    %get3A = arith.constant 0 : index
    %get3A_0 = arith.constant 0 : index
    %get3A_1 = arith.constant 0 : index
    %get3A_2 = vector.load %arg0[%get3A, %get3A_0, %get3A_1] : memref<2x10240x16xf32, #tpu.memory_space<vmem>>, vector<1x10240x16xf32>
    %get3A_3 = vector.shape_cast %get3A_2 : vector<1x10240x16xf32> to vector<10240x16xf32>
    %get3A_4 = arith.constant 1 : index
    %get3A_5 = arith.constant 0 : index
    %get3A_6 = arith.constant 0 : index
    %get3A_7 = vector.load %arg0[%get3A_4, %get3A_5, %get3A_6] : memref<2x10240x16xf32, #tpu.memory_space<vmem>>, vector<1x10240x16xf32>
    %get3A_8 = vector.shape_cast %get3A_7 : vector<1x10240x16xf32> to vector<10240x16xf32>
    %add3A = arith.addf %get3A_3, %get3A_8 : vector<10240x16xf32>
    %get3A_9 = arith.constant 0 : index
    %get3A_10 = arith.constant 0 : index
    %get3A_11 = vector.load %arg1[%get3A_9, %get3A_10] : memref<1x16xf32, #tpu.memory_space<vmem>>, vector<1x16xf32>
    %add3A_12 = vector.broadcast %get3A_11 : vector<1x16xf32> to vector<10240x16xf32>
    %add3A_13 = arith.addf %add3A, %add3A_12 : vector<10240x16xf32>
    %max3A = arith.constant 0.000000e+00 : f32
    %max3A_14 = vector.broadcast %max3A : f32 to vector<10240x16xf32>
    %max3A_15 = arith.maximumf %add3A_13, %max3A_14 : vector<10240x16xf32>
    %get3A_16 = arith.constant 0 : index
    %get3A_17 = arith.constant 0 : index
    %get3A_18 = vector.load %arg2[%get3A_16, %get3A_17] : memref<16x7xf32, #tpu.memory_space<vmem>>, vector<16x7xf32>
    %dot_general3A = arith.constant dense<0.000000e+00> : vector<10240x7xf32>
    %dot_general3A_19 = tpu.matmul %max3A_15, %get3A_18, %dot_general3A {dimension_numbers = #tpu.dot_dimension_numbers<[1], [0], [0], [1], [0, 0, 1, 1], [], []>, transpose_lhs_hint = false} : vector<10240x16xf32>, vector<16x7xf32>, vector<10240x7xf32> -> vector<10240x7xf32>
    %swap3A = arith.constant 0 : index
    %swap3A_20 = arith.constant 0 : index
    %swap3A_21 = vector.load %arg3[%swap3A, %swap3A_20] : memref<10240x16xf32, #tpu.memory_space<vmem>>, vector<10240x7xf32>
    tpu.vector_store %arg3[%swap3A, %swap3A_20], %dot_general3A_19 {strides = array<i32>} : memref<10240x16xf32, #tpu.memory_space<vmem>>, vector<10240x7xf32>,
    %broadcast_in_dim3A = arith.constant 0.000000e+00 : f32
    %broadcast_in_dim3A_22 = vector.broadcast %broadcast_in_dim3A : f32 to vector<10240x9xf32>
    %swap3A_23 = arith.constant 0 : index
    %swap3A_24 = arith.constant 7 : index
    %swap3A_25 = vector.load %arg3[%swap3A_23, %swap3A_24] : memref<10240x16xf32, #tpu.memory_space<vmem>>, vector<10240x9xf32>
    tpu.vector_store %arg3[%swap3A_23, %swap3A_24], %broadcast_in_dim3A_22 {strides = array<i32>} : memref<10240x16xf32, #tpu.memory_space<vmem>>, vector<10240x9xf32>,
    return
  }
}

module attributes {stable_mosaic.version = 14 : i64} {
  func.func @_fin_body(%arg0: memref<2x10240x16xf32, #tpu.memory_space<vmem>>, %arg1: memref<1x7xf32, #tpu.memory_space<vmem>>, %arg2: memref<10000x7xf32, #tpu.memory_space<vmem>>) attributes {dimension_semantics = [], scalar_prefetch = 0 : i64, scratch_operands = 0 : i64, tpu.core_type = #tpu.core_type<tc>} {
    %get3A = arith.constant 0 : index
    %get3A_0 = arith.constant 0 : index
    %get3A_1 = arith.constant 0 : index
    %get3A_2 = vector.load %arg0[%get3A, %get3A_0, %get3A_1] : memref<2x10240x16xf32, #tpu.memory_space<vmem>>, vector<1x10000x7xf32>
    %get3A_3 = vector.shape_cast %get3A_2 : vector<1x10000x7xf32> to vector<10000x7xf32>
    %get3A_4 = arith.constant 1 : index
    %get3A_5 = arith.constant 0 : index
    %get3A_6 = arith.constant 0 : index
    %get3A_7 = vector.load %arg0[%get3A_4, %get3A_5, %get3A_6] : memref<2x10240x16xf32, #tpu.memory_space<vmem>>, vector<1x10000x7xf32>
    %get3A_8 = vector.shape_cast %get3A_7 : vector<1x10000x7xf32> to vector<10000x7xf32>
    %add3A = arith.addf %get3A_3, %get3A_8 : vector<10000x7xf32>
    %get3A_9 = arith.constant 0 : index
    %get3A_10 = arith.constant 0 : index
    %get3A_11 = vector.load %arg1[%get3A_9, %get3A_10] : memref<1x7xf32, #tpu.memory_space<vmem>>, vector<1x7xf32>
    %add3A_12 = vector.broadcast %get3A_11 : vector<1x7xf32> to vector<10000x7xf32>
    %add3A_13 = arith.addf %add3A, %add3A_12 : vector<10000x7xf32>
    %swap3A = arith.constant 0 : index
    %swap3A_14 = arith.constant 0 : index
    %swap3A_15 = vector.load %arg2[%swap3A, %swap3A_14] : memref<10000x7xf32, #tpu.memory_space<vmem>>, vector<10000x7xf32>
    tpu.vector_store %arg2[%swap3A, %swap3A_14], %add3A_13 {strides = array<i32>} : memref<10000x7xf32, #tpu.memory_space<vmem>>, vector<10000x7xf32>,
    return
  }
}

</mosaic_0001>

<sc_bundles>
// kernel: kernel.10.cloned.1.call-start
scs
__scs_entry_jumppad:
0x0: {  	(pc) =	sbr.rel $0x88, $3  }
0x1: {  	(tag) =	ssettag $0x0;
	lr =	simm.s32 $0x1  }
0x2: {  	[smem:$0x3F9B] =	sst lr;
	_ =	strace $0xD0000000  }
0x3: {  	_ = 	snop  }
0x4: {  	_ = 	snop  }
0x5: {  	_ = 	snop  }
0x6: {  	_ = 	snop  }
0x7: {  	_ = 	snop  }
__scs_overlays_trampoline_lowered:
0x8: {  	[smem:$0x3FAA] =	sst s0  }
0x9: {  	[smem:$0x3FAB] =	sst s1  }
0xa: {  	[smem:$0x3FAC] =	sst s2  }
0xb: {  	[smem:$0x3FAD] =	sst s3  }
0xc: {  	[smem:$0x3FAE] =	sst s4  }
0xd: {  	[smem:$0x3FAF] =	sst s5  }
0xe: {  	[smem:$0x3FB0] =	sst s6  }
0xf: {  	[smem:$0x3FB1] =	sst s7  }
0x10: {  	[smem:$0x3FB2] =	sst s8  }
0x11: {  	[smem:$0x3FB3] =	sst s9;
	s0 =	simm.s32 @!p0 $0x0  }
0x12: {  	s1 =	sld [smem:$0x3F99];
	s0 =	simm.s32 @p0 $0x1  }
0x13: {  	[smem:$0x3FB4] =	sst s0;
	s0 =	simm.s32 @!p1 $0x0  }
0x14: {  	s2 =	sld [smem:$0x3F98];
	s0 =	simm.s32 @p1 $0x1  }
0x15: {  	[smem:$0x3FB5] =	sst s0;
	s0 =	simm.s32 @!p2 $0x0  }
0x16: {  	s3 =	sld [smem:$0x3FDB];
	s0 =	simm.s32 @p2 $0x1  }
0x17: {  	s4 =	simm.s32 $0x1BF5;
	[smem:$0x3FB7] =	sst s0  }
0x18: {  	s0 =	sld [smem:$0x3F9A];
	_ =	swait.ge [sflag:s4], $0x0  }
0x19: {  	s7 =	sld [smem:$0x3F9B]  }
0x1a: {  	s8 =	sadd.s32 $0xFFFFE003, lr  }
0x1b: {  	s9 =	sadd.s32 $0xFFFFFEF7, lr;
	s5 =	simm.s32 $0xFFFFFFFF;
	p2 =	slt.u32 s8, $0xFFFFF086  }
0x1c: {  	p1 =	slt.u32 s9, $0xF7A;
	s5 =	simm.s32 @!p2 $0x0  }
0x1d: {  	s5 =	simm.s32 @p1 $0x1;
	p0 =	seq.s32 s7, s2  }
0x1e: {  	s7 =	smul.u32 @!p0 $0xF7A, s2;
	p2 =	seq.s32 @!p0 s5, $0x0  }
0x1f: {  	s9 =	smul.u32 $0xF7A, s1;
	s8 =	simm.s32 @!p0 $0x1BF5;
	p2 =	por !p2, p0  }
0x20: {  	[sflag:s8] =	ssyncset.s32 @!p0 $0xFFFFF086;
	s6 =	sadd.s32 @!p0 s3, s7;
	s7 =	simm.s32 @!p0 $0x108  }
0x21: {  	s3 =	sadd.s32 s3, s9;
	s6 =	sadd.s32 @!p0 $0x88, s6;
	s7 =	simm.s32 @p2 $0x1082  }
0x22: {  	[simem:s7], [sflag:s8] =	dma.local @!p0 [hbm:s6], $0xF7A  }
0x23: {  	s9 =	sor.u32 $0xD0000000, s2;
	s6 =	simm.s32 $0x108;
	_ =	swait.ge @!p0 [sflag:s8], $0x0  }
0x24: {  	s3 =	sadd.s32 $0x88, s3;
	s6 =	simm.s32 @!p1 $0x1082;
	[sflag:s4] =	ssyncset.s32 $0xFFFFF086  }
0x25: {  	[simem:s6], [sflag:s4] =	dma.local [hbm:s3], $0xF7A  }
0x26: {  	[smem:$0x3F9B] =	sst s1;
	(tag) =	ssettag s2;
	_ =	strace s9  }
0x27: {  	s1 =	sld [smem:$0x3FAB]  }
0x28: {  	s2 =	sld [smem:$0x3FAC]  }
0x29: {  	s4 =	sld [smem:$0x3FAE]  }
0x2a: {  	p0 =	seq.s32 s5, $0x0;
	s5 =	sld [smem:$0x3FAF]  }
0x2b: {  	s6 =	sld [smem:$0x3FB0]  }
0x2c: {  	s7 =	sld [smem:$0x3FB1]  }
0x2d: {  	s3 =	simm.s32 $0x108;
	s8 =	sld [smem:$0x3FB2]  }
0x2e: {  	s3 =	simm.s32 @!p0 $0x1082;
	s9 =	sld [smem:$0x3FB3]  }
0x2f: {  	lr =	sadd.s32 s0, s3;
	s0 =	sld [smem:$0x3FAA]  }
0x30: {  	s3 =	sld [smem:$0x3FAD]  }
0x31: {  	[smem:$0x3FB6] =	sst s10  }
0x32: {  	s10 =	sld [smem:$0x3FB4];
	_ =	sdelay $0x3  }
0x33: {  	p0 =	seq.s32 s10, $0x1;
	s10 =	sld [smem:$0x3FB6];
	_ =	sdelay $0x3  }
0x34: {  	[smem:$0x3FB6] =	sst s10  }
0x35: {  	s10 =	sld [smem:$0x3FB5];
	_ =	sdelay $0x3  }
0x36: {  	p1 =	seq.s32 s10, $0x1;
	s10 =	sld [smem:$0x3FB6];
	_ =	sdelay $0x3  }
0x37: {  	[smem:$0x3FB6] =	sst s10  }
0x38: {  	s10 =	sld [smem:$0x3FB7]  }
0x39: {  	_ = 	snop;
	(pc) =	sbr.ind lr, $3  }
0x3a: {  	_ = 	snop  }
0x3b: {  	_ = 	snop  }
0x3c: {  	p2 =	seq.s32 s10, $0x1;
	s10 =	sld [smem:$0x3FB6]  }
0x3d: {  	_ =	shalt  }
0x3e: {  	_ =	shalt  }
0x3f: {  	_ =	shalt  }
0x40: {  	_ =	shalt  }
0x41: {  	_ =	shalt  }
0x42: {  	_ =	shalt  }
0x43: {  	_ =	shalt  }
0x44: {  	_ =	shalt  }
0x45: {  	_ =	shalt  }
0x46: {  	_ =	shalt  }
0x47: {  	_ =	shalt  }
0x48: {  	_ =	shalt  }
0x49: {  	_ =	shalt  }
0x4a: {  	_ =	shalt  }
0x4b: {  	_ =	shalt  }
0x4c: {  	_ =	shalt  }
0x4d: {  	_ =	shalt  }
0x4e: {  	_ =	shalt  }
0x4f: {  	_ =	shalt  }
0x50: {  	_ =	shalt  }
0x51: {  	_ =	shalt  }
0x52: {  	_ =	shalt  }
0x53: {  	_ =	shalt  }
0x54: {  	_ =	shalt  }
0x55: {  	_ =	shalt  }
0x56: {  	_ =	shalt  }
0x57: {  	_ =	shalt  }
0x58: {  	_ =	shalt  }
0x59: {  	_ =	shalt  }
0x5a: {  	_ =	shalt  }
0x5b: {  	_ =	shalt  }
0x5c: {  	_ =	shalt  }
0x5d: {  	_ =	shalt  }
0x5e: {  	_ =	shalt  }
0x5f: {  	_ =	shalt  }
0x60: {  	_ =	shalt  }
0x61: {  	_ =	shalt  }
0x62: {  	_ =	shalt  }
0x63: {  	_ =	shalt  }
0x64: {  	_ =	shalt  }
0x65: {  	_ =	shalt  }
0x66: {  	_ =	shalt  }
0x67: {  	_ =	shalt  }
0x68: {  	_ =	shalt  }
0x69: {  	_ =	shalt  }
0x6a: {  	_ =	shalt  }
0x6b: {  	_ =	shalt  }
0x6c: {  	_ =	shalt  }
0x6d: {  	_ =	shalt  }
0x6e: {  	_ =	shalt  }
0x6f: {  	_ =	shalt  }
0x70: {  	_ =	shalt  }
0x71: {  	_ =	shalt  }
0x72: {  	_ =	shalt  }
0x73: {  	_ =	shalt  }
0x74: {  	_ =	shalt  }
0x75: {  	_ =	shalt  }
0x76: {  	_ =	shalt  }
0x77: {  	_ =	shalt  }
0x78: {  	_ =	shalt  }
0x79: {  	_ =	shalt  }
0x7a: {  	_ =	shalt  }
0x7b: {  	_ =	shalt  }
0x7c: {  	_ =	shalt  }
0x7d: {  	_ =	shalt  }
0x7e: {  	_ =	shalt  }
0x7f: {  	_ =	shalt  }
0x80: {  	_ =	shalt  }
0x81: {  	_ =	shalt  }
0x82: {  	_ =	shalt  }
0x83: {  	_ =	shalt  }
0x84: {  	_ =	shalt  }
0x85: {  	_ =	shalt  }
0x86: {  	_ =	shalt  }
0x87: {  	_ =	shalt  }
.Lfunc_end0:
.L_simem_size_0:
called_computation.1_lowered:
.L_overlay_start_0:
0x88: {  	s2 =	sld [smem:$0x3FD9]  }
0x89: {  	s3 =	sld [smem:$0x3FFE];
	_ =	sdelay $0x1  }
0x8a: {  	s1 =	srdreg.scid  }
0x8b: {  	s0 =	sand.u32 $0x1, s1  }
0x8c: {  	s16 =	sshll.u32 s0, $0xA;
	s2 =	sadd.s32 s3, s2  }
0x8d: {  	s2 =	sadd.s32 s2, s16  }
0x8e: {  	[smem:$0x3FC2] =	sst s2  }
0x8f: {  	_ = 	snop  }
0x90: {  	(tm) =	ssettm $0x1  }
0x91: {  	s17 =	sld [smem:$0x3FFB];
	_ =	sdelay $0x3  }
0x92: {  	_ =	strace s17  }
0x93: {  	s2 =	sld [smem:$0x3FFC];
	_ =	sdelay $0x3  }
0x94: {  	_ =	strace s2  }
0x95: {  	s2 =	sld [smem:$0x3FFD];
	_ =	sdelay $0x3  }
0x96: {  	_ =	strace s2  }
0x97: {  	_ =	strace $0x8FFFFFFF  }
0x98: {  	s18 =	sld [smem:$0x3FDB];
	_ =	sdelay $0x1  }
0x99: {  	s19 =	simm.s32 $_scs_section_size  }
0x9a: {  	s4 =	simm.s32 $_size__tile_overlayer_lowered;
	s5 =	simm.s32 $_tile_overlayer_lowered  }
0x9b: {  	s22 =	simm.s32 $0x1BFF;
	s21 =	sshll.u32 s5, $0x1;
	s2 =	sadd.s32 s19, s18  }
0x9c: {  	s6 =	simm.s32 $0x0;
	s20 =	sshll.u32 s4, $0x1;
	s4 =	sadd.s32 s21, s2  }
0x9d: {  	[timem:s6], [sflag:s22] =	dma.local [hbm:s4], s20  }
0x9e: {  	_ =	swait.ge [sflag:s22], s20  }
0x9f: {  	s3 =	ssub.s32 $0x0, s20;
	[sflag:s22] =	ssyncset.done $0x0  }
0xa0: {  	[sflag:s22] =	ssyncadd.s32 s3;
	_ =	sdelay $0x1  }
0xa1: {  	s23 =	simm.s32 $0x1B8B  }
0xa2: {  	_ =	swait.ge [sflag:s23], $0x1  }
0xa3: {  	[sflag:s23] =	ssyncset.done $0x0  }
0xa4: {  	s25 =	simm.s32 $0x1B8E;
	s24 =	sld [smem:$0x3FFE];
	[sflag:s23] =	ssyncadd.s32 $0xFFFFFFFF  }
0xa5: {  	s26 =	simm.s32 $execute0_lowered;
	[smem:$0x3FD2] =	sst s25  }
0xa6: {  	s4 =	sshll.u32 s26, $0x1;
	_ =	strace $0x80000049;
	[dreg:$0x1] =	wrdreg $0xFFFFFFFF  }
0xa7: {  	s28 =	simm.s32 $_size_execute0_lowered;
	s2 =	sadd.s32 s2, s4;
	[dreg:$0x0] =	wrdreg $0x0  }
0xa8: {  	s4 =	sshll.u32 s28, $0x1;
	[dreg:$0x2] =	wrdreg s2  }
0xa9: {  	[dreg:$0x3] =	wrdreg s4  }
0xaa: {  	[dreg:$0x4] =	wrdreg $0xC0  }
0xab: {  	_ =	task [dreg:s6], $0x5FFFF  }
0xac: {  	[dreg:$0x1] =	wrdreg $0xFFFFFFFF  }
0xad: {  	[dreg:$0x0] =	wrdreg $0x60  }
0xae: {  	[dreg:$0x2] =	wrdreg s24  }
0xaf: {  	[dreg:$0x3] =	wrdreg $0x87000  }
0xb0: {  	[dreg:$0x4] =	wrdreg $0x9  }
0xb1: {  	_ =	task.clear_ibuf [dreg:s6], $0x5FFFF;
	_ =	strace $0x90000049  }
0xb2: {  	s29 =	simm.s32 $0x9;
	_ =	strace $0x8000004B  }
0xb3: {  	_ =	swait.ge [sflag:s29], $0x1  }
0xb4: {  	[sflag:s29] =	ssyncadd.s32 $0xFFFFFFFF  }
0xb5: {  	_ =	strace $0x9000004B  }
0xb6: {  	_ =	sfence  }
0xb7: {  	s30 =	sld [smem:$0x0];
	_ =	sdelay $0x2  }
0xb8: {  	s31 =	sshll.u32 s1, $0xD;
	s1 =	sshrl.u32 s1, $0x2  }
0xb9: {  	s3 =	sand.u32 $0x4000, s31;
	s1 =	sadd.s32 s1, s30  }
0xba: {  	s0 =	sor.u32 s3, s0;
	s1 =	sshll.u32 s1, $0x11  }
0xbb: {  	s0 =	sor.u32 s1, s0  }
0xbc: {  	s0 =	sadd.s32 $0x8F2B, s0  }
0xbd: {  	[sflag:s0] =	ssyncadd.remote.s32 $0x1  }
0xbe: {  	_ =	sfence.sel $0xFFFF  }
0xbf: {  	[dreg:$0x0] =	wrdreg $0xFFFFFFFF;
	(pc) =	sbr.abs _section_cstart, $3  }
0xc0: {  	[dreg:$0x1] =	wrdreg $0xFFFFFFFF  }
0xc1: {  	_ =	task.clear_ibuf [dreg:s6], $0x2FFFF;
	_ =	strace $0x9FFFFFFF  }
0xc2: {  	(tm) =	ssettm $0x7FFFFFFF  }
0xc3: {  	_ =	shalt  }
tec
execute0_lowered:
.L_overlay_start_1:
0x0: {  	(tag) =	ssettag $0x1  }
0x1: {  	s0 =	rddreg [dreg:$0x0]  }
0x2: {  	s2 =	rddreg [dreg:$0x1];
	s3 =	simm.s32 $0x0  }
0x3: {  	s1 =	srdreg.scid;
	s11 =	stileid.u32;
	s28 =	simm.s32 $0x6F00  }
0x4: {  	s30 =	simm.s32 $0x7700;
	s31 =	simm.s32 $0xF;
	s29 =	simm.s32 $0x5  }
0x5: {  	s12 =	simm.s32 $0x0;
	[smem:$0x7FF] =	sst s3;
	s1 =	sand.u32 $0x1, s1  }
0x6: {  	s15 =	smul.u32 $0x2800, s11;
	s4 =	sshll.u32 s11, $0x1;
	s6 =	sadd.s32 $0xA600, s0  }
0x7: {  	s7 =	sadd.s32 $0x800, s0;
	s16 =	smul.u32 $0xA000, s11;
	p0 =	sgt.u32 s11, $0x1  }
0x8: {  	s3 =	simm.s32 $0x7;
	s11 =	simm.s32 $0x10;
	_ =	strace $0x8000004A  }
0x9: {  	s5 =	smul.u32 $0x28000, s1;
	s8 =	sor.u32 s1, s4;
	s1 =	ssub.s32 $0x2, s1  }
0xa: {  	s4 =	sadd.s32 $0x14400, s0;
	s9 =	smul.u32 $0x4E, s8;
	s10 =	sshrl.u32 s1, $0x1  }
0xb: {  	s8 =	smin.u32 s8, $0x4;
	s5 =	sadd.s32 s15, s5;
	s1 =	ssub.s32 s1, s10  }
0xc: {  	s10 =	simm.s32 $0xC;
	s5 =	sshrl.u32 s5, $0x3;
	s8 =	sadd.s32 s8, s9  }
0xd: {  	s9 =	sshrl.u32 s16, $0x2;
	s26 =	smax.u32 s1, $0x1;
	s16 =	simm.s32 $0x1  }
0xe: {  	s1 =	simm.s32 $0x6;
	s0 =	sadd.s32 s5, s0;
	s17 =	sshll.u32 s8, $0x4  }
0xf: {  	s20 =	sadd.s32 s9, s2;
	[dreg:$0xc] =	wrdreg s26;
	s8 =	sadd.s32 s6, s17  }
0x10: {  	s9 =	sadd.s32 s15, s2;
	s5 =	sadd.s32 s7, s17;
	[dreg:$0x3] =	wrdreg s8  }
0x11: {  	s26 =	simm.s32 $0x4;
	s22 =	sadd.s32 $0x800, s20;
	[dreg:$0x4] =	wrdreg s5  }
0x12: {  	s18 =	sadd.s32 $0x4E0, s17;
	s23 =	sadd.s32 $0x1000, s20;
	[dreg:$0x7] =	wrdreg s22  }
0x13: {  	s24 =	sadd.s32 $0x1800, s20;
	s25 =	sadd.s32 $0x2000, s20;
	[dreg:$0x8] =	wrdreg s23  }
0x14: {  	s0 =	sadd.s32 $0x19400, s0;
	s17 =	simm.s32 $0x7F00;
	[dreg:$0x9] =	wrdreg s24  }
0x15: {  	s20 =	simm.s32 $0x4F00;
	s19 =	sadd.s32 s6, s18;
	[dreg:$0xa] =	wrdreg s25  }
0x16: {  	s21 =	sadd.s32 s7, s18;
	[dreg:$0xb] =	wrdreg s0;
	s23 =	simm.s32 $0x5F00  }
0x17: {  	s25 =	simm.s32 $0x6700;
	s0 =	simm.s32 $0xD;
	s22 =	simm.s32 $0x2  }
0x18: {  	s24 =	simm.s32 $0x3;
	s5 =	simm.s32 $0x8;
	s6 =	simm.s32 $0x9  }
0x19: {  	s7 =	simm.s32 $0xA;
	s8 =	simm.s32 $0xB;
	[dreg:$0x5] =	wrdreg s19  }
0x1a: {  	v0 =	vimm.f32 $0.0e+00;
	[dreg:$0x6] =	wrdreg s21;
	s19 =	simm.s32 $0x80;
	s21 =	simm.s32 $0x5700  }
.LBB2_1:
0x1b: {  	s13 =	simm.s32 $0x0;
	s14 =	rddreg [dreg:$0x3]  }
0x1c: {  	[tilespmem:s13], [sflag:$0xE] =	stream.linear.gather [hbm4b:s14+s13], $0x2700, $0x38;
	[tilespmem:$0xAF00] =	vst v63  }
0x1d: {  	s18 =	rddreg [dreg:$0x4];
	s15 =	simm.s32 $0x2780  }
0x1e: {  	[tilespmem:s15], [sflag:$0xF] =	stream.linear.gather [hbm4b:s18+s13], $0x2700, $0x38;
	[tilespmem:$0xAF00] =	vst v63  }
0x1f: {  	s14 =	simm.s32 @!p0 $0x2700;
	s13 =	simm.s32 @!p0 $0x0;
	s15 =	rddreg [dreg:$0x5]  }
0x20: {  	[tilespmem:s14], [sflag:$0x10] =	stream.linear.gather @!p0 [hbm4b:s15+s13], $0x80, $0x38;
	[tilespmem:$0xAF00] =	vst v63  }
0x21: {  	s14 =	simm.s32 @!p0 $0x10  }
0x22: {  	_ =	swait.ge @!p0 [sflag:s14], $0x80  }
0x23: {  	[sflag:s14] =	ssyncset.done @!p0 $0x0  }
0x24: {  	s15 =	simm.s32 @!p0 $0x4E80;
	s18 =	rddreg [dreg:$0x6];
	[sflag:s14] =	ssyncadd.s32 @!p0 $0xFFFFFF80  }
0x25: {  	[tilespmem:s15], [sflag:$0x10] =	stream.linear.gather @!p0 [hbm4b:s18+s13], $0x80, $0x38;
	[tilespmem:$0xAF00] =	vst v63  }
0x26: {  	_ =	swait.ge @!p0 [sflag:s14], $0x80  }
0x27: {  	[sflag:s14] =	ssyncset.done @!p0 $0x0  }
0x28: {  	s13 =	simm.s32 $0x40;
	[sflag:s14] =	ssyncadd.s32 @!p0 $0xFFFFFF80;
	s14 =	simm.s32 $0x0  }
.LBB2_2:
0x29: {  	p1 =	sne.s32 s13, $0x1FC0;
	[tilespmem:s14+$0x7F00] =	vst v0;
	s14 =	smov.u32 s13;
	s13 =	sadd.s32 $0x40, s13  }
.Ltmp0:
0x2a: {  	(pc) =	sbr.rel @p1 .LBB2_2-.Ltmp0, $2  }
0x2b: {  	_ =	sdelay $0x2  }
0x2c: {  	s14 =	sshra.s32 s14, $0x2  }
0x2d: {  	[tilespmem:s14+$0x7F00] =	vst v0  }
0x2e: {  	[spmem:s9] =	stream.linear.scatter [tilespmem:s17], [sflag:$0xD], $0x800, $0x38;
	[tilespmem:$0xAF00] =	vst v63  }
0x2f: {  	s13 =	rddreg [dreg:$0x7]  }
0x30: {  	[spmem:s13] =	stream.linear.scatter [tilespmem:s17], [sflag:$0xD], $0x800, $0x38;
	[tilespmem:$0xAF00] =	vst v63  }
0x31: {  	s15 =	rddreg [dreg:$0x8]  }
0x32: {  	[spmem:s15] =	stream.linear.scatter [tilespmem:s17], [sflag:$0xD], $0x800, $0x38;
	[tilespmem:$0xAF00] =	vst v63  }
0x33: {  	s18 =	rddreg [dreg:$0x9]  }
0x34: {  	[spmem:s18] =	stream.linear.scatter [tilespmem:s17], [sflag:$0xD], $0x800, $0x38;
	[tilespmem:$0xAF00] =	vst v63  }
0x35: {  	s14 =	rddreg [dreg:$0xa];
	s15 =	simm.s32 $0xE  }
0x36: {  	[spmem:s14] =	stream.linear.scatter [tilespmem:s17], [sflag:$0xD], $0x800, $0x38;
	[tilespmem:$0xAF00] =	vst v63  }
0x37: {  	_ =	swait.ge [sflag:s15], $0x2700  }
0x38: {  	[sflag:s15] =	ssyncset.done $0x0  }
0x39: {  	s18 =	simm.s32 $0x0;
	[sflag:s15] =	ssyncadd.s32 $0xFFFFD900  }
0x3a: {  	[tilespmem:s20], [sflag:$0x1] =	stream.indirect.gather [hbm4b:s4+s19], $0x10, s18, s19, $0xb8;
	[tilespmem:$0xAF00] =	vst v63  }
0x3b: {  	_ = 	snop  }
0x3c: {  	[tilespmem:s21], [sflag:$0x2] =	stream.indirect.gather [hbm4b:s4+s19], $0x10, s19, s19, $0xb8;
	[tilespmem:$0xAF00] =	vst v63  }
0x3d: {  	s14 =	simm.s32 $0x100  }
0x3e: {  	[tilespmem:s23], [sflag:$0x3] =	stream.indirect.gather [hbm4b:s4+s19], $0x10, s14, s19, $0xb8;
	[tilespmem:$0xAF00] =	vst v63  }
0x3f: {  	s15 =	simm.s32 $0x180  }
0x40: {  	[tilespmem:s25], [sflag:$0x4] =	stream.indirect.gather [hbm4b:s4+s19], $0x10, s15, s19, $0xb8;
	[tilespmem:$0xAF00] =	vst v63  }
0x41: {  	s18 =	simm.s32 $0x200  }
0x42: {  	[tilespmem:s28], [sflag:$0x5] =	stream.indirect.gather [hbm4b:s4+s19], $0x10, s18, s19, $0xb8;
	[tilespmem:$0xAF00] =	vst v63  }
0x43: {  	s14 =	simm.s32 $0x280  }
0x44: {  	[tilespmem:s30], [sflag:$0x6] =	stream.indirect.gather [hbm4b:s4+s19], $0x10, s14, s19, $0xb8;
	[tilespmem:$0xAF00] =	vst v63  }
0x45: {  	_ =	swait.ge [sflag:s31], $0x2700  }
0x46: {  	[sflag:s31] =	ssyncset.done $0x0  }
0x47: {  	[sflag:s31] =	ssyncadd.s32 $0xFFFFD900  }
0x48: {  	_ =	swait.ge [sflag:s0], $0x800  }
0x49: {  	[sflag:s0] =	ssyncset.done $0x0  }
0x4a: {  	[sflag:s0] =	ssyncadd.s32 $0xFFFFF800  }
0x4b: {  	_ =	swait.ge [sflag:s0], $0x800  }
0x4c: {  	[sflag:s0] =	ssyncset.done $0x0  }
0x4d: {  	[sflag:s0] =	ssyncadd.s32 $0xFFFFF800  }
0x4e: {  	_ =	swait.ge [sflag:s0], $0x800  }
0x4f: {  	[sflag:s0] =	ssyncset.done $0x0  }
0x50: {  	[sflag:s0] =	ssyncadd.s32 $0xFFFFF800  }
0x51: {  	_ =	swait.ge [sflag:s0], $0x800  }
0x52: {  	[sflag:s0] =	ssyncset.done $0x0  }
0x53: {  	[sflag:s0] =	ssyncadd.s32 $0xFFFFF800  }
0x54: {  	_ =	swait.ge [sflag:s0], $0x800  }
0x55: {  	[sflag:s0] =	ssyncset.done $0x0  }
0x56: {  	[sflag:s0] =	ssyncadd.s32 $0xFFFFF800  }
0x57: {  	[bflag:$0x0] =	sbarrier.arrive $0xFFFF  }
0x58: {  	_ =	swait.ge [sflag:s16], $0x800  }
0x59: {  	[sflag:s16] =	ssyncset.done $0x0  }
0x5a: {  	s15 =	simm.s32 $0x2780;
	[sflag:s16] =	ssyncadd.s32 $0xFFFFF800  }
0x5b: {  	[spmem:s2] =	stream.indirect.scatter.add.f32 [tilespmem:s20], [sflag:$0x7], $0x10, s15, s19, $0xb8;
	[tilespmem:$0xAF00] =	vst v63  }
0x5c: {  	_ =	swait.ge [sflag:s22], $0x800  }
0x5d: {  	[sflag:s22] =	ssyncset.done $0x0  }
0x5e: {  	s18 =	simm.s32 $0x2800;
	[sflag:s22] =	ssyncadd.s32 $0xFFFFF800  }
0x5f: {  	[spmem:s2] =	stream.indirect.scatter.add.f32 [tilespmem:s21], [sflag:$0x8], $0x10, s18, s19, $0xb8;
	[tilespmem:$0xAF00] =	vst v63  }
0x60: {  	_ =	swait.ge [sflag:s24], $0x800  }
0x61: {  	[sflag:s24] =	ssyncset.done $0x0  }
0x62: {  	s14 =	simm.s32 $0x2880;
	[sflag:s24] =	ssyncadd.s32 $0xFFFFF800  }
0x63: {  	[spmem:s2] =	stream.indirect.scatter.add.f32 [tilespmem:s23], [sflag:$0x9], $0x10, s14, s19, $0xb8;
	[tilespmem:$0xAF00] =	vst v63  }
0x64: {  	_ =	swait.ge [sflag:s26], $0x800  }
0x65: {  	[sflag:s26] =	ssyncset.done $0x0  }
0x66: {  	s15 =	simm.s32 $0x2900;
	[sflag:s26] =	ssyncadd.s32 $0xFFFFF800  }
0x67: {  	[spmem:s2] =	stream.indirect.scatter.add.f32 [tilespmem:s25], [sflag:$0xA], $0x10, s15, s19, $0xb8;
	[tilespmem:$0xAF00] =	vst v63  }
0x68: {  	_ =	swait.ge [sflag:s29], $0x800  }
0x69: {  	[sflag:s29] =	ssyncset.done $0x0  }
0x6a: {  	s18 =	simm.s32 $0x2980;
	[sflag:s29] =	ssyncadd.s32 $0xFFFFF800  }
0x6b: {  	[spmem:s2] =	stream.indirect.scatter.add.f32 [tilespmem:s28], [sflag:$0xB], $0x10, s18, s19, $0xb8;
	[tilespmem:$0xAF00] =	vst v63  }
0x6c: {  	_ =	swait.ge [sflag:s1], $0x800  }
0x6d: {  	[sflag:s1] =	ssyncset.done $0x0  }
0x6e: {  	s14 =	simm.s32 $0x2A00;
	[sflag:s1] =	ssyncadd.s32 $0xFFFFF800  }
0x6f: {  	[spmem:s2] =	stream.indirect.scatter.add.f32 [tilespmem:s30], [sflag:$0xC], $0x10, s14, s19, $0xb8;
	[tilespmem:$0xAF00] =	vst v63  }
0x70: {  	_ =	swait.ge [sflag:s3], $0x800  }
0x71: {  	[sflag:s3] =	ssyncset.done $0x0  }
0x72: {  	s15 =	simm.s32 $0x300;
	[sflag:s3] =	ssyncadd.s32 $0xFFFFF800  }
0x73: {  	[tilespmem:s20], [sflag:$0x1] =	stream.indirect.gather [hbm4b:s4+s19], $0x10, s15, s19, $0xb8;
	[tilespmem:$0xAF00] =	vst v63  }
0x74: {  	_ =	swait.ge [sflag:s5], $0x800  }
0x75: {  	[sflag:s5] =	ssyncset.done $0x0  }
0x76: {  	s18 =	simm.s32 $0x380;
	[sflag:s5] =	ssyncadd.s32 $0xFFFFF800  }
0x77: {  	[tilespmem:s21], [sflag:$0x2] =	stream.indirect.gather [hbm4b:s4+s19], $0x10, s18, s19, $0xb8;
	[tilespmem:$0xAF00] =	vst v63  }
0x78: {  	_ =	swait.ge [sflag:s6], $0x800  }
0x79: {  	[sflag:s6] =	ssyncset.done $0x0  }
0x7a: {  	s14 =	simm.s32 $0x400;
	[sflag:s6] =	ssyncadd.s32 $0xFFFFF800  }
0x7b: {  	[tilespmem:s23], [sflag:$0x3] =	stream.indirect.gather [hbm4b:s4+s19], $0x10, s14, s19, $0xb8;
	[tilespmem:$0xAF00] =	vst v63  }
0x7c: {  	_ =	swait.ge [sflag:s7], $0x800  }
0x7d: {  	[sflag:s7] =	ssyncset.done $0x0  }
0x7e: {  	s15 =	simm.s32 $0x480;
	[sflag:s7] =	ssyncadd.s32 $0xFFFFF800  }
0x7f: {  	[tilespmem:s25], [sflag:$0x4] =	stream.indirect.gather [hbm4b:s4+s19], $0x10, s15, s19, $0xb8;
	[tilespmem:$0xAF00] =	vst v63  }
0x80: {  	_ =	swait.ge [sflag:s8], $0x800  }
0x81: {  	[sflag:s8] =	ssyncset.done $0x0  }
0x82: {  	s18 =	simm.s32 $0x500;
	[sflag:s8] =	ssyncadd.s32 $0xFFFFF800  }
0x83: {  	[tilespmem:s28], [sflag:$0x5] =	stream.indirect.gather [hbm4b:s4+s19], $0x10, s18, s19, $0xb8;
	[tilespmem:$0xAF00] =	vst v63  }
0x84: {  	_ =	swait.ge [sflag:s10], $0x800  }
0x85: {  	[sflag:s10] =	ssyncset.done $0x0  }
0x86: {  	s13 =	simm.s32 $0xC00;
	s14 =	simm.s32 $0x580;
	[sflag:s10] =	ssyncadd.s32 $0xFFFFF800  }
.LBB2_4:
0x87: {  	[tilespmem:s30], [sflag:$0x6] =	stream.indirect.gather [hbm4b:s4+s19], $0x10, s14, s19, $0xb8;
	[tilespmem:$0xAF00] =	vst v63  }
0x88: {  	s14 =	smov.u32 s13  }
0x89: {  	p1 =	sne.s32 s13, $0x8400;
	s13 =	sadd.s32 $0xC00, s13;
	_ =	swait.ge [sflag:s16], $0x800  }
0x8a: {  	s14 =	sshra.s32 s14, $0x2;
	[sflag:s16] =	ssyncset.done $0x0  }
0x8b: {  	s15 =	sadd.s32 $0x2780, s14;
	[sflag:s16] =	ssyncadd.s32 $0xFFFFF800  }
0x8c: {  	[spmem:s2] =	stream.indirect.scatter.add.f32 [tilespmem:s20], [sflag:$0x7], $0x10, s15, s19, $0xb8;
	[tilespmem:$0xAF00] =	vst v63  }
0x8d: {  	_ =	swait.ge [sflag:s22], $0x800  }
0x8e: {  	[sflag:s22] =	ssyncset.done $0x0  }
0x8f: {  	s15 =	sadd.s32 $0x2800, s14;
	[sflag:s22] =	ssyncadd.s32 $0xFFFFF800  }
0x90: {  	[spmem:s2] =	stream.indirect.scatter.add.f32 [tilespmem:s21], [sflag:$0x8], $0x10, s15, s19, $0xb8;
	[tilespmem:$0xAF00] =	vst v63  }
0x91: {  	_ =	swait.ge [sflag:s24], $0x800  }
0x92: {  	[sflag:s24] =	ssyncset.done $0x0  }
0x93: {  	s15 =	sadd.s32 $0x2880, s14;
	[sflag:s24] =	ssyncadd.s32 $0xFFFFF800  }
0x94: {  	[spmem:s2] =	stream.indirect.scatter.add.f32 [tilespmem:s23], [sflag:$0x9], $0x10, s15, s19, $0xb8;
	[tilespmem:$0xAF00] =	vst v63  }
0x95: {  	_ =	swait.ge [sflag:s26], $0x800  }
0x96: {  	[sflag:s26] =	ssyncset.done $0x0  }
0x97: {  	s15 =	sadd.s32 $0x2900, s14;
	[sflag:s26] =	ssyncadd.s32 $0xFFFFF800  }
0x98: {  	[spmem:s2] =	stream.indirect.scatter.add.f32 [tilespmem:s25], [sflag:$0xA], $0x10, s15, s19, $0xb8;
	[tilespmem:$0xAF00] =	vst v63  }
0x99: {  	_ =	swait.ge [sflag:s29], $0x800  }
0x9a: {  	[sflag:s29] =	ssyncset.done $0x0  }
0x9b: {  	s15 =	sadd.s32 $0x2980, s14;
	[sflag:s29] =	ssyncadd.s32 $0xFFFFF800  }
0x9c: {  	[spmem:s2] =	stream.indirect.scatter.add.f32 [tilespmem:s28], [sflag:$0xB], $0x10, s15, s19, $0xb8;
	[tilespmem:$0xAF00] =	vst v63  }
0x9d: {  	_ =	swait.ge [sflag:s1], $0x800  }
0x9e: {  	[sflag:s1] =	ssyncset.done $0x0  }
0x9f: {  	s15 =	sadd.s32 $0x2A00, s14;
	[sflag:s1] =	ssyncadd.s32 $0xFFFFF800  }
0xa0: {  	[spmem:s2] =	stream.indirect.scatter.add.f32 [tilespmem:s30], [sflag:$0xC], $0x10, s15, s19, $0xb8;
	[tilespmem:$0xAF00] =	vst v63  }
0xa1: {  	_ =	swait.ge [sflag:s3], $0x800  }
0xa2: {  	[sflag:s3] =	ssyncset.done $0x0  }
0xa3: {  	s15 =	sadd.s32 $0x300, s14;
	[sflag:s3] =	ssyncadd.s32 $0xFFFFF800  }
0xa4: {  	[tilespmem:s20], [sflag:$0x1] =	stream.indirect.gather [hbm4b:s4+s19], $0x10, s15, s19, $0xb8;
	[tilespmem:$0xAF00] =	vst v63  }
0xa5: {  	_ =	swait.ge [sflag:s5], $0x800  }
0xa6: {  	[sflag:s5] =	ssyncset.done $0x0  }
0xa7: {  	s15 =	sadd.s32 $0x380, s14;
	[sflag:s5] =	ssyncadd.s32 $0xFFFFF800  }
0xa8: {  	[tilespmem:s21], [sflag:$0x2] =	stream.indirect.gather [hbm4b:s4+s19], $0x10, s15, s19, $0xb8;
	[tilespmem:$0xAF00] =	vst v63  }
0xa9: {  	_ =	swait.ge [sflag:s6], $0x800  }
0xaa: {  	[sflag:s6] =	ssyncset.done $0x0  }
0xab: {  	s15 =	sadd.s32 $0x400, s14;
	[sflag:s6] =	ssyncadd.s32 $0xFFFFF800  }
0xac: {  	[tilespmem:s23], [sflag:$0x3] =	stream.indirect.gather [hbm4b:s4+s19], $0x10, s15, s19, $0xb8;
	[tilespmem:$0xAF00] =	vst v63  }
0xad: {  	_ =	swait.ge [sflag:s7], $0x800  }
0xae: {  	[sflag:s7] =	ssyncset.done $0x0  }
0xaf: {  	s15 =	sadd.s32 $0x480, s14;
	[sflag:s7] =	ssyncadd.s32 $0xFFFFF800  }
0xb0: {  	[tilespmem:s25], [sflag:$0x4] =	stream.indirect.gather [hbm4b:s4+s19], $0x10, s15, s19, $0xb8;
	[tilespmem:$0xAF00] =	vst v63  }
0xb1: {  	_ =	swait.ge [sflag:s8], $0x800  }
0xb2: {  	[sflag:s8] =	ssyncset.done $0x0  }
.Ltmp1:
0xb3: {  	s15 =	sadd.s32 $0x500, s14;
	[sflag:s8] =	ssyncadd.s32 $0xFFFFF800;
	(pc) =	sbr.rel @p1 .LBB2_4-.Ltmp1, $4  }
0xb4: {  	[tilespmem:s28], [sflag:$0x5] =	stream.indirect.gather [hbm4b:s4+s19], $0x10, s15, s19, $0xb8;
	[tilespmem:$0xAF00] =	vst v63  }
0xb5: {  	_ =	swait.ge [sflag:s10], $0x800  }
0xb6: {  	[sflag:s10] =	ssyncset.done $0x0  }
0xb7: {  	s14 =	sadd.s32 $0x580, s14;
	[sflag:s10] =	ssyncadd.s32 $0xFFFFF800  }
0xb8: {  	[tilespmem:s30], [sflag:$0x6] =	stream.indirect.gather [hbm4b:s4+s19], $0x10, s14, s19, $0xb8;
	[tilespmem:$0xAF00] =	vst v63  }
0xb9: {  	_ =	swait.ge [sflag:s16], $0x800  }
0xba: {  	[sflag:s16] =	ssyncset.done $0x0  }
0xbb: {  	s13 =	simm.s32 $0x4B80;
	[sflag:s16] =	ssyncadd.s32 $0xFFFFF800  }
0xbc: {  	[spmem:s2] =	stream.indirect.scatter.add.f32 [tilespmem:s20], [sflag:$0x7], $0x10, s13, s19, $0xb8;
	[tilespmem:$0xAF00] =	vst v63  }
0xbd: {  	_ =	swait.ge [sflag:s22], $0x800  }
0xbe: {  	[sflag:s22] =	ssyncset.done $0x0  }
0xbf: {  	s15 =	simm.s32 $0x4C00;
	[sflag:s22] =	ssyncadd.s32 $0xFFFFF800  }
0xc0: {  	[spmem:s2] =	stream.indirect.scatter.add.f32 [tilespmem:s21], [sflag:$0x8], $0x10, s15, s19, $0xb8;
	[tilespmem:$0xAF00] =	vst v63  }
0xc1: {  	_ =	swait.ge [sflag:s24], $0x800  }
0xc2: {  	[sflag:s24] =	ssyncset.done $0x0  }
0xc3: {  	s18 =	simm.s32 $0x4C80;
	[sflag:s24] =	ssyncadd.s32 $0xFFFFF800  }
0xc4: {  	[spmem:s2] =	stream.indirect.scatter.add.f32 [tilespmem:s23], [sflag:$0x9], $0x10, s18, s19, $0xb8;
	[tilespmem:$0xAF00] =	vst v63  }
0xc5: {  	_ =	swait.ge [sflag:s26], $0x800  }
0xc6: {  	[sflag:s26] =	ssyncset.done $0x0  }
0xc7: {  	s14 =	simm.s32 $0x4D00;
	[sflag:s26] =	ssyncadd.s32 $0xFFFFF800  }
0xc8: {  	[spmem:s2] =	stream.indirect.scatter.add.f32 [tilespmem:s25], [sflag:$0xA], $0x10, s14, s19, $0xb8;
	[tilespmem:$0xAF00] =	vst v63  }
0xc9: {  	_ =	swait.ge [sflag:s29], $0x800  }
0xca: {  	[sflag:s29] =	ssyncset.done $0x0  }
0xcb: {  	s15 =	simm.s32 $0x4D80;
	[sflag:s29] =	ssyncadd.s32 $0xFFFFF800  }
0xcc: {  	[spmem:s2] =	stream.indirect.scatter.add.f32 [tilespmem:s28], [sflag:$0xB], $0x10, s15, s19, $0xb8;
	[tilespmem:$0xAF00] =	vst v63  }
0xcd: {  	_ =	swait.ge [sflag:s1], $0x800  }
0xce: {  	[sflag:s1] =	ssyncset.done $0x0  }
0xcf: {  	s18 =	simm.s32 $0x4E00;
	[sflag:s1] =	ssyncadd.s32 $0xFFFFF800  }
0xd0: {  	[spmem:s2] =	stream.indirect.scatter.add.f32 [tilespmem:s30], [sflag:$0xC], $0x10, s18, s19, $0xb8;
	[tilespmem:$0xAF00] =	vst v63  }
0xd1: {  	_ =	swait.ge [sflag:s3], $0x800  }
0xd2: {  	[sflag:s3] =	ssyncset.done $0x0  }
0xd3: {  	[sflag:s3] =	ssyncadd.s32 $0xFFFFF800  }
0xd4: {  	_ =	swait.ge [sflag:s5], $0x800  }
0xd5: {  	[sflag:s5] =	ssyncset.done $0x0  }
0xd6: {  	[sflag:s5] =	ssyncadd.s32 $0xFFFFF800  }
0xd7: {  	_ =	swait.ge [sflag:s6], $0x800  }
0xd8: {  	[sflag:s6] =	ssyncset.done $0x0  }
0xd9: {  	[sflag:s6] =	ssyncadd.s32 $0xFFFFF800  }
0xda: {  	_ =	swait.ge [sflag:s7], $0x800  }
0xdb: {  	[sflag:s7] =	ssyncset.done $0x0  }
0xdc: {  	[sflag:s7] =	ssyncadd.s32 $0xFFFFF800  }
0xdd: {  	_ =	swait.ge [sflag:s8], $0x800  }
0xde: {  	[sflag:s8] =	ssyncset.done $0x0  }
0xdf: {  	[sflag:s8] =	ssyncadd.s32 $0xFFFFF800  }
0xe0: {  	_ =	swait.ge [sflag:s10], $0x800  }
0xe1: {  	s13 =	simm.s32 @!p0 $0x80;
	[sflag:s10] =	ssyncset.done $0x0  }
0xe2: {  	s14 =	simm.s32 @!p0 $0x2700;
	s15 =	simm.s32 @!p0 $0x4F00;
	[sflag:s10] =	ssyncadd.s32 $0xFFFFF800  }
0xe3: {  	[tilespmem:s15], [sflag:$0x1] =	stream.indirect.gather @!p0 [hbm4b:s4+s13], $0x10, s14, s13, $0xb8;
	[tilespmem:$0xAF00] =	vst v63  }
0xe4: {  	s14 =	simm.s32 @!p0 $0x1  }
0xe5: {  	_ =	swait.ge @!p0 [sflag:s14], $0x800  }
0xe6: {  	[sflag:s14] =	ssyncset.done @!p0 $0x0  }
0xe7: {  	[sflag:s14] =	ssyncadd.s32 @!p0 $0xFFFFF800;
	s14 =	simm.s32 @!p0 $0x4E80  }
0xe8: {  	[spmem:s2] =	stream.indirect.scatter.add.f32 @!p0 [tilespmem:s15], [sflag:$0x7], $0x10, s14, s13, $0xb8;
	[tilespmem:$0xAF00] =	vst v63  }
0xe9: {  	s13 =	simm.s32 @!p0 $0x7  }
0xea: {  	_ =	swait.ge @!p0 [sflag:s13], $0x800  }
0xeb: {  	[sflag:s13] =	ssyncset.done @!p0 $0x0  }
0xec: {  	s14 =	stileid.u32;
	[sflag:s13] =	ssyncadd.s32 @!p0 $0xFFFFF800  }
0xed: {  	s13 =	sshll.u32 s14, $0x6;
	[bflag:$0x0] =	sbarrier.arrive $0xFFFF  }
0xee: {  	s15 =	sshrl.u32 s9, $0x3;
	s13 =	sor.u32 $0x1C10, s13;
	s18 =	rddreg [dreg:$0xb]  }
0xef: {  	[hbm:s18], [sflag:s13] =	dma.local [spmem:s15], $0x500  }
0xf0: {  	_ =	swait.ge [sflag:s11], $0x500  }
0xf1: {  	s12 =	sadd.s32 $0x1, s12;
	s18 =	rddreg [dreg:$0xc]  }
0xf2: {  	p1 =	sne.s32 s12, s18  }
.Ltmp2:
0xf3: {  	_ = 	snop;
	(pc) =	sbr.rel @p1 .LBB2_1-.Ltmp2, $3  }
0xf4: {  	_ =	sdelay $0x1  }
0xf5: {  	[sflag:s11] =	ssyncset.done $0x0  }
0xf6: {  	[sflag:s11] =	ssyncadd.s32 $0xFFFFFB00  }
0xf7: {  	_ =	sfence.sel $0x180000  }
0xf8: {  	[bflag:$0x0] =	sbarrier.arrive $0xFFFF  }
0xf9: {  	_ =	strace $0x9000004A  }
0xfa: {  	s0 =	stileid.u32;
	[bflag:$0x2] =	sbarrier.arrive $0xFFFF  }
0xfb: {  	p0 =	sne.s32 s0, $0x0;
	s0 =	rddreg [dreg:$0x2]  }
0xfc: {  	s0 =	sadd.s32 @!p0 $0x100000, s0  }
0xfd: {  	[sflag:s0] =	ssyncadd.tile.s32 @!p0 $0x1;
	_ =	shalt  }
.Lfunc_end2:
_tile_overlayer_lowered:
.L_overlay_start_2:
0xfe: {  	(tag) =	ssettag $0x2  }
0xff: {  	s0 =	rddreg [dreg:$0x0];
	s2 =	stileid.u32  }
0x100: {  	s1 =	rddreg [dreg:$0x1];
	p0 =	sne.s32 s2, $0x0  }
0x101: {  	s3 =	rddreg [dreg:$0x2];
	[bflag:$0x3] =	sbarrier.arrive $0xFFFF;
	s2 =	simm.s32 @!p0 $0x1C10  }
0x102: {  	[timem:s3], [sflag:s2] =	dma.local @!p0 [hbm:s0], s1  }
0x103: {  	s0 =	simm.s32 @!p0 $0x10  }
0x104: {  	_ =	swait.ge @!p0 [sflag:s0], s1  }
0x105: {  	s1 =	ssub.s32 @!p0 $0x0, s1;
	[sflag:s0] =	ssyncset.done @!p0 $0x0  }
0x106: {  	[sflag:s0] =	ssyncadd.s32 @!p0 s1  }
0x107: {  	[bflag:$0x3] =	sbarrier.arrive $0xFFFF  }
0x108: {  	_ =	shalt  }

// kernel: kernel.7.cloned.1.call-start
scs
__scs_entry_jumppad:
0x0: {  	(pc) =	sbr.rel $0x88, $3  }
0x1: {  	(tag) =	ssettag $0x0;
	lr =	simm.s32 $0x1  }
0x2: {  	[smem:$0x3F9B] =	sst lr;
	_ =	strace $0xD0000000  }
0x3: {  	_ = 	snop  }
0x4: {  	_ = 	snop  }
0x5: {  	_ = 	snop  }
0x6: {  	_ = 	snop  }
0x7: {  	_ = 	snop  }
__scs_overlays_trampoline_lowered:
0x8: {  	[smem:$0x3FAA] =	sst s0  }
0x9: {  	[smem:$0x3FAB] =	sst s1  }
0xa: {  	[smem:$0x3FAC] =	sst s2  }
0xb: {  	[smem:$0x3FAD] =	sst s3  }
0xc: {  	[smem:$0x3FAE] =	sst s4  }
0xd: {  	[smem:$0x3FAF] =	sst s5  }
0xe: {  	[smem:$0x3FB0] =	sst s6  }
0xf: {  	[smem:$0x3FB1] =	sst s7  }
0x10: {  	[smem:$0x3FB2] =	sst s8  }
0x11: {  	[smem:$0x3FB3] =	sst s9;
	s0 =	simm.s32 @!p0 $0x0  }
0x12: {  	s1 =	sld [smem:$0x3F99];
	s0 =	simm.s32 @p0 $0x1  }
0x13: {  	[smem:$0x3FB4] =	sst s0;
	s0 =	simm.s32 @!p1 $0x0  }
0x14: {  	s2 =	sld [smem:$0x3F98];
	s0 =	simm.s32 @p1 $0x1  }
0x15: {  	[smem:$0x3FB5] =	sst s0;
	s0 =	simm.s32 @!p2 $0x0  }
0x16: {  	s3 =	sld [smem:$0x3FDB];
	s0 =	simm.s32 @p2 $0x1  }
0x17: {  	s4 =	simm.s32 $0x1BF5;
	[smem:$0x3FB7] =	sst s0  }
0x18: {  	s0 =	sld [smem:$0x3F9A];
	_ =	swait.ge [sflag:s4], $0x0  }
0x19: {  	s7 =	sld [smem:$0x3F9B]  }
0x1a: {  	s8 =	sadd.s32 $0xFFFFE003, lr  }
0x1b: {  	s9 =	sadd.s32 $0xFFFFFEF7, lr;
	s5 =	simm.s32 $0xFFFFFFFF;
	p2 =	slt.u32 s8, $0xFFFFF086  }
0x1c: {  	p1 =	slt.u32 s9, $0xF7A;
	s5 =	simm.s32 @!p2 $0x0  }
0x1d: {  	s5 =	simm.s32 @p1 $0x1;
	p0 =	seq.s32 s7, s2  }
0x1e: {  	s7 =	smul.u32 @!p0 $0xF7A, s2;
	p2 =	seq.s32 @!p0 s5, $0x0  }
0x1f: {  	s9 =	smul.u32 $0xF7A, s1;
	s8 =	simm.s32 @!p0 $0x1BF5;
	p2 =	por !p2, p0  }
0x20: {  	[sflag:s8] =	ssyncset.s32 @!p0 $0xFFFFF086;
	s6 =	sadd.s32 @!p0 s3, s7;
	s7 =	simm.s32 @!p0 $0x108  }
0x21: {  	s3 =	sadd.s32 s3, s9;
	s6 =	sadd.s32 @!p0 $0x88, s6;
	s7 =	simm.s32 @p2 $0x1082  }
0x22: {  	[simem:s7], [sflag:s8] =	dma.local @!p0 [hbm:s6], $0xF7A  }
0x23: {  	s9 =	sor.u32 $0xD0000000, s2;
	s6 =	simm.s32 $0x108;
	_ =	swait.ge @!p0 [sflag:s8], $0x0  }
0x24: {  	s3 =	sadd.s32 $0x88, s3;
	s6 =	simm.s32 @!p1 $0x1082;
	[sflag:s4] =	ssyncset.s32 $0xFFFFF086  }
0x25: {  	[simem:s6], [sflag:s4] =	dma.local [hbm:s3], $0xF7A  }
0x26: {  	[smem:$0x3F9B] =	sst s1;
	(tag) =	ssettag s2;
	_ =	strace s9  }
0x27: {  	s1 =	sld [smem:$0x3FAB]  }
0x28: {  	s2 =	sld [smem:$0x3FAC]  }
0x29: {  	s4 =	sld [smem:$0x3FAE]  }
0x2a: {  	p0 =	seq.s32 s5, $0x0;
	s5 =	sld [smem:$0x3FAF]  }
0x2b: {  	s6 =	sld [smem:$0x3FB0]  }
0x2c: {  	s7 =	sld [smem:$0x3FB1]  }
0x2d: {  	s3 =	simm.s32 $0x108;
	s8 =	sld [smem:$0x3FB2]  }
0x2e: {  	s3 =	simm.s32 @!p0 $0x1082;
	s9 =	sld [smem:$0x3FB3]  }
0x2f: {  	lr =	sadd.s32 s0, s3;
	s0 =	sld [smem:$0x3FAA]  }
0x30: {  	s3 =	sld [smem:$0x3FAD]  }
0x31: {  	[smem:$0x3FB6] =	sst s10  }
0x32: {  	s10 =	sld [smem:$0x3FB4];
	_ =	sdelay $0x3  }
0x33: {  	p0 =	seq.s32 s10, $0x1;
	s10 =	sld [smem:$0x3FB6];
	_ =	sdelay $0x3  }
0x34: {  	[smem:$0x3FB6] =	sst s10  }
0x35: {  	s10 =	sld [smem:$0x3FB5];
	_ =	sdelay $0x3  }
0x36: {  	p1 =	seq.s32 s10, $0x1;
	s10 =	sld [smem:$0x3FB6];
	_ =	sdelay $0x3  }
0x37: {  	[smem:$0x3FB6] =	sst s10  }
0x38: {  	s10 =	sld [smem:$0x3FB7]  }
0x39: {  	_ = 	snop;
	(pc) =	sbr.ind lr, $3  }
0x3a: {  	_ = 	snop  }
0x3b: {  	_ = 	snop  }
0x3c: {  	p2 =	seq.s32 s10, $0x1;
	s10 =	sld [smem:$0x3FB6]  }
0x3d: {  	_ =	shalt  }
0x3e: {  	_ =	shalt  }
0x3f: {  	_ =	shalt  }
0x40: {  	_ =	shalt  }
0x41: {  	_ =	shalt  }
0x42: {  	_ =	shalt  }
0x43: {  	_ =	shalt  }
0x44: {  	_ =	shalt  }
0x45: {  	_ =	shalt  }
0x46: {  	_ =	shalt  }
0x47: {  	_ =	shalt  }
0x48: {  	_ =	shalt  }
0x49: {  	_ =	shalt  }
0x4a: {  	_ =	shalt  }
0x4b: {  	_ =	shalt  }
0x4c: {  	_ =	shalt  }
0x4d: {  	_ =	shalt  }
0x4e: {  	_ =	shalt  }
0x4f: {  	_ =	shalt  }
0x50: {  	_ =	shalt  }
0x51: {  	_ =	shalt  }
0x52: {  	_ =	shalt  }
0x53: {  	_ =	shalt  }
0x54: {  	_ =	shalt  }
0x55: {  	_ =	shalt  }
0x56: {  	_ =	shalt  }
0x57: {  	_ =	shalt  }
0x58: {  	_ =	shalt  }
0x59: {  	_ =	shalt  }
0x5a: {  	_ =	shalt  }
0x5b: {  	_ =	shalt  }
0x5c: {  	_ =	shalt  }
0x5d: {  	_ =	shalt  }
0x5e: {  	_ =	shalt  }
0x5f: {  	_ =	shalt  }
0x60: {  	_ =	shalt  }
0x61: {  	_ =	shalt  }
0x62: {  	_ =	shalt  }
0x63: {  	_ =	shalt  }
0x64: {  	_ =	shalt  }
0x65: {  	_ =	shalt  }
0x66: {  	_ =	shalt  }
0x67: {  	_ =	shalt  }
0x68: {  	_ =	shalt  }
0x69: {  	_ =	shalt  }
0x6a: {  	_ =	shalt  }
0x6b: {  	_ =	shalt  }
0x6c: {  	_ =	shalt  }
0x6d: {  	_ =	shalt  }
0x6e: {  	_ =	shalt  }
0x6f: {  	_ =	shalt  }
0x70: {  	_ =	shalt  }
0x71: {  	_ =	shalt  }
0x72: {  	_ =	shalt  }
0x73: {  	_ =	shalt  }
0x74: {  	_ =	shalt  }
0x75: {  	_ =	shalt  }
0x76: {  	_ =	shalt  }
0x77: {  	_ =	shalt  }
0x78: {  	_ =	shalt  }
0x79: {  	_ =	shalt  }
0x7a: {  	_ =	shalt  }
0x7b: {  	_ =	shalt  }
0x7c: {  	_ =	shalt  }
0x7d: {  	_ =	shalt  }
0x7e: {  	_ =	shalt  }
0x7f: {  	_ =	shalt  }
0x80: {  	_ =	shalt  }
0x81: {  	_ =	shalt  }
0x82: {  	_ =	shalt  }
0x83: {  	_ =	shalt  }
0x84: {  	_ =	shalt  }
0x85: {  	_ =	shalt  }
0x86: {  	_ =	shalt  }
0x87: {  	_ =	shalt  }
.Lfunc_end0:
.L_simem_size_0:
called_computation_lowered:
.L_overlay_start_0:
0x88: {  	s2 =	sld [smem:$0x3FD9]  }
0x89: {  	s3 =	sld [smem:$0x3FFE];
	_ =	sdelay $0x1  }
0x8a: {  	s1 =	srdreg.scid  }
0x8b: {  	s0 =	sand.u32 $0x1, s1  }
0x8c: {  	s16 =	sshll.u32 s0, $0xA;
	s2 =	sadd.s32 s3, s2  }
0x8d: {  	s2 =	sadd.s32 s2, s16  }
0x8e: {  	[smem:$0x3FC2] =	sst s2  }
0x8f: {  	_ = 	snop  }
0x90: {  	(tm) =	ssettm $0x1  }
0x91: {  	s17 =	sld [smem:$0x3FFB];
	_ =	sdelay $0x3  }
0x92: {  	_ =	strace s17  }
0x93: {  	s2 =	sld [smem:$0x3FFC];
	_ =	sdelay $0x3  }
0x94: {  	_ =	strace s2  }
0x95: {  	s2 =	sld [smem:$0x3FFD];
	_ =	sdelay $0x3  }
0x96: {  	_ =	strace s2  }
0x97: {  	_ =	strace $0x8FFFFFFF  }
0x98: {  	s18 =	sld [smem:$0x3FDB];
	_ =	sdelay $0x1  }
0x99: {  	s19 =	simm.s32 $_scs_section_size  }
0x9a: {  	s4 =	simm.s32 $_size__tile_overlayer_lowered;
	s5 =	simm.s32 $_tile_overlayer_lowered  }
0x9b: {  	s22 =	simm.s32 $0x1BFF;
	s21 =	sshll.u32 s5, $0x1;
	s2 =	sadd.s32 s19, s18  }
0x9c: {  	s6 =	simm.s32 $0x0;
	s20 =	sshll.u32 s4, $0x1;
	s4 =	sadd.s32 s21, s2  }
0x9d: {  	[timem:s6], [sflag:s22] =	dma.local [hbm:s4], s20  }
0x9e: {  	_ =	swait.ge [sflag:s22], s20  }
0x9f: {  	s3 =	ssub.s32 $0x0, s20;
	[sflag:s22] =	ssyncset.done $0x0  }
0xa0: {  	[sflag:s22] =	ssyncadd.s32 s3;
	_ =	sdelay $0x1  }
0xa1: {  	s23 =	simm.s32 $0x1B8B  }
0xa2: {  	_ =	swait.ge [sflag:s23], $0x1  }
0xa3: {  	[sflag:s23] =	ssyncset.done $0x0  }
0xa4: {  	s25 =	simm.s32 $0x1B8E;
	s24 =	sld [smem:$0x3FFE];
	[sflag:s23] =	ssyncadd.s32 $0xFFFFFFFF  }
0xa5: {  	s26 =	simm.s32 $execute0_lowered;
	[smem:$0x3FD2] =	sst s25  }
0xa6: {  	s4 =	sshll.u32 s26, $0x1;
	_ =	strace $0x80000046;
	[dreg:$0x1] =	wrdreg $0xFFFFFFFF  }
0xa7: {  	s28 =	simm.s32 $_size_execute0_lowered;
	s2 =	sadd.s32 s2, s4;
	[dreg:$0x0] =	wrdreg $0x0  }
0xa8: {  	s4 =	sshll.u32 s28, $0x1;
	[dreg:$0x2] =	wrdreg s2  }
0xa9: {  	[dreg:$0x3] =	wrdreg s4  }
0xaa: {  	[dreg:$0x4] =	wrdreg $0xC0  }
0xab: {  	_ =	task [dreg:s6], $0x5FFFF  }
0xac: {  	[dreg:$0x1] =	wrdreg $0xFFFFFFFF  }
0xad: {  	[dreg:$0x0] =	wrdreg $0x60  }
0xae: {  	[dreg:$0x2] =	wrdreg s24  }
0xaf: {  	[dreg:$0x3] =	wrdreg $0x87000  }
0xb0: {  	[dreg:$0x4] =	wrdreg $0x9  }
0xb1: {  	_ =	task.clear_ibuf [dreg:s6], $0x5FFFF;
	_ =	strace $0x90000046  }
0xb2: {  	s29 =	simm.s32 $0x9;
	_ =	strace $0x80000048  }
0xb3: {  	_ =	swait.ge [sflag:s29], $0x1  }
0xb4: {  	[sflag:s29] =	ssyncadd.s32 $0xFFFFFFFF  }
0xb5: {  	_ =	strace $0x90000048  }
0xb6: {  	_ =	sfence  }
0xb7: {  	s30 =	sld [smem:$0x0];
	_ =	sdelay $0x2  }
0xb8: {  	s31 =	sshll.u32 s1, $0xD;
	s1 =	sshrl.u32 s1, $0x2  }
0xb9: {  	s3 =	sand.u32 $0x4000, s31;
	s1 =	sadd.s32 s1, s30  }
0xba: {  	s0 =	sor.u32 s3, s0;
	s1 =	sshll.u32 s1, $0x11  }
0xbb: {  	s0 =	sor.u32 s1, s0  }
0xbc: {  	s0 =	sadd.s32 $0x8F2B, s0  }
0xbd: {  	[sflag:s0] =	ssyncadd.remote.s32 $0x1  }
0xbe: {  	_ =	sfence.sel $0xFFFF  }
0xbf: {  	[dreg:$0x0] =	wrdreg $0xFFFFFFFF;
	(pc) =	sbr.abs _section_cstart, $3  }
0xc0: {  	[dreg:$0x1] =	wrdreg $0xFFFFFFFF  }
0xc1: {  	_ =	task.clear_ibuf [dreg:s6], $0x2FFFF;
	_ =	strace $0x9FFFFFFF  }
0xc2: {  	(tm) =	ssettm $0x7FFFFFFF  }
0xc3: {  	_ =	shalt  }
tec
execute0_lowered:
.L_overlay_start_1:
0x0: {  	(tag) =	ssettag $0x1  }
0x1: {  	s0 =	rddreg [dreg:$0x0]  }
0x2: {  	s2 =	rddreg [dreg:$0x1];
	s3 =	simm.s32 $0x0  }
0x3: {  	s1 =	srdreg.scid;
	s11 =	stileid.u32;
	s28 =	simm.s32 $0x6F00  }
0x4: {  	s30 =	simm.s32 $0x7700;
	s31 =	simm.s32 $0xF;
	s29 =	simm.s32 $0x5  }
0x5: {  	s12 =	simm.s32 $0x0;
	[smem:$0x7FF] =	sst s3;
	s1 =	sand.u32 $0x1, s1  }
0x6: {  	s15 =	smul.u32 $0x2800, s11;
	s4 =	sshll.u32 s11, $0x1;
	s6 =	sadd.s32 $0xA600, s0  }
0x7: {  	s7 =	sadd.s32 $0x800, s0;
	s16 =	smul.u32 $0xA000, s11;
	p0 =	sgt.u32 s11, $0x1  }
0x8: {  	s3 =	simm.s32 $0x7;
	s11 =	simm.s32 $0x10;
	_ =	strace $0x80000047  }
0x9: {  	s5 =	smul.u32 $0x28000, s1;
	s8 =	sor.u32 s1, s4;
	s1 =	ssub.s32 $0x2, s1  }
0xa: {  	s4 =	sadd.s32 $0x14400, s0;
	s9 =	smul.u32 $0x4E, s8;
	s10 =	sshrl.u32 s1, $0x1  }
0xb: {  	s8 =	smin.u32 s8, $0x4;
	s5 =	sadd.s32 s15, s5;
	s1 =	ssub.s32 s1, s10  }
0xc: {  	s10 =	simm.s32 $0xC;
	s5 =	sshrl.u32 s5, $0x3;
	s8 =	sadd.s32 s8, s9  }
0xd: {  	s9 =	sshrl.u32 s16, $0x2;
	s26 =	smax.u32 s1, $0x1;
	s16 =	simm.s32 $0x1  }
0xe: {  	s1 =	simm.s32 $0x6;
	s0 =	sadd.s32 s5, s0;
	s17 =	sshll.u32 s8, $0x4  }
0xf: {  	s20 =	sadd.s32 s9, s2;
	[dreg:$0xc] =	wrdreg s26;
	s8 =	sadd.s32 s6, s17  }
0x10: {  	s9 =	sadd.s32 s15, s2;
	s5 =	sadd.s32 s7, s17;
	[dreg:$0x3] =	wrdreg s8  }
0x11: {  	s26 =	simm.s32 $0x4;
	s22 =	sadd.s32 $0x800, s20;
	[dreg:$0x4] =	wrdreg s5  }
0x12: {  	s18 =	sadd.s32 $0x4E0, s17;
	s23 =	sadd.s32 $0x1000, s20;
	[dreg:$0x7] =	wrdreg s22  }
0x13: {  	s24 =	sadd.s32 $0x1800, s20;
	s25 =	sadd.s32 $0x2000, s20;
	[dreg:$0x8] =	wrdreg s23  }
0x14: {  	s0 =	sadd.s32 $0x19400, s0;
	s17 =	simm.s32 $0x7F00;
	[dreg:$0x9] =	wrdreg s24  }
0x15: {  	s20 =	simm.s32 $0x4F00;
	s19 =	sadd.s32 s6, s18;
	[dreg:$0xa] =	wrdreg s25  }
0x16: {  	s21 =	sadd.s32 s7, s18;
	[dreg:$0xb] =	wrdreg s0;
	s23 =	simm.s32 $0x5F00  }
0x17: {  	s25 =	simm.s32 $0x6700;
	s0 =	simm.s32 $0xD;
	s22 =	simm.s32 $0x2  }
0x18: {  	s24 =	simm.s32 $0x3;
	s5 =	simm.s32 $0x8;
	s6 =	simm.s32 $0x9  }
0x19: {  	s7 =	simm.s32 $0xA;
	s8 =	simm.s32 $0xB;
	[dreg:$0x5] =	wrdreg s19  }
0x1a: {  	v0 =	vimm.f32 $0.0e+00;
	[dreg:$0x6] =	wrdreg s21;
	s19 =	simm.s32 $0x80;
	s21 =	simm.s32 $0x5700  }
.LBB2_1:
0x1b: {  	s13 =	simm.s32 $0x0;
	s14 =	rddreg [dreg:$0x3]  }
0x1c: {  	[tilespmem:s13], [sflag:$0xE] =	stream.linear.gather [hbm4b:s14+s13], $0x2700, $0x38;
	[tilespmem:$0xAF00] =	vst v63  }
0x1d: {  	s18 =	rddreg [dreg:$0x4];
	s15 =	simm.s32 $0x2780  }
0x1e: {  	[tilespmem:s15], [sflag:$0xF] =	stream.linear.gather [hbm4b:s18+s13], $0x2700, $0x38;
	[tilespmem:$0xAF00] =	vst v63  }
0x1f: {  	s14 =	simm.s32 @!p0 $0x2700;
	s13 =	simm.s32 @!p0 $0x0;
	s15 =	rddreg [dreg:$0x5]  }
0x20: {  	[tilespmem:s14], [sflag:$0x10] =	stream.linear.gather @!p0 [hbm4b:s15+s13], $0x80, $0x38;
	[tilespmem:$0xAF00] =	vst v63  }
0x21: {  	s14 =	simm.s32 @!p0 $0x10  }
0x22: {  	_ =	swait.ge @!p0 [sflag:s14], $0x80  }
0x23: {  	[sflag:s14] =	ssyncset.done @!p0 $0x0  }
0x24: {  	s15 =	simm.s32 @!p0 $0x4E80;
	s18 =	rddreg [dreg:$0x6];
	[sflag:s14] =	ssyncadd.s32 @!p0 $0xFFFFFF80  }
0x25: {  	[tilespmem:s15], [sflag:$0x10] =	stream.linear.gather @!p0 [hbm4b:s18+s13], $0x80, $0x38;
	[tilespmem:$0xAF00] =	vst v63  }
0x26: {  	_ =	swait.ge @!p0 [sflag:s14], $0x80  }
0x27: {  	[sflag:s14] =	ssyncset.done @!p0 $0x0  }
0x28: {  	s13 =	simm.s32 $0x40;
	[sflag:s14] =	ssyncadd.s32 @!p0 $0xFFFFFF80;
	s14 =	simm.s32 $0x0  }
.LBB2_2:
0x29: {  	p1 =	sne.s32 s13, $0x1FC0;
	[tilespmem:s14+$0x7F00] =	vst v0;
	s14 =	smov.u32 s13;
	s13 =	sadd.s32 $0x40, s13  }
.Ltmp0:
0x2a: {  	(pc) =	sbr.rel @p1 .LBB2_2-.Ltmp0, $2  }
0x2b: {  	_ =	sdelay $0x2  }
0x2c: {  	s14 =	sshra.s32 s14, $0x2  }
0x2d: {  	[tilespmem:s14+$0x7F00] =	vst v0  }
0x2e: {  	[spmem:s9] =	stream.linear.scatter [tilespmem:s17], [sflag:$0xD], $0x800, $0x38;
	[tilespmem:$0xAF00] =	vst v63  }
0x2f: {  	s13 =	rddreg [dreg:$0x7]  }
0x30: {  	[spmem:s13] =	stream.linear.scatter [tilespmem:s17], [sflag:$0xD], $0x800, $0x38;
	[tilespmem:$0xAF00] =	vst v63  }
0x31: {  	s15 =	rddreg [dreg:$0x8]  }
0x32: {  	[spmem:s15] =	stream.linear.scatter [tilespmem:s17], [sflag:$0xD], $0x800, $0x38;
	[tilespmem:$0xAF00] =	vst v63  }
0x33: {  	s18 =	rddreg [dreg:$0x9]  }
0x34: {  	[spmem:s18] =	stream.linear.scatter [tilespmem:s17], [sflag:$0xD], $0x800, $0x38;
	[tilespmem:$0xAF00] =	vst v63  }
0x35: {  	s14 =	rddreg [dreg:$0xa];
	s15 =	simm.s32 $0xE  }
0x36: {  	[spmem:s14] =	stream.linear.scatter [tilespmem:s17], [sflag:$0xD], $0x800, $0x38;
	[tilespmem:$0xAF00] =	vst v63  }
0x37: {  	_ =	swait.ge [sflag:s15], $0x2700  }
0x38: {  	[sflag:s15] =	ssyncset.done $0x0  }
0x39: {  	s18 =	simm.s32 $0x0;
	[sflag:s15] =	ssyncadd.s32 $0xFFFFD900  }
0x3a: {  	[tilespmem:s20], [sflag:$0x1] =	stream.indirect.gather [hbm4b:s4+s19], $0x10, s18, s19, $0xb8;
	[tilespmem:$0xAF00] =	vst v63  }
0x3b: {  	_ = 	snop  }
0x3c: {  	[tilespmem:s21], [sflag:$0x2] =	stream.indirect.gather [hbm4b:s4+s19], $0x10, s19, s19, $0xb8;
	[tilespmem:$0xAF00] =	vst v63  }
0x3d: {  	s14 =	simm.s32 $0x100  }
0x3e: {  	[tilespmem:s23], [sflag:$0x3] =	stream.indirect.gather [hbm4b:s4+s19], $0x10, s14, s19, $0xb8;
	[tilespmem:$0xAF00] =	vst v63  }
0x3f: {  	s15 =	simm.s32 $0x180  }
0x40: {  	[tilespmem:s25], [sflag:$0x4] =	stream.indirect.gather [hbm4b:s4+s19], $0x10, s15, s19, $0xb8;
	[tilespmem:$0xAF00] =	vst v63  }
0x41: {  	s18 =	simm.s32 $0x200  }
0x42: {  	[tilespmem:s28], [sflag:$0x5] =	stream.indirect.gather [hbm4b:s4+s19], $0x10, s18, s19, $0xb8;
	[tilespmem:$0xAF00] =	vst v63  }
0x43: {  	s14 =	simm.s32 $0x280  }
0x44: {  	[tilespmem:s30], [sflag:$0x6] =	stream.indirect.gather [hbm4b:s4+s19], $0x10, s14, s19, $0xb8;
	[tilespmem:$0xAF00] =	vst v63  }
0x45: {  	_ =	swait.ge [sflag:s31], $0x2700  }
0x46: {  	[sflag:s31] =	ssyncset.done $0x0  }
0x47: {  	[sflag:s31] =	ssyncadd.s32 $0xFFFFD900  }
0x48: {  	_ =	swait.ge [sflag:s0], $0x800  }
0x49: {  	[sflag:s0] =	ssyncset.done $0x0  }
0x4a: {  	[sflag:s0] =	ssyncadd.s32 $0xFFFFF800  }
0x4b: {  	_ =	swait.ge [sflag:s0], $0x800  }
0x4c: {  	[sflag:s0] =	ssyncset.done $0x0  }
0x4d: {  	[sflag:s0] =	ssyncadd.s32 $0xFFFFF800  }
0x4e: {  	_ =	swait.ge [sflag:s0], $0x800  }
0x4f: {  	[sflag:s0] =	ssyncset.done $0x0  }
0x50: {  	[sflag:s0] =	ssyncadd.s32 $0xFFFFF800  }
0x51: {  	_ =	swait.ge [sflag:s0], $0x800  }
0x52: {  	[sflag:s0] =	ssyncset.done $0x0  }
0x53: {  	[sflag:s0] =	ssyncadd.s32 $0xFFFFF800  }
0x54: {  	_ =	swait.ge [sflag:s0], $0x800  }
0x55: {  	[sflag:s0] =	ssyncset.done $0x0  }
0x56: {  	[sflag:s0] =	ssyncadd.s32 $0xFFFFF800  }
0x57: {  	[bflag:$0x0] =	sbarrier.arrive $0xFFFF  }
0x58: {  	_ =	swait.ge [sflag:s16], $0x800  }
0x59: {  	[sflag:s16] =	ssyncset.done $0x0  }
0x5a: {  	s15 =	simm.s32 $0x2780;
	[sflag:s16] =	ssyncadd.s32 $0xFFFFF800  }
0x5b: {  	[spmem:s2] =	stream.indirect.scatter.add.f32 [tilespmem:s20], [sflag:$0x7], $0x10, s15, s19, $0xb8;
	[tilespmem:$0xAF00] =	vst v63  }
0x5c: {  	_ =	swait.ge [sflag:s22], $0x800  }
0x5d: {  	[sflag:s22] =	ssyncset.done $0x0  }
0x5e: {  	s18 =	simm.s32 $0x2800;
	[sflag:s22] =	ssyncadd.s32 $0xFFFFF800  }
0x5f: {  	[spmem:s2] =	stream.indirect.scatter.add.f32 [tilespmem:s21], [sflag:$0x8], $0x10, s18, s19, $0xb8;
	[tilespmem:$0xAF00] =	vst v63  }
0x60: {  	_ =	swait.ge [sflag:s24], $0x800  }
0x61: {  	[sflag:s24] =	ssyncset.done $0x0  }
0x62: {  	s14 =	simm.s32 $0x2880;
	[sflag:s24] =	ssyncadd.s32 $0xFFFFF800  }
0x63: {  	[spmem:s2] =	stream.indirect.scatter.add.f32 [tilespmem:s23], [sflag:$0x9], $0x10, s14, s19, $0xb8;
	[tilespmem:$0xAF00] =	vst v63  }
0x64: {  	_ =	swait.ge [sflag:s26], $0x800  }
0x65: {  	[sflag:s26] =	ssyncset.done $0x0  }
0x66: {  	s15 =	simm.s32 $0x2900;
	[sflag:s26] =	ssyncadd.s32 $0xFFFFF800  }
0x67: {  	[spmem:s2] =	stream.indirect.scatter.add.f32 [tilespmem:s25], [sflag:$0xA], $0x10, s15, s19, $0xb8;
	[tilespmem:$0xAF00] =	vst v63  }
0x68: {  	_ =	swait.ge [sflag:s29], $0x800  }
0x69: {  	[sflag:s29] =	ssyncset.done $0x0  }
0x6a: {  	s18 =	simm.s32 $0x2980;
	[sflag:s29] =	ssyncadd.s32 $0xFFFFF800  }
0x6b: {  	[spmem:s2] =	stream.indirect.scatter.add.f32 [tilespmem:s28], [sflag:$0xB], $0x10, s18, s19, $0xb8;
	[tilespmem:$0xAF00] =	vst v63  }
0x6c: {  	_ =	swait.ge [sflag:s1], $0x800  }
0x6d: {  	[sflag:s1] =	ssyncset.done $0x0  }
0x6e: {  	s14 =	simm.s32 $0x2A00;
	[sflag:s1] =	ssyncadd.s32 $0xFFFFF800  }
0x6f: {  	[spmem:s2] =	stream.indirect.scatter.add.f32 [tilespmem:s30], [sflag:$0xC], $0x10, s14, s19, $0xb8;
	[tilespmem:$0xAF00] =	vst v63  }
0x70: {  	_ =	swait.ge [sflag:s3], $0x800  }
0x71: {  	[sflag:s3] =	ssyncset.done $0x0  }
0x72: {  	s15 =	simm.s32 $0x300;
	[sflag:s3] =	ssyncadd.s32 $0xFFFFF800  }
0x73: {  	[tilespmem:s20], [sflag:$0x1] =	stream.indirect.gather [hbm4b:s4+s19], $0x10, s15, s19, $0xb8;
	[tilespmem:$0xAF00] =	vst v63  }
0x74: {  	_ =	swait.ge [sflag:s5], $0x800  }
0x75: {  	[sflag:s5] =	ssyncset.done $0x0  }
0x76: {  	s18 =	simm.s32 $0x380;
	[sflag:s5] =	ssyncadd.s32 $0xFFFFF800  }
0x77: {  	[tilespmem:s21], [sflag:$0x2] =	stream.indirect.gather [hbm4b:s4+s19], $0x10, s18, s19, $0xb8;
	[tilespmem:$0xAF00] =	vst v63  }
0x78: {  	_ =	swait.ge [sflag:s6], $0x800  }
0x79: {  	[sflag:s6] =	ssyncset.done $0x0  }
0x7a: {  	s14 =	simm.s32 $0x400;
	[sflag:s6] =	ssyncadd.s32 $0xFFFFF800  }
0x7b: {  	[tilespmem:s23], [sflag:$0x3] =	stream.indirect.gather [hbm4b:s4+s19], $0x10, s14, s19, $0xb8;
	[tilespmem:$0xAF00] =	vst v63  }
0x7c: {  	_ =	swait.ge [sflag:s7], $0x800  }
0x7d: {  	[sflag:s7] =	ssyncset.done $0x0  }
0x7e: {  	s15 =	simm.s32 $0x480;
	[sflag:s7] =	ssyncadd.s32 $0xFFFFF800  }
0x7f: {  	[tilespmem:s25], [sflag:$0x4] =	stream.indirect.gather [hbm4b:s4+s19], $0x10, s15, s19, $0xb8;
	[tilespmem:$0xAF00] =	vst v63  }
0x80: {  	_ =	swait.ge [sflag:s8], $0x800  }
0x81: {  	[sflag:s8] =	ssyncset.done $0x0  }
0x82: {  	s18 =	simm.s32 $0x500;
	[sflag:s8] =	ssyncadd.s32 $0xFFFFF800  }
0x83: {  	[tilespmem:s28], [sflag:$0x5] =	stream.indirect.gather [hbm4b:s4+s19], $0x10, s18, s19, $0xb8;
	[tilespmem:$0xAF00] =	vst v63  }
0x84: {  	_ =	swait.ge [sflag:s10], $0x800  }
0x85: {  	[sflag:s10] =	ssyncset.done $0x0  }
0x86: {  	s13 =	simm.s32 $0xC00;
	s14 =	simm.s32 $0x580;
	[sflag:s10] =	ssyncadd.s32 $0xFFFFF800  }
.LBB2_4:
0x87: {  	[tilespmem:s30], [sflag:$0x6] =	stream.indirect.gather [hbm4b:s4+s19], $0x10, s14, s19, $0xb8;
	[tilespmem:$0xAF00] =	vst v63  }
0x88: {  	s14 =	smov.u32 s13  }
0x89: {  	p1 =	sne.s32 s13, $0x8400;
	s13 =	sadd.s32 $0xC00, s13;
	_ =	swait.ge [sflag:s16], $0x800  }
0x8a: {  	s14 =	sshra.s32 s14, $0x2;
	[sflag:s16] =	ssyncset.done $0x0  }
0x8b: {  	s15 =	sadd.s32 $0x2780, s14;
	[sflag:s16] =	ssyncadd.s32 $0xFFFFF800  }
0x8c: {  	[spmem:s2] =	stream.indirect.scatter.add.f32 [tilespmem:s20], [sflag:$0x7], $0x10, s15, s19, $0xb8;
	[tilespmem:$0xAF00] =	vst v63  }
0x8d: {  	_ =	swait.ge [sflag:s22], $0x800  }
0x8e: {  	[sflag:s22] =	ssyncset.done $0x0  }
0x8f: {  	s15 =	sadd.s32 $0x2800, s14;
	[sflag:s22] =	ssyncadd.s32 $0xFFFFF800  }
0x90: {  	[spmem:s2] =	stream.indirect.scatter.add.f32 [tilespmem:s21], [sflag:$0x8], $0x10, s15, s19, $0xb8;
	[tilespmem:$0xAF00] =	vst v63  }
0x91: {  	_ =	swait.ge [sflag:s24], $0x800  }
0x92: {  	[sflag:s24] =	ssyncset.done $0x0  }
0x93: {  	s15 =	sadd.s32 $0x2880, s14;
	[sflag:s24] =	ssyncadd.s32 $0xFFFFF800  }
0x94: {  	[spmem:s2] =	stream.indirect.scatter.add.f32 [tilespmem:s23], [sflag:$0x9], $0x10, s15, s19, $0xb8;
	[tilespmem:$0xAF00] =	vst v63  }
0x95: {  	_ =	swait.ge [sflag:s26], $0x800  }
0x96: {  	[sflag:s26] =	ssyncset.done $0x0  }
0x97: {  	s15 =	sadd.s32 $0x2900, s14;
	[sflag:s26] =	ssyncadd.s32 $0xFFFFF800  }
0x98: {  	[spmem:s2] =	stream.indirect.scatter.add.f32 [tilespmem:s25], [sflag:$0xA], $0x10, s15, s19, $0xb8;
	[tilespmem:$0xAF00] =	vst v63  }
0x99: {  	_ =	swait.ge [sflag:s29], $0x800  }
0x9a: {  	[sflag:s29] =	ssyncset.done $0x0  }
0x9b: {  	s15 =	sadd.s32 $0x2980, s14;
	[sflag:s29] =	ssyncadd.s32 $0xFFFFF800  }
0x9c: {  	[spmem:s2] =	stream.indirect.scatter.add.f32 [tilespmem:s28], [sflag:$0xB], $0x10, s15, s19, $0xb8;
	[tilespmem:$0xAF00] =	vst v63  }
0x9d: {  	_ =	swait.ge [sflag:s1], $0x800  }
0x9e: {  	[sflag:s1] =	ssyncset.done $0x0  }
0x9f: {  	s15 =	sadd.s32 $0x2A00, s14;
	[sflag:s1] =	ssyncadd.s32 $0xFFFFF800  }
0xa0: {  	[spmem:s2] =	stream.indirect.scatter.add.f32 [tilespmem:s30], [sflag:$0xC], $0x10, s15, s19, $0xb8;
	[tilespmem:$0xAF00] =	vst v63  }
0xa1: {  	_ =	swait.ge [sflag:s3], $0x800  }
0xa2: {  	[sflag:s3] =	ssyncset.done $0x0  }
0xa3: {  	s15 =	sadd.s32 $0x300, s14;
	[sflag:s3] =	ssyncadd.s32 $0xFFFFF800  }
0xa4: {  	[tilespmem:s20], [sflag:$0x1] =	stream.indirect.gather [hbm4b:s4+s19], $0x10, s15, s19, $0xb8;
	[tilespmem:$0xAF00] =	vst v63  }
0xa5: {  	_ =	swait.ge [sflag:s5], $0x800  }
0xa6: {  	[sflag:s5] =	ssyncset.done $0x0  }
0xa7: {  	s15 =	sadd.s32 $0x380, s14;
	[sflag:s5] =	ssyncadd.s32 $0xFFFFF800  }
0xa8: {  	[tilespmem:s21], [sflag:$0x2] =	stream.indirect.gather [hbm4b:s4+s19], $0x10, s15, s19, $0xb8;
	[tilespmem:$0xAF00] =	vst v63  }
0xa9: {  	_ =	swait.ge [sflag:s6], $0x800  }
0xaa: {  	[sflag:s6] =	ssyncset.done $0x0  }
0xab: {  	s15 =	sadd.s32 $0x400, s14;
	[sflag:s6] =	ssyncadd.s32 $0xFFFFF800  }
0xac: {  	[tilespmem:s23], [sflag:$0x3] =	stream.indirect.gather [hbm4b:s4+s19], $0x10, s15, s19, $0xb8;
	[tilespmem:$0xAF00] =	vst v63  }
0xad: {  	_ =	swait.ge [sflag:s7], $0x800  }
0xae: {  	[sflag:s7] =	ssyncset.done $0x0  }
0xaf: {  	s15 =	sadd.s32 $0x480, s14;
	[sflag:s7] =	ssyncadd.s32 $0xFFFFF800  }
0xb0: {  	[tilespmem:s25], [sflag:$0x4] =	stream.indirect.gather [hbm4b:s4+s19], $0x10, s15, s19, $0xb8;
	[tilespmem:$0xAF00] =	vst v63  }
0xb1: {  	_ =	swait.ge [sflag:s8], $0x800  }
0xb2: {  	[sflag:s8] =	ssyncset.done $0x0  }
.Ltmp1:
0xb3: {  	s15 =	sadd.s32 $0x500, s14;
	[sflag:s8] =	ssyncadd.s32 $0xFFFFF800;
	(pc) =	sbr.rel @p1 .LBB2_4-.Ltmp1, $4  }
0xb4: {  	[tilespmem:s28], [sflag:$0x5] =	stream.indirect.gather [hbm4b:s4+s19], $0x10, s15, s19, $0xb8;
	[tilespmem:$0xAF00] =	vst v63  }
0xb5: {  	_ =	swait.ge [sflag:s10], $0x800  }
0xb6: {  	[sflag:s10] =	ssyncset.done $0x0  }
0xb7: {  	s14 =	sadd.s32 $0x580, s14;
	[sflag:s10] =	ssyncadd.s32 $0xFFFFF800  }
0xb8: {  	[tilespmem:s30], [sflag:$0x6] =	stream.indirect.gather [hbm4b:s4+s19], $0x10, s14, s19, $0xb8;
	[tilespmem:$0xAF00] =	vst v63  }
0xb9: {  	_ =	swait.ge [sflag:s16], $0x800  }
0xba: {  	[sflag:s16] =	ssyncset.done $0x0  }
0xbb: {  	s13 =	simm.s32 $0x4B80;
	[sflag:s16] =	ssyncadd.s32 $0xFFFFF800  }
0xbc: {  	[spmem:s2] =	stream.indirect.scatter.add.f32 [tilespmem:s20], [sflag:$0x7], $0x10, s13, s19, $0xb8;
	[tilespmem:$0xAF00] =	vst v63  }
0xbd: {  	_ =	swait.ge [sflag:s22], $0x800  }
0xbe: {  	[sflag:s22] =	ssyncset.done $0x0  }
0xbf: {  	s15 =	simm.s32 $0x4C00;
	[sflag:s22] =	ssyncadd.s32 $0xFFFFF800  }
0xc0: {  	[spmem:s2] =	stream.indirect.scatter.add.f32 [tilespmem:s21], [sflag:$0x8], $0x10, s15, s19, $0xb8;
	[tilespmem:$0xAF00] =	vst v63  }
0xc1: {  	_ =	swait.ge [sflag:s24], $0x800  }
0xc2: {  	[sflag:s24] =	ssyncset.done $0x0  }
0xc3: {  	s18 =	simm.s32 $0x4C80;
	[sflag:s24] =	ssyncadd.s32 $0xFFFFF800  }
0xc4: {  	[spmem:s2] =	stream.indirect.scatter.add.f32 [tilespmem:s23], [sflag:$0x9], $0x10, s18, s19, $0xb8;
	[tilespmem:$0xAF00] =	vst v63  }
0xc5: {  	_ =	swait.ge [sflag:s26], $0x800  }
0xc6: {  	[sflag:s26] =	ssyncset.done $0x0  }
0xc7: {  	s14 =	simm.s32 $0x4D00;
	[sflag:s26] =	ssyncadd.s32 $0xFFFFF800  }
0xc8: {  	[spmem:s2] =	stream.indirect.scatter.add.f32 [tilespmem:s25], [sflag:$0xA], $0x10, s14, s19, $0xb8;
	[tilespmem:$0xAF00] =	vst v63  }
0xc9: {  	_ =	swait.ge [sflag:s29], $0x800  }
0xca: {  	[sflag:s29] =	ssyncset.done $0x0  }
0xcb: {  	s15 =	simm.s32 $0x4D80;
	[sflag:s29] =	ssyncadd.s32 $0xFFFFF800  }
0xcc: {  	[spmem:s2] =	stream.indirect.scatter.add.f32 [tilespmem:s28], [sflag:$0xB], $0x10, s15, s19, $0xb8;
	[tilespmem:$0xAF00] =	vst v63  }
0xcd: {  	_ =	swait.ge [sflag:s1], $0x800  }
0xce: {  	[sflag:s1] =	ssyncset.done $0x0  }
0xcf: {  	s18 =	simm.s32 $0x4E00;
	[sflag:s1] =	ssyncadd.s32 $0xFFFFF800  }
0xd0: {  	[spmem:s2] =	stream.indirect.scatter.add.f32 [tilespmem:s30], [sflag:$0xC], $0x10, s18, s19, $0xb8;
	[tilespmem:$0xAF00] =	vst v63  }
0xd1: {  	_ =	swait.ge [sflag:s3], $0x800  }
0xd2: {  	[sflag:s3] =	ssyncset.done $0x0  }
0xd3: {  	[sflag:s3] =	ssyncadd.s32 $0xFFFFF800  }
0xd4: {  	_ =	swait.ge [sflag:s5], $0x800  }
0xd5: {  	[sflag:s5] =	ssyncset.done $0x0  }
0xd6: {  	[sflag:s5] =	ssyncadd.s32 $0xFFFFF800  }
0xd7: {  	_ =	swait.ge [sflag:s6], $0x800  }
0xd8: {  	[sflag:s6] =	ssyncset.done $0x0  }
0xd9: {  	[sflag:s6] =	ssyncadd.s32 $0xFFFFF800  }
0xda: {  	_ =	swait.ge [sflag:s7], $0x800  }
0xdb: {  	[sflag:s7] =	ssyncset.done $0x0  }
0xdc: {  	[sflag:s7] =	ssyncadd.s32 $0xFFFFF800  }
0xdd: {  	_ =	swait.ge [sflag:s8], $0x800  }
0xde: {  	[sflag:s8] =	ssyncset.done $0x0  }
0xdf: {  	[sflag:s8] =	ssyncadd.s32 $0xFFFFF800  }
0xe0: {  	_ =	swait.ge [sflag:s10], $0x800  }
0xe1: {  	s13 =	simm.s32 @!p0 $0x80;
	[sflag:s10] =	ssyncset.done $0x0  }
0xe2: {  	s14 =	simm.s32 @!p0 $0x2700;
	s15 =	simm.s32 @!p0 $0x4F00;
	[sflag:s10] =	ssyncadd.s32 $0xFFFFF800  }
0xe3: {  	[tilespmem:s15], [sflag:$0x1] =	stream.indirect.gather @!p0 [hbm4b:s4+s13], $0x10, s14, s13, $0xb8;
	[tilespmem:$0xAF00] =	vst v63  }
0xe4: {  	s14 =	simm.s32 @!p0 $0x1  }
0xe5: {  	_ =	swait.ge @!p0 [sflag:s14], $0x800  }
0xe6: {  	[sflag:s14] =	ssyncset.done @!p0 $0x0  }
0xe7: {  	[sflag:s14] =	ssyncadd.s32 @!p0 $0xFFFFF800;
	s14 =	simm.s32 @!p0 $0x4E80  }
0xe8: {  	[spmem:s2] =	stream.indirect.scatter.add.f32 @!p0 [tilespmem:s15], [sflag:$0x7], $0x10, s14, s13, $0xb8;
	[tilespmem:$0xAF00] =	vst v63  }
0xe9: {  	s13 =	simm.s32 @!p0 $0x7  }
0xea: {  	_ =	swait.ge @!p0 [sflag:s13], $0x800  }
0xeb: {  	[sflag:s13] =	ssyncset.done @!p0 $0x0  }
0xec: {  	s14 =	stileid.u32;
	[sflag:s13] =	ssyncadd.s32 @!p0 $0xFFFFF800  }
0xed: {  	s13 =	sshll.u32 s14, $0x6;
	[bflag:$0x0] =	sbarrier.arrive $0xFFFF  }
0xee: {  	s15 =	sshrl.u32 s9, $0x3;
	s13 =	sor.u32 $0x1C10, s13;
	s18 =	rddreg [dreg:$0xb]  }
0xef: {  	[hbm:s18], [sflag:s13] =	dma.local [spmem:s15], $0x500  }
0xf0: {  	_ =	swait.ge [sflag:s11], $0x500  }
0xf1: {  	s12 =	sadd.s32 $0x1, s12;
	s18 =	rddreg [dreg:$0xc]  }
0xf2: {  	p1 =	sne.s32 s12, s18  }
.Ltmp2:
0xf3: {  	_ = 	snop;
	(pc) =	sbr.rel @p1 .LBB2_1-.Ltmp2, $3  }
0xf4: {  	_ =	sdelay $0x1  }
0xf5: {  	[sflag:s11] =	ssyncset.done $0x0  }
0xf6: {  	[sflag:s11] =	ssyncadd.s32 $0xFFFFFB00  }
0xf7: {  	_ =	sfence.sel $0x180000  }
0xf8: {  	[bflag:$0x0] =	sbarrier.arrive $0xFFFF  }
0xf9: {  	_ =	strace $0x90000047  }
0xfa: {  	s0 =	stileid.u32;
	[bflag:$0x2] =	sbarrier.arrive $0xFFFF  }
0xfb: {  	p0 =	sne.s32 s0, $0x0;
	s0 =	rddreg [dreg:$0x2]  }
0xfc: {  	s0 =	sadd.s32 @!p0 $0x100000, s0  }
0xfd: {  	[sflag:s0] =	ssyncadd.tile.s32 @!p0 $0x1;
	_ =	shalt  }
.Lfunc_end2:
_tile_overlayer_lowered:
.L_overlay_start_2:
0xfe: {  	(tag) =	ssettag $0x2  }
0xff: {  	s0 =	rddreg [dreg:$0x0];
	s2 =	stileid.u32  }
0x100: {  	s1 =	rddreg [dreg:$0x1];
	p0 =	sne.s32 s2, $0x0  }
0x101: {  	s3 =	rddreg [dreg:$0x2];
	[bflag:$0x3] =	sbarrier.arrive $0xFFFF;
	s2 =	simm.s32 @!p0 $0x1C10  }
0x102: {  	[timem:s3], [sflag:s2] =	dma.local @!p0 [hbm:s0], s1  }
0x103: {  	s0 =	simm.s32 @!p0 $0x10  }
0x104: {  	_ =	swait.ge @!p0 [sflag:s0], s1  }
0x105: {  	s1 =	ssub.s32 @!p0 $0x0, s1;
	[sflag:s0] =	ssyncset.done @!p0 $0x0  }
0x106: {  	[sflag:s0] =	ssyncadd.s32 @!p0 s1  }
0x107: {  	[bflag:$0x3] =	sbarrier.arrive $0xFFFF  }
0x108: {  	_ =	shalt  }

</sc_bundles>
